<compile_context>
chip_gen: v7x
topology: tpu7x:2x2x1
jax: 0.10.2.dev20260603
libtpu: 0.0.44.dev20260713+nightly
codegen_flags: <defaults>
</compile_context>

<pallas_src>
import functools

import jax
import jax.numpy as jnp
from jax import lax
from jax.experimental import pallas as pl
from jax.experimental.pallas import tpu as pltpu
from jax.experimental.pallas import tpu_sc as plsc

F32 = jnp.float32
NC = 2
NS = 16
NW = NC * NS


def _prep_body(nf, st, W_v, b_v, W_u, b_u, We1a, We1b, We1d, be1,
               v_o, A_o, B_o, u_o, c_o):
    v = jnp.maximum(jnp.dot(nf[...], W_v[...],
                            preferred_element_type=F32) + b_v[...], 0.0)
    v_o[...] = v
    A_o[...] = jnp.dot(v, We1a[...], preferred_element_type=F32)
    B_o[...] = jnp.dot(v, We1b[...], preferred_element_type=F32)
    u = jnp.maximum(jnp.dot(st[...], W_u[...],
                            preferred_element_type=F32) + b_u[...], 0.0)
    u_o[...] = u
    c_o[...] = jnp.dot(u, We1d[...], preferred_element_type=F32) + be1[...]


def _prep(nf, st, W_v, b_v, W_u, b_u, We1a, We1b, We1d, be1, BN):
    N, D = nf.shape
    grid = (N // BN,)
    row = lambda i: (i, 0)
    fix = lambda i: (0, 0)
    full = lambda i: (0, 0)
    return pl.pallas_call(
        _prep_body,
        grid=grid,
        in_specs=[
            pl.BlockSpec((BN, D), row),
            pl.BlockSpec((1, D), fix),
            pl.BlockSpec((D, D), full),
            pl.BlockSpec((1, D), fix),
            pl.BlockSpec((D, D), full),
            pl.BlockSpec((1, D), fix),
            pl.BlockSpec((D, D), full),
            pl.BlockSpec((D, D), full),
            pl.BlockSpec((D, D), full),
            pl.BlockSpec((1, D), fix),
        ],
        out_specs=[
            pl.BlockSpec((BN, D), row),
            pl.BlockSpec((BN, D), row),
            pl.BlockSpec((BN, D), row),
            pl.BlockSpec((1, D), fix),
            pl.BlockSpec((1, D), fix),
        ],
        out_shape=[
            jax.ShapeDtypeStruct((N, D), F32),
            jax.ShapeDtypeStruct((N, D), F32),
            jax.ShapeDtypeStruct((N, D), F32),
            jax.ShapeDtypeStruct((1, D), F32),
            jax.ShapeDtypeStruct((1, D), F32),
        ],
    )(nf, st, W_v, b_v, W_u, b_u, We1a, We1b, We1d, be1)


def _sc_gather(A, B, src, dst, CHUNK=128):
    N, D = A.shape
    E = src.shape[0]
    EPW = E // NW
    n_full = EPW // CHUNK
    tail = EPW - n_full * CHUNK
    mesh = plsc.VectorSubcoreMesh(core_axis_name="c", subcore_axis_name="s")

    def body(A_hbm, B_hbm, src_hbm, dst_hbm, G_hbm,
             idx_s, idx_d, bufA, bufB, idx_st, idx_dt, bufAt, bufBt, sem):
        wid = lax.axis_index("s") * NC + lax.axis_index("c")
        base_w = wid * EPW

        def do_chunk(base, n, i_s, i_d, bA, bB):
            cpI = pltpu.async_copy(src_hbm.at[pl.ds(base, n)], i_s, sem)
            cpJ = pltpu.async_copy(dst_hbm.at[pl.ds(base, n)], i_d, sem)
            cpI.wait()
            cpJ.wait()
            cpA = pltpu.async_copy(A_hbm.at[i_s], bA, sem)
            cpB = pltpu.async_copy(B_hbm.at[i_d], bB, sem)
            cpA.wait()
            cpB.wait()

            def add_row(r, _):
                for l in range(D // 16):
                    sl = pl.ds(l * 16, 16)
                    bA[r, sl] = bA[r, sl] + bB[r, sl]
                return 0

            lax.fori_loop(0, n, add_row, 0)
            pltpu.sync_copy(bA, G_hbm.at[pl.ds(base, n)])

        def chunk_loop(j, _):
            do_chunk(base_w + j * CHUNK, CHUNK, idx_s, idx_d, bufA, bufB)
            return 0

        lax.fori_loop(0, n_full, chunk_loop, 0)
        if tail:
            do_chunk(base_w + n_full * CHUNK, tail, idx_st, idx_dt, bufAt, bufBt)

    run = pl.kernel(
        body,
        out_type=jax.ShapeDtypeStruct((E, D), F32),
        mesh=mesh,
        scratch_types=[
            pltpu.VMEM((CHUNK,), jnp.int32),
            pltpu.VMEM((CHUNK,), jnp.int32),
            pltpu.VMEM((CHUNK, D), F32),
            pltpu.VMEM((CHUNK, D), F32),
            pltpu.VMEM((max(tail, 8),), jnp.int32),
            pltpu.VMEM((max(tail, 8),), jnp.int32),
            pltpu.VMEM((max(tail, 8), D), F32),
            pltpu.VMEM((max(tail, 8), D), F32),
            pltpu.SemaphoreType.DMA,
        ],
    )
    return run(A, B, src, dst)


def _edge_body(e0, G, W_e, b_e, We1c, c_row, We2, be2,
               oe_o, en_o, esum_o):
    i = pl.program_id(0)
    e = jnp.maximum(jnp.dot(e0[...], W_e[...],
                            preferred_element_type=F32) + b_e[...], 0.0)
    t = jnp.dot(e, We1c[...], preferred_element_type=F32) + G[...] + c_row[...]
    h = jnp.maximum(t, 0.0)
    en = jnp.maximum(jnp.dot(h, We2[...],
                             preferred_element_type=F32) + be2[...], 0.0)
    en_o[...] = en
    oe_o[...] = en + e0[...]

    @pl.when(i == 0)
    def _():
        esum_o[...] = jnp.zeros_like(esum_o)

    esum_o[...] += jnp.sum(en, axis=0, keepdims=True)


def _edge_pass(e0, G, W_e, b_e, We1c, c_row, We2, be2, BE):
    E, D = e0.shape
    grid = (E // BE,)
    row = lambda i: (i, 0)
    fix = lambda i: (0, 0)
    return pl.pallas_call(
        _edge_body,
        grid=grid,
        in_specs=[
            pl.BlockSpec((BE, D), row),
            pl.BlockSpec((BE, D), row),
            pl.BlockSpec((D, D), fix),
            pl.BlockSpec((1, D), fix),
            pl.BlockSpec((D, D), fix),
            pl.BlockSpec((1, D), fix),
            pl.BlockSpec((D, D), fix),
            pl.BlockSpec((1, D), fix),
        ],
        out_specs=[
            pl.BlockSpec((BE, D), row),
            pl.BlockSpec((BE, D), row),
            pl.BlockSpec((1, D), fix),
        ],
        out_shape=[
            jax.ShapeDtypeStruct((E, D), F32),
            jax.ShapeDtypeStruct((E, D), F32),
            jax.ShapeDtypeStruct((1, D), F32),
        ],
    )(e0, G, W_e, b_e, We1c, c_row, We2, be2)


def _sc_common(NP, CHUNK):
    NPS = NP // NS
    n_init = NPS // CHUNK
    init_tail = NPS - n_init * CHUNK
    return NPS, n_init, init_tail


def _mk_helpers(D, CHUNK, NPS, n_init, init_tail, sid, cid, NP):
    def fill(b, val):
        def fr(i, _):
            for l in range(D // 16):
                b[i, pl.ds(l * 16, 16)] = jnp.full((16,), val, F32)
            return 0
        lax.fori_loop(0, CHUNK, fr, 0)

    off0 = sid * NPS + n_init * CHUNK

    def zero_spmem(shS, buf2):
        fill(buf2, 0.0)

        def init_blk(k, _):
            pltpu.sync_copy(buf2,
                            shS.at[pl.ds(sid * NPS + k * CHUNK, CHUNK)])
            return 0
        lax.fori_loop(0, n_init, init_blk, 0)
        if init_tail:
            pltpu.sync_copy(buf2.at[pl.ds(0, init_tail)],
                            shS.at[pl.ds(off0, init_tail)])

    def writeout(shS, buf2, out_ref):
        def out_blk(k, _):
            off = sid * NPS + k * CHUNK
            pltpu.sync_copy(shS.at[pl.ds(off, CHUNK)], buf2)
            pltpu.sync_copy(buf2, out_ref.at[pl.ds(cid * NP + off, CHUNK)])
            return 0
        lax.fori_loop(0, n_init, out_blk, 0)
        if init_tail:
            pltpu.sync_copy(shS.at[pl.ds(off0, init_tail)],
                            buf2.at[pl.ds(0, init_tail)])
            pltpu.sync_copy(buf2.at[pl.ds(0, init_tail)],
                            out_ref.at[pl.ds(cid * NP + off0, init_tail)])

    return fill, zero_spmem, writeout


def _sc_sums(e_new, dst, NP, CHUNK=80):
    E, D = e_new.shape
    EPW = E // NW
    n_full = EPW // CHUNK
    tail = EPW - n_full * CHUNK
    TB = max(tail, 8)
    NPS, n_init, init_tail = _sc_common(NP, CHUNK)
    mesh = plsc.VectorSubcoreMesh(core_axis_name="c", subcore_axis_name="s")

    def body(en_hbm, dst_hbm, S_hbm, shS, buf, buf2, idx, buf_t, idx_t, sem):
        cid = lax.axis_index("c")
        sid = lax.axis_index("s")
        wid = sid * NC + cid
        base_w = wid * EPW
        fill, zero_spmem, writeout = _mk_helpers(
            D, CHUNK, NPS, n_init, init_tail, sid, cid, NP)

        zero_spmem(shS, buf2)
        plsc.subcore_barrier()

        def chunkA(j, _):
            base = base_w + j * CHUNK
            cpI = pltpu.async_copy(dst_hbm.at[pl.ds(base, CHUNK)], idx, sem)
            cpB = pltpu.async_copy(en_hbm.at[pl.ds(base, CHUNK)], buf, sem)
            cpI.wait()
            cpB.wait()
            pltpu.sync_copy(buf, shS.at[idx], add=True)
            return 0
        lax.fori_loop(0, n_full, chunkA, 0)
        if tail:
            base = base_w + n_full * CHUNK
            cpI = pltpu.async_copy(dst_hbm.at[pl.ds(base, tail)], idx_t, sem)
            cpB = pltpu.async_copy(en_hbm.at[pl.ds(base, tail)], buf_t, sem)
            cpI.wait()
            cpB.wait()
            pltpu.sync_copy(buf_t, shS.at[idx_t], add=True)
        plsc.subcore_barrier()
        writeout(shS, buf2, S_hbm)

    run = pl.kernel(
        body,
        out_type=jax.ShapeDtypeStruct((NC * NP, D), F32),
        mesh=mesh,
        scratch_types=[
            pltpu.VMEM_SHARED((NP, D), F32),
            pltpu.VMEM((CHUNK, D), F32),
            pltpu.VMEM((CHUNK, D), F32),
            pltpu.VMEM((CHUNK,), jnp.int32),
            pltpu.VMEM((TB, D), F32),
            pltpu.VMEM((TB,), jnp.int32),
            pltpu.SemaphoreType.DMA,
        ],
    )
    return run(e_new, dst)


def _sc_counts(dst, E, NP, CHUNK=80):
    D = 128
    EPW = E // NW
    n_full = EPW // CHUNK
    NPS, n_init, init_tail = _sc_common(NP, CHUNK)
    mesh = plsc.VectorSubcoreMesh(core_axis_name="c", subcore_axis_name="s")

    def body(dst_hbm, C_hbm, shS, buf, buf2, idx, sem):
        cid = lax.axis_index("c")
        sid = lax.axis_index("s")
        wid = sid * NC + cid
        base_w = wid * EPW
        fill, zero_spmem, writeout = _mk_helpers(
            D, CHUNK, NPS, n_init, init_tail, sid, cid, NP)

        zero_spmem(shS, buf2)
        fill(buf, 1.0)
        plsc.subcore_barrier()

        def chunkB(j, _):
            base = base_w + j * CHUNK
            pltpu.sync_copy(dst_hbm.at[pl.ds(base, CHUNK)], idx)
            pltpu.sync_copy(buf, shS.at[idx], add=True)
            return 0
        lax.fori_loop(0, n_full, chunkB, 0)
        plsc.subcore_barrier()
        writeout(shS, buf2, C_hbm)

    run = pl.kernel(
        body,
        out_type=jax.ShapeDtypeStruct((NC * NP, D), F32),
        mesh=mesh,
        scratch_types=[
            pltpu.VMEM_SHARED((NP, D), F32),
            pltpu.VMEM((CHUNK, D), F32),
            pltpu.VMEM((CHUNK, D), F32),
            pltpu.VMEM((CHUNK,), jnp.int32),
            pltpu.SemaphoreType.DMA,
        ],
    )
    return run(dst)


def _finish_body(S, C16, v, nf, u, st, esum,
                 Wn1a, Wn1b, Wn1c, bn1, Wn2, bn2,
                 Ws1a, Ws1b, Ws1c, bs1, Ws2, bs2,
                 inv_e, inv_n,
                 ov_o, ou_o, vsum):
    i = pl.program_id(0)
    n_blocks = pl.num_programs(0)
    s = jnp.sum(S[...], axis=0)
    cnt2 = C16[0] + C16[1]
    cnt = cnt2[:, 0:1]
    ve = s / jnp.maximum(cnt, 1.0)
    pre = (jnp.dot(v[...], Wn1a[...], preferred_element_type=F32)
           + jnp.dot(ve, Wn1b[...], preferred_element_type=F32)
           + jnp.dot(u[...], Wn1c[...], preferred_element_type=F32)
           + bn1[...])
    h = jnp.maximum(pre, 0.0)
    vn = jnp.maximum(jnp.dot(h, Wn2[...],
                             preferred_element_type=F32) + bn2[...], 0.0)
    ov_o[...] = vn + nf[...]

    @pl.when(i == 0)
    def _():
        vsum[...] = jnp.zeros_like(vsum)

    vsum[...] += jnp.sum(vn, axis=0, keepdims=True)

    @pl.when(i == n_blocks - 1)
    def _():
        u_edge = esum[...] * inv_e[0]
        u_vertex = vsum[...] * inv_n[0]
        spre = (jnp.dot(u[...], Ws1a[...], preferred_element_type=F32)
                + jnp.dot(u_edge, Ws1b[...], preferred_element_type=F32)
                + jnp.dot(u_vertex, Ws1c[...], preferred_element_type=F32)
                + bs1[...])
        h2 = jnp.maximum(spre, 0.0)
        un = jnp.maximum(jnp.dot(h2, Ws2[...],
                                 preferred_element_type=F32) + bs2[...], 0.0)
        ou_o[...] = un + st[...]


def _finish(S, C16, v, nf, u, st, esum,
            Wn1a, Wn1b, Wn1c, bn1, Wn2, bn2,
            Ws1a, Ws1b, Ws1c, bs1, Ws2, bs2, E, BN):
    N, D = nf.shape
    KS = S.shape[0]
    CW = C16.shape[-1]
    grid = (N // BN,)
    row = lambda i: (i, 0)
    row3 = lambda i: (0, i, 0)
    fix = lambda i: (0, 0)
    inv_e = jnp.full((1,), 1.0 / E, F32)
    inv_n = jnp.full((1,), 1.0 / N, F32)
    return pl.pallas_call(
        _finish_body,
        grid=grid,
        in_specs=[
            pl.BlockSpec((KS, BN, D), row3),
            pl.BlockSpec((2, BN, CW), row3),
            pl.BlockSpec((BN, D), row),
            pl.BlockSpec((BN, D), row),
            pl.BlockSpec((1, D), fix),
            pl.BlockSpec((1, D), fix),
            pl.BlockSpec((1, D), fix),
            pl.BlockSpec((D, D), fix),
            pl.BlockSpec((D, D), fix),
            pl.BlockSpec((D, D), fix),
            pl.BlockSpec((1, D), fix),
            pl.BlockSpec((D, D), fix),
            pl.BlockSpec((1, D), fix),
            pl.BlockSpec((D, D), fix),
            pl.BlockSpec((D, D), fix),
            pl.BlockSpec((D, D), fix),
            pl.BlockSpec((1, D), fix),
            pl.BlockSpec((D, D), fix),
            pl.BlockSpec((1, D), fix),
            pl.BlockSpec(memory_space=pltpu.SMEM),
            pl.BlockSpec(memory_space=pltpu.SMEM),
        ],
        out_specs=[
            pl.BlockSpec((BN, D), row),
            pl.BlockSpec((1, D), fix),
        ],
        out_shape=[
            jax.ShapeDtypeStruct((N, D), F32),
            jax.ShapeDtypeStruct((1, D), F32),
        ],
        scratch_shapes=[pltpu.VMEM((1, D), F32)],
    )(S, C16, v, nf, u, st, esum,
      Wn1a, Wn1b, Wn1c, bn1, Wn2, bn2,
      Ws1a, Ws1b, Ws1c, bs1, Ws2, bs2, inv_e, inv_n)


def kernel(edge_feat, node_feat, state_attr, edge_index,
           W_e, b_e, W_v, b_v, W_u, b_u,
           We1, be1, We2, be2,
           Wn1, bn1, Wn2, bn2,
           Ws1, bs1, Ws2, bs2):
    E, D = edge_feat.shape
    N = node_feat.shape[0]
    src = edge_index[0]
    dst = edge_index[1]

    We1a, We1b = We1[0:D], We1[D:2 * D]
    We1c, We1d = We1[2 * D:3 * D], We1[3 * D:4 * D]
    Wn1a, Wn1b, Wn1c = Wn1[0:D], Wn1[D:2 * D], Wn1[2 * D:3 * D]
    Ws1a, Ws1b, Ws1c = Ws1[0:D], Ws1[D:2 * D], Ws1[2 * D:3 * D]
    r = lambda x: x.reshape(1, D)

    v, A, B, u, c_row = _prep(node_feat, state_attr, W_v, r(b_v), W_u, r(b_u),
                              We1a, We1b, We1d, r(be1), BN=1000)
    NP = ((N + NS * 8 - 1) // (NS * 8)) * (NS * 8)
    G = _sc_gather(A, B, src, dst)
    C = _sc_counts(dst, E, NP)
    out_e, e_new, e_sum = _edge_pass(edge_feat, G, W_e, r(b_e), We1c,
                                     c_row, We2, r(be2), BE=4000)
    S = _sc_sums(e_new, dst, NP)
    S = S.reshape(NC, NP, D)
    C16 = C.reshape(NC, NP, D)
    out_v, out_u = _finish(S, C16, v, node_feat, u, state_attr, e_sum,
                           Wn1a, Wn1b, Wn1c, r(bn1), Wn2, r(bn2),
                           Ws1a, Ws1b, Ws1c, r(bs1), Ws2, r(bs2),
                           E=E, BN=1000)
    return out_e, out_v, out_u

# --- scband reference (transcript-rebuilt; emitter-appended) ---
"""Pipeline reference for scband-megnet-block-13752485282409 (READ-ONLY COPY).

The authoritative reference and input builder live on the scoring server;
editing this copy changes nothing except your own understanding.
"""

import jax, jax.numpy as jnp
import numpy as np

N = 10000
E = 320000
D = 128


def setup_inputs(seed: int = 0) -> dict:
    key = jax.random.key(seed)
    ks = jax.random.split(key, 32)

    def w(i, shape):
        return jax.random.normal(ks[i], shape, dtype=jnp.float32) * 0.05

    inp = {}
    inp['edge_feat'] = jax.random.normal(ks[0], (E, D), dtype=jnp.float32)
    inp['node_feat'] = jax.random.normal(ks[1], (N, D), dtype=jnp.float32)
    inp['state_attr'] = jax.random.normal(ks[2], (1, D), dtype=jnp.float32)
    inp['edge_index'] = jax.random.randint(ks[3], (2, E), 0, N, dtype=jnp.int32)
    # dense pre-blocks (MLP dims=[128,128], activate_last=True)
    inp['W_e'] = w(4, (D, D)); inp['b_e'] = jnp.zeros((D,), jnp.float32)
    inp['W_v'] = w(5, (D, D)); inp['b_v'] = jnp.zeros((D,), jnp.float32)
    inp['W_u'] = w(6, (D, D)); inp['b_u'] = jnp.zeros((D,), jnp.float32)
    # conv edge MLP: [4D, 128, 128]
    inp['We1'] = w(7, (4 * D, D)); inp['be1'] = jnp.zeros((D,), jnp.float32)
    inp['We2'] = w(8, (D, D)); inp['be2'] = jnp.zeros((D,), jnp.float32)
    # conv node MLP: [3D, 128, 128]
    inp['Wn1'] = w(9, (3 * D, D)); inp['bn1'] = jnp.zeros((D,), jnp.float32)
    inp['Wn2'] = w(10, (D, D)); inp['bn2'] = jnp.zeros((D,), jnp.float32)
    # conv state MLP: [3D, 128, 128]
    inp['Ws1'] = w(11, (3 * D, D)); inp['bs1'] = jnp.zeros((D,), jnp.float32)
    inp['Ws2'] = w(12, (D, D)); inp['bs2'] = jnp.zeros((D,), jnp.float32)
    return inp


def reference(edge_feat, node_feat, state_attr, edge_index,
              W_e, b_e, W_v, b_v, W_u, b_u,
              We1, be1, We2, be2,
              Wn1, bn1, Wn2, bn2,
              Ws1, bs1, Ws2, bs2):
    n_nodes = node_feat.shape[0]
    n_edges = edge_feat.shape[0]
    e0, v0, u0 = edge_feat, node_feat, state_attr
    # dense pre-blocks with activate_last=True (relu)
    e = jax.nn.relu(edge_feat @ W_e + b_e)
    v = jax.nn.relu(node_feat @ W_v + b_v)
    u = jax.nn.relu(state_attr @ W_u + b_u)  # [1, D]
    src = edge_index[0]
    dst = edge_index[1]
    # edge update: hstack([v_src, v_dst, e_ij, u]) -> MLP
    u_edges = jnp.broadcast_to(u, (n_edges, u.shape[-1]))
    edge_in = jnp.concatenate([v[src], v[dst], e, u_edges], axis=1)
    e_new = jax.nn.relu(jax.nn.relu(edge_in @ We1 + be1) @ We2 + be2)
    # node update: mean of incoming edge messages at dst
    sums = jax.ops.segment_sum(e_new, dst, num_segments=n_nodes)
    cnt = jax.ops.segment_sum(jnp.ones((n_edges,), jnp.float32), dst, num_segments=n_nodes)
    ve = sums / jnp.maximum(cnt, 1.0)[:, None]
    u_nodes = jnp.broadcast_to(u, (n_nodes, u.shape[-1]))
    node_in = jnp.concatenate([v, ve, u_nodes], axis=1)
    v_new = jax.nn.relu(jax.nn.relu(node_in @ Wn1 + bn1) @ Wn2 + bn2)
    # state update: readout means of edges and nodes
    u_edge = jnp.mean(e_new, axis=0)
    u_vertex = jnp.mean(v_new, axis=0)
    state_in = jnp.concatenate([jnp.squeeze(u), u_edge, u_vertex], axis=0)
    u_new = jax.nn.relu(jax.nn.relu(state_in @ Ws1 + bs1) @ Ws2 + bs2)
    # skip connections (dropout=None)
    return (e_new + e0, v_new + v0, u_new + u0)


if False:  # reference __main__ guard neutralized (emitter)
    out = reference(**setup_inputs())
    print([o.shape for o in out])

if __name__ == "__main__":
    import jax
    _d = setup_inputs()
    print(jax.jit(kernel)(*tuple(_d.values())))

</pallas_src>

<mosaic_0001>
#map = affine_map<(d0, d1) -> (0, 0)>
#map1 = affine_map<(d0, d1) -> (0)>
module attributes {stable_mosaic.version = 14 : i64} {
  func.func @body(%arg0: i32, %arg1: i32, %arg2: memref<320000x128xf32, #tpu.memory_space<hbm>>, %arg3: memref<320000xi32, #tpu.memory_space<hbm>>, %arg4: memref<20224x128xf32, #tpu.memory_space<hbm>>, %arg5: memref<10112x128xf32, #tpu.memory_space<vmem_shared>>, %arg6: memref<80x128xf32, #tpu.memory_space<vmem>>, %arg7: memref<80x128xf32, #tpu.memory_space<vmem>>, %arg8: memref<80xi32, #tpu.memory_space<vmem>>, %arg9: memref<8x128xf32, #tpu.memory_space<vmem>>, %arg10: memref<8xi32, #tpu.memory_space<vmem>>, %arg11: memref<!tpu.dma_semaphore, #tpu.memory_space<semaphore_mem>>) attributes {dimension_semantics = [#tpu.dimension_semantics<core_parallel>, #tpu.dimension_semantics<subcore_parallel>], iteration_bounds = array<i64: 2, 16>, scalar_prefetch = 0 : i64, scratch_operands = 7 : i64, tpu.core_type = #tpu.core_type<sc_vector_subcore>, window_params = [{transform_indices = #map}, {transform_indices = #map1}, {transform_indices = #map}]} {
    %mul3A = arith.constant 2 : i32
    %mul3A_0 = arith.muli %arg1, %mul3A : i32
    %add3A = arith.addi %mul3A_0, %arg0 : i32
    %mul3A_1 = arith.constant 10000 : i32
    %mul3A_2 = arith.muli %add3A, %mul3A_1 : i32
    %mul3A_3 = arith.constant 632 : i32
    %mul3A_4 = arith.muli %arg1, %mul3A_3 : i32
    %add3A_5 = arith.constant 560 : i32
    %add3A_6 = arith.addi %mul3A_4, %add3A_5 : i32
    %scan3A = arith.constant 0 : i32
    %scan3A_7 = arith.constant 0 : i32
    %scan3A_8 = arith.constant 80 : i32
    %scan3A_9 = arith.addi %scan3A_7, %scan3A_8 : i32
    %scan3A_10 = arith.constant 1 : i32
    %scan3A_11 = scf.for %scan3A_38 = %scan3A_7 to %scan3A_9 step %scan3A_10 iter_args(%scan3A_39 = %scan3A) -> (i32)  : i32 {
      %broadcast_in_dim3A = arith.constant 0.000000e+00 : f32
      %broadcast_in_dim3A_40 = vector.broadcast %broadcast_in_dim3A : f32 to vector<16xf32>
      %swap3A = arith.index_cast %scan3A_38 : i32 to index
      %swap3A_41 = arith.constant 0 : index
      %swap3A_42 = tpu.vector_load %arg7[%swap3A, %swap3A_41] {strides = array<i32>} : memref<80x128xf32, #tpu.memory_space<vmem>>, vector<1x16xf32>,
      %swap3A_43 = vector.shape_cast %swap3A_42 : vector<1x16xf32> to vector<16xf32>
      %swap3A_44 = vector.shape_cast %broadcast_in_dim3A_40 : vector<16xf32> to vector<1x16xf32>
      tpu.vector_store %arg7[%swap3A, %swap3A_41], %swap3A_44 {strides = array<i32>} : memref<80x128xf32, #tpu.memory_space<vmem>>, vector<1x16xf32>,
      %broadcast_in_dim3A_45 = arith.constant 0.000000e+00 : f32
      %broadcast_in_dim3A_46 = vector.broadcast %broadcast_in_dim3A_45 : f32 to vector<16xf32>
      %swap3A_47 = arith.index_cast %scan3A_38 : i32 to index
      %swap3A_48 = arith.constant 16 : index
      %swap3A_49 = tpu.vector_load %arg7[%swap3A_47, %swap3A_48] {strides = array<i32>} : memref<80x128xf32, #tpu.memory_space<vmem>>, vector<1x16xf32>,
      %swap3A_50 = vector.shape_cast %swap3A_49 : vector<1x16xf32> to vector<16xf32>
      %swap3A_51 = vector.shape_cast %broadcast_in_dim3A_46 : vector<16xf32> to vector<1x16xf32>
      tpu.vector_store %arg7[%swap3A_47, %swap3A_48], %swap3A_51 {strides = array<i32>} : memref<80x128xf32, #tpu.memory_space<vmem>>, vector<1x16xf32>,
      %broadcast_in_dim3A_52 = arith.constant 0.000000e+00 : f32
      %broadcast_in_dim3A_53 = vector.broadcast %broadcast_in_dim3A_52 : f32 to vector<16xf32>
      %swap3A_54 = arith.index_cast %scan3A_38 : i32 to index
      %swap3A_55 = arith.constant 32 : index
      %swap3A_56 = tpu.vector_load %arg7[%swap3A_54, %swap3A_55] {strides = array<i32>} : memref<80x128xf32, #tpu.memory_space<vmem>>, vector<1x16xf32>,
      %swap3A_57 = vector.shape_cast %swap3A_56 : vector<1x16xf32> to vector<16xf32>
      %swap3A_58 = vector.shape_cast %broadcast_in_dim3A_53 : vector<16xf32> to vector<1x16xf32>
      tpu.vector_store %arg7[%swap3A_54, %swap3A_55], %swap3A_58 {strides = array<i32>} : memref<80x128xf32, #tpu.memory_space<vmem>>, vector<1x16xf32>,
      %broadcast_in_dim3A_59 = arith.constant 0.000000e+00 : f32
      %broadcast_in_dim3A_60 = vector.broadcast %broadcast_in_dim3A_59 : f32 to vector<16xf32>
      %swap3A_61 = arith.index_cast %scan3A_38 : i32 to index
      %swap3A_62 = arith.constant 48 : index
      %swap3A_63 = tpu.vector_load %arg7[%swap3A_61, %swap3A_62] {strides = array<i32>} : memref<80x128xf32, #tpu.memory_space<vmem>>, vector<1x16xf32>,
      %swap3A_64 = vector.shape_cast %swap3A_63 : vector<1x16xf32> to vector<16xf32>
      %swap3A_65 = vector.shape_cast %broadcast_in_dim3A_60 : vector<16xf32> to vector<1x16xf32>
      tpu.vector_store %arg7[%swap3A_61, %swap3A_62], %swap3A_65 {strides = array<i32>} : memref<80x128xf32, #tpu.memory_space<vmem>>, vector<1x16xf32>,
      %broadcast_in_dim3A_66 = arith.constant 0.000000e+00 : f32
      %broadcast_in_dim3A_67 = vector.broadcast %broadcast_in_dim3A_66 : f32 to vector<16xf32>
      %swap3A_68 = arith.index_cast %scan3A_38 : i32 to index
      %swap3A_69 = arith.constant 64 : index
      %swap3A_70 = tpu.vector_load %arg7[%swap3A_68, %swap3A_69] {strides = array<i32>} : memref<80x128xf32, #tpu.memory_space<vmem>>, vector<1x16xf32>,
      %swap3A_71 = vector.shape_cast %swap3A_70 : vector<1x16xf32> to vector<16xf32>
      %swap3A_72 = vector.shape_cast %broadcast_in_dim3A_67 : vector<16xf32> to vector<1x16xf32>
      tpu.vector_store %arg7[%swap3A_68, %swap3A_69], %swap3A_72 {strides = array<i32>} : memref<80x128xf32, #tpu.memory_space<vmem>>, vector<1x16xf32>,
      %broadcast_in_dim3A_73 = arith.constant 0.000000e+00 : f32
      %broadcast_in_dim3A_74 = vector.broadcast %broadcast_in_dim3A_73 : f32 to vector<16xf32>
      %swap3A_75 = arith.index_cast %scan3A_38 : i32 to index
      %swap3A_76 = arith.constant 80 : index
      %swap3A_77 = tpu.vector_load %arg7[%swap3A_75, %swap3A_76] {strides = array<i32>} : memref<80x128xf32, #tpu.memory_space<vmem>>, vector<1x16xf32>,
      %swap3A_78 = vector.shape_cast %swap3A_77 : vector<1x16xf32> to vector<16xf32>
      %swap3A_79 = vector.shape_cast %broadcast_in_dim3A_74 : vector<16xf32> to vector<1x16xf32>
      tpu.vector_store %arg7[%swap3A_75, %swap3A_76], %swap3A_79 {strides = array<i32>} : memref<80x128xf32, #tpu.memory_space<vmem>>, vector<1x16xf32>,
      %broadcast_in_dim3A_80 = arith.constant 0.000000e+00 : f32
      %broadcast_in_dim3A_81 = vector.broadcast %broadcast_in_dim3A_80 : f32 to vector<16xf32>
      %swap3A_82 = arith.index_cast %scan3A_38 : i32 to index
      %swap3A_83 = arith.constant 96 : index
      %swap3A_84 = tpu.vector_load %arg7[%swap3A_82, %swap3A_83] {strides = array<i32>} : memref<80x128xf32, #tpu.memory_space<vmem>>, vector<1x16xf32>,
      %swap3A_85 = vector.shape_cast %swap3A_84 : vector<1x16xf32> to vector<16xf32>
      %swap3A_86 = vector.shape_cast %broadcast_in_dim3A_81 : vector<16xf32> to vector<1x16xf32>
      tpu.vector_store %arg7[%swap3A_82, %swap3A_83], %swap3A_86 {strides = array<i32>} : memref<80x128xf32, #tpu.memory_space<vmem>>, vector<1x16xf32>,
      %broadcast_in_dim3A_87 = arith.constant 0.000000e+00 : f32
      %broadcast_in_dim3A_88 = vector.broadcast %broadcast_in_dim3A_87 : f32 to vector<16xf32>
      %swap3A_89 = arith.index_cast %scan3A_38 : i32 to index
      %swap3A_90 = arith.constant 112 : index
      %swap3A_91 = tpu.vector_load %arg7[%swap3A_89, %swap3A_90] {strides = array<i32>} : memref<80x128xf32, #tpu.memory_space<vmem>>, vector<1x16xf32>,
      %swap3A_92 = vector.shape_cast %swap3A_91 : vector<1x16xf32> to vector<16xf32>
      %swap3A_93 = vector.shape_cast %broadcast_in_dim3A_88 : vector<16xf32> to vector<1x16xf32>
      tpu.vector_store %arg7[%swap3A_89, %swap3A_90], %swap3A_93 {strides = array<i32>} : memref<80x128xf32, #tpu.memory_space<vmem>>, vector<1x16xf32>,
      %scan3A_94 = arith.constant 0 : i32
      scf.yield %scan3A_94 : i32
    }
    %scan3A_12 = arith.constant 80 : i32
    %scan3A_13 = arith.constant 0 : i32
    %scan3A_14 = arith.constant 0 : i32
    %scan3A_15 = arith.constant 7 : i32
    %scan3A_16 = arith.addi %scan3A_14, %scan3A_15 : i32
    %scan3A_17 = arith.constant 1 : i32
    %scan3A_18 = scf.for %scan3A_38 = %scan3A_14 to %scan3A_16 step %scan3A_17 iter_args(%scan3A_39 = %scan3A_13) -> (i32)  : i32 {
      %mul3A_40 = arith.constant 632 : i32
      %mul3A_41 = arith.muli %arg1, %mul3A_40 : i32
      %mul3A_42 = arith.constant 80 : i32
      %mul3A_43 = arith.muli %scan3A_38, %mul3A_42 : i32
      %add3A_44 = arith.addi %mul3A_41, %mul3A_43 : i32
      "tpu.region"() ({
        %run_scoped3A = tpu.sem_alloc : memref<!tpu.dma_semaphore, #tpu.memory_space<semaphore_mem>>
        %dma_start3A = arith.constant 0 : i32
        %dma_start3A_46 = tpu.memref_slice %arg5[%add3A_44, %dma_start3A] : memref<10112x128xf32, #tpu.memory_space<vmem_shared>> -> memref<80x128xf32, #tpu.memory_space<vmem_shared>>
        %dma_start3A_47 = arith.constant 0 : i32
        %dma_start3A_48 = tpu.memref_slice %arg5[%add3A_44, %dma_start3A_47] : memref<10112x128xf32, #tpu.memory_space<vmem_shared>> -> memref<80x128xf32, #tpu.memory_space<vmem_shared>>
        tpu.enqueue_dma source(%arg7 : memref<80x128xf32, #tpu.memory_space<vmem>>) target(%dma_start3A_48 : memref<80x128xf32, #tpu.memory_space<vmem_shared>>) target_semaphore(%run_scoped3A : memref<!tpu.dma_semaphore, #tpu.memory_space<semaphore_mem>>)
        %dma_wait3A = arith.constant 0 : i32
        %dma_wait3A_49 = tpu.memref_slice %arg5[%add3A_44, %dma_wait3A] : memref<10112x128xf32, #tpu.memory_space<vmem_shared>> -> memref<80x128xf32, #tpu.memory_space<vmem_shared>>
        %dma_wait3A_50 = arith.constant 0 : i32
        %dma_wait3A_51 = tpu.memref_slice %arg5[%add3A_44, %dma_wait3A_50] : memref<10112x128xf32, #tpu.memory_space<vmem_shared>> -> memref<80x128xf32, #tpu.memory_space<vmem_shared>>
        tpu.wait_dma2 semaphore(%run_scoped3A : memref<!tpu.dma_semaphore, #tpu.memory_space<semaphore_mem>>) src(%arg7 : memref<80x128xf32, #tpu.memory_space<vmem>>) dst(%dma_wait3A_51 : memref<80x128xf32, #tpu.memory_space<vmem_shared>>)
        tpu.yield
      }) : () -> ()
      %scan3A_45 = arith.constant 0 : i32
      scf.yield %scan3A_45 : i32
    }
    %scan3A_19 = arith.constant 7 : i32
    "tpu.region"() ({
      %run_scoped3A = tpu.sem_alloc : memref<!tpu.dma_semaphore, #tpu.memory_space<semaphore_mem>>
      %dma_start3A = arith.constant 0 : i32
      %dma_start3A_38 = arith.constant 0 : i32
      %dma_start3A_39 = tpu.memref_slice %arg7[%dma_start3A, %dma_start3A_38] : memref<80x128xf32, #tpu.memory_space<vmem>> -> memref<72x128xf32, #tpu.memory_space<vmem>>
      %dma_start3A_40 = arith.constant 0 : i32
      %dma_start3A_41 = tpu.memref_slice %arg5[%add3A_6, %dma_start3A_40] : memref<10112x128xf32, #tpu.memory_space<vmem_shared>> -> memref<72x128xf32, #tpu.memory_space<vmem_shared>>
      %dma_start3A_42 = arith.constant 0 : i32
      %dma_start3A_43 = tpu.memref_slice %arg5[%add3A_6, %dma_start3A_42] : memref<10112x128xf32, #tpu.memory_space<vmem_shared>> -> memref<72x128xf32, #tpu.memory_space<vmem_shared>>
      %dma_start3A_44 = arith.constant 0 : i32
      %dma_start3A_45 = arith.constant 0 : i32
      %dma_start3A_46 = tpu.memref_slice %arg7[%dma_start3A_44, %dma_start3A_45] : memref<80x128xf32, #tpu.memory_space<vmem>> -> memref<72x128xf32, #tpu.memory_space<vmem>>
      tpu.enqueue_dma source(%dma_start3A_46 : memref<72x128xf32, #tpu.memory_space<vmem>>) target(%dma_start3A_43 : memref<72x128xf32, #tpu.memory_space<vmem_shared>>) target_semaphore(%run_scoped3A : memref<!tpu.dma_semaphore, #tpu.memory_space<semaphore_mem>>)
      %dma_wait3A = arith.constant 0 : i32
      %dma_wait3A_47 = arith.constant 0 : i32
      %dma_wait3A_48 = tpu.memref_slice %arg7[%dma_wait3A, %dma_wait3A_47] : memref<80x128xf32, #tpu.memory_space<vmem>> -> memref<72x128xf32, #tpu.memory_space<vmem>>
      %dma_wait3A_49 = arith.constant 0 : i32
      %dma_wait3A_50 = tpu.memref_slice %arg5[%add3A_6, %dma_wait3A_49] : memref<10112x128xf32, #tpu.memory_space<vmem_shared>> -> memref<72x128xf32, #tpu.memory_space<vmem_shared>>
      %dma_wait3A_51 = arith.constant 0 : i32
      %dma_wait3A_52 = tpu.memref_slice %arg5[%add3A_6, %dma_wait3A_51] : memref<10112x128xf32, #tpu.memory_space<vmem_shared>> -> memref<72x128xf32, #tpu.memory_space<vmem_shared>>
      %dma_wait3A_53 = arith.constant 0 : i32
      %dma_wait3A_54 = arith.constant 0 : i32
      %dma_wait3A_55 = tpu.memref_slice %arg7[%dma_wait3A_53, %dma_wait3A_54] : memref<80x128xf32, #tpu.memory_space<vmem>> -> memref<72x128xf32, #tpu.memory_space<vmem>>
      tpu.wait_dma2 semaphore(%run_scoped3A : memref<!tpu.dma_semaphore, #tpu.memory_space<semaphore_mem>>) src(%dma_wait3A_55 : memref<72x128xf32, #tpu.memory_space<vmem>>) dst(%dma_wait3A_52 : memref<72x128xf32, #tpu.memory_space<vmem_shared>>)
      tpu.yield
    }) : () -> ()
    %barrier3A = arith.constant 0 : index
    tpu.barrier barrier_id(%barrier3A)
    %scan3A_20 = arith.constant 0 : i32
    %scan3A_21 = arith.constant 0 : i32
    %scan3A_22 = arith.constant 125 : i32
    %scan3A_23 = arith.addi %scan3A_21, %scan3A_22 : i32
    %scan3A_24 = arith.constant 1 : i32
    %scan3A_25 = scf.for %scan3A_38 = %scan3A_21 to %scan3A_23 step %scan3A_24 iter_args(%scan3A_39 = %scan3A_20) -> (i32)  : i32 {
      %mul3A_40 = arith.constant 80 : i32
      %mul3A_41 = arith.muli %scan3A_38, %mul3A_40 : i32
      %add3A_42 = arith.addi %mul3A_2, %mul3A_41 : i32
      %dma_start3A = tpu.memref_slice %arg3[%add3A_42] : memref<320000xi32, #tpu.memory_space<hbm>> -> memref<80xi32, #tpu.memory_space<hbm>>
      %dma_start3A_43 = tpu.memref_slice %arg3[%add3A_42] : memref<320000xi32, #tpu.memory_space<hbm>> -> memref<80xi32, #tpu.memory_space<hbm>>
      tpu.enqueue_dma source(%dma_start3A_43 : memref<80xi32, #tpu.memory_space<hbm>>) target(%arg8 : memref<80xi32, #tpu.memory_space<vmem>>) target_semaphore(%arg11 : memref<!tpu.dma_semaphore, #tpu.memory_space<semaphore_mem>>)
      %dma_start3A_44 = arith.constant 0 : i32
      %dma_start3A_45 = tpu.memref_slice %arg2[%add3A_42, %dma_start3A_44] : memref<320000x128xf32, #tpu.memory_space<hbm>> -> memref<80x128xf32, #tpu.memory_space<hbm>>
      %dma_start3A_46 = arith.constant 0 : i32
      %dma_start3A_47 = tpu.memref_slice %arg2[%add3A_42, %dma_start3A_46] : memref<320000x128xf32, #tpu.memory_space<hbm>> -> memref<80x128xf32, #tpu.memory_space<hbm>>
      tpu.enqueue_dma source(%dma_start3A_47 : memref<80x128xf32, #tpu.memory_space<hbm>>) target(%arg6 : memref<80x128xf32, #tpu.memory_space<vmem>>) target_semaphore(%arg11 : memref<!tpu.dma_semaphore, #tpu.memory_space<semaphore_mem>>)
      %dma_wait3A = tpu.memref_slice %arg3[%add3A_42] : memref<320000xi32, #tpu.memory_space<hbm>> -> memref<80xi32, #tpu.memory_space<hbm>>
      %dma_wait3A_48 = tpu.memref_slice %arg3[%add3A_42] : memref<320000xi32, #tpu.memory_space<hbm>> -> memref<80xi32, #tpu.memory_space<hbm>>
      tpu.wait_dma2 semaphore(%arg11 : memref<!tpu.dma_semaphore, #tpu.memory_space<semaphore_mem>>) src(%dma_wait3A_48 : memref<80xi32, #tpu.memory_space<hbm>>) dst(%arg8 : memref<80xi32, #tpu.memory_space<vmem>>)
      %dma_wait3A_49 = arith.constant 0 : i32
      %dma_wait3A_50 = tpu.memref_slice %arg2[%add3A_42, %dma_wait3A_49] : memref<320000x128xf32, #tpu.memory_space<hbm>> -> memref<80x128xf32, #tpu.memory_space<hbm>>
      %dma_wait3A_51 = arith.constant 0 : i32
      %dma_wait3A_52 = tpu.memref_slice %arg2[%add3A_42, %dma_wait3A_51] : memref<320000x128xf32, #tpu.memory_space<hbm>> -> memref<80x128xf32, #tpu.memory_space<hbm>>
      tpu.wait_dma2 semaphore(%arg11 : memref<!tpu.dma_semaphore, #tpu.memory_space<semaphore_mem>>) src(%dma_wait3A_52 : memref<80x128xf32, #tpu.memory_space<hbm>>) dst(%arg6 : memref<80x128xf32, #tpu.memory_space<vmem>>)
      "tpu.region"() ({
        %run_scoped3A = tpu.sem_alloc : memref<!tpu.dma_semaphore, #tpu.memory_space<semaphore_mem>>
        %dma_start3A_54 = arith.constant 0 : i32
        %dma_start3A_55 = arith.constant 0 : i32
        %dma_start3A_56 = tpu.memref_slice %arg5[%dma_start3A_54, %dma_start3A_55] : memref<10112x128xf32, #tpu.memory_space<vmem_shared>> -> memref<10112x128xf32, #tpu.memory_space<vmem_shared>>
        tpu.enqueue_indirect_dma source(%arg6 : memref<80x128xf32, #tpu.memory_space<vmem>>) target(%dma_start3A_56 : memref<10112x128xf32, #tpu.memory_space<vmem_shared>>) offsets(%arg8 : memref<80xi32, #tpu.memory_space<vmem>>) semaphore(%run_scoped3A : memref<!tpu.dma_semaphore, #tpu.memory_space<semaphore_mem>>) {add = true}
        %dma_wait3A_57 = arith.constant 0 : i32
        %dma_wait3A_58 = arith.constant 0 : i32
        %dma_wait3A_59 = tpu.memref_slice %arg5[%dma_wait3A_57, %dma_wait3A_58] : memref<10112x128xf32, #tpu.memory_space<vmem_shared>> -> memref<10112x128xf32, #tpu.memory_space<vmem_shared>>
        tpu.wait_indirect_dma semaphore(%run_scoped3A : memref<!tpu.dma_semaphore, #tpu.memory_space<semaphore_mem>>) src(%arg6 : memref<80x128xf32, #tpu.memory_space<vmem>>) dst(%dma_wait3A_59 : memref<10112x128xf32, #tpu.memory_space<vmem_shared>>)
        tpu.yield
      }) : () -> ()
      %scan3A_53 = arith.constant 0 : i32
      scf.yield %scan3A_53 : i32
    }
    %scan3A_26 = arith.constant 125 : i32
    %barrier3A_27 = arith.constant 0 : index
    tpu.barrier barrier_id(%barrier3A_27)
    %scan3A_28 = arith.constant 0 : i32
    %scan3A_29 = arith.constant 0 : i32
    %scan3A_30 = arith.constant 7 : i32
    %scan3A_31 = arith.addi %scan3A_29, %scan3A_30 : i32
    %scan3A_32 = arith.constant 1 : i32
    %scan3A_33 = scf.for %scan3A_38 = %scan3A_29 to %scan3A_31 step %scan3A_32 iter_args(%scan3A_39 = %scan3A_28) -> (i32)  : i32 {
      %mul3A_40 = arith.constant 632 : i32
      %mul3A_41 = arith.muli %arg1, %mul3A_40 : i32
      %mul3A_42 = arith.constant 80 : i32
      %mul3A_43 = arith.muli %scan3A_38, %mul3A_42 : i32
      %add3A_44 = arith.addi %mul3A_41, %mul3A_43 : i32
      "tpu.region"() ({
        %run_scoped3A = tpu.sem_alloc : memref<!tpu.dma_semaphore, #tpu.memory_space<semaphore_mem>>
        %dma_start3A = arith.constant 0 : i32
        %dma_start3A_49 = tpu.memref_slice %arg5[%add3A_44, %dma_start3A] : memref<10112x128xf32, #tpu.memory_space<vmem_shared>> -> memref<80x128xf32, #tpu.memory_space<vmem_shared>>
        %dma_start3A_50 = arith.constant 0 : i32
        %dma_start3A_51 = tpu.memref_slice %arg5[%add3A_44, %dma_start3A_50] : memref<10112x128xf32, #tpu.memory_space<vmem_shared>> -> memref<80x128xf32, #tpu.memory_space<vmem_shared>>
        tpu.enqueue_dma source(%dma_start3A_51 : memref<80x128xf32, #tpu.memory_space<vmem_shared>>) target(%arg7 : memref<80x128xf32, #tpu.memory_space<vmem>>) target_semaphore(%run_scoped3A : memref<!tpu.dma_semaphore, #tpu.memory_space<semaphore_mem>>)
        %dma_wait3A = arith.constant 0 : i32
        %dma_wait3A_52 = tpu.memref_slice %arg5[%add3A_44, %dma_wait3A] : memref<10112x128xf32, #tpu.memory_space<vmem_shared>> -> memref<80x128xf32, #tpu.memory_space<vmem_shared>>
        %dma_wait3A_53 = arith.constant 0 : i32
        %dma_wait3A_54 = tpu.memref_slice %arg5[%add3A_44, %dma_wait3A_53] : memref<10112x128xf32, #tpu.memory_space<vmem_shared>> -> memref<80x128xf32, #tpu.memory_space<vmem_shared>>
        tpu.wait_dma2 semaphore(%run_scoped3A : memref<!tpu.dma_semaphore, #tpu.memory_space<semaphore_mem>>) src(%dma_wait3A_54 : memref<80x128xf32, #tpu.memory_space<vmem_shared>>) dst(%arg7 : memref<80x128xf32, #tpu.memory_space<vmem>>)
        tpu.yield
      }) : () -> ()
      %mul3A_45 = arith.constant 10112 : i32
      %mul3A_46 = arith.muli %arg0, %mul3A_45 : i32
      %add3A_47 = arith.addi %mul3A_46, %add3A_44 : i32
      "tpu.region"() ({
        %run_scoped3A = tpu.sem_alloc : memref<!tpu.dma_semaphore, #tpu.memory_space<semaphore_mem>>
        %dma_start3A = arith.constant 0 : i32
        %dma_start3A_49 = tpu.memref_slice %arg4[%add3A_47, %dma_start3A] : memref<20224x128xf32, #tpu.memory_space<hbm>> -> memref<80x128xf32, #tpu.memory_space<hbm>>
        %dma_start3A_50 = arith.constant 0 : i32
        %dma_start3A_51 = tpu.memref_slice %arg4[%add3A_47, %dma_start3A_50] : memref<20224x128xf32, #tpu.memory_space<hbm>> -> memref<80x128xf32, #tpu.memory_space<hbm>>
        tpu.enqueue_dma source(%arg7 : memref<80x128xf32, #tpu.memory_space<vmem>>) target(%dma_start3A_51 : memref<80x128xf32, #tpu.memory_space<hbm>>) target_semaphore(%run_scoped3A : memref<!tpu.dma_semaphore, #tpu.memory_space<semaphore_mem>>)
        %dma_wait3A = arith.constant 0 : i32
        %dma_wait3A_52 = tpu.memref_slice %arg4[%add3A_47, %dma_wait3A] : memref<20224x128xf32, #tpu.memory_space<hbm>> -> memref<80x128xf32, #tpu.memory_space<hbm>>
        %dma_wait3A_53 = arith.constant 0 : i32
        %dma_wait3A_54 = tpu.memref_slice %arg4[%add3A_47, %dma_wait3A_53] : memref<20224x128xf32, #tpu.memory_space<hbm>> -> memref<80x128xf32, #tpu.memory_space<hbm>>
        tpu.wait_dma2 semaphore(%run_scoped3A : memref<!tpu.dma_semaphore, #tpu.memory_space<semaphore_mem>>) src(%arg7 : memref<80x128xf32, #tpu.memory_space<vmem>>) dst(%dma_wait3A_54 : memref<80x128xf32, #tpu.memory_space<hbm>>)
        tpu.yield
      }) : () -> ()
      %scan3A_48 = arith.constant 0 : i32
      scf.yield %scan3A_48 : i32
    }
    %scan3A_34 = arith.constant 7 : i32
    "tpu.region"() ({
      %run_scoped3A = tpu.sem_alloc : memref<!tpu.dma_semaphore, #tpu.memory_space<semaphore_mem>>
      %dma_start3A = arith.constant 0 : i32
      %dma_start3A_38 = arith.constant 0 : i32
      %dma_start3A_39 = tpu.memref_slice %arg7[%dma_start3A, %dma_start3A_38] : memref<80x128xf32, #tpu.memory_space<vmem>> -> memref<72x128xf32, #tpu.memory_space<vmem>>
      %dma_start3A_40 = arith.constant 0 : i32
      %dma_start3A_41 = tpu.memref_slice %arg5[%add3A_6, %dma_start3A_40] : memref<10112x128xf32, #tpu.memory_space<vmem_shared>> -> memref<72x128xf32, #tpu.memory_space<vmem_shared>>
      %dma_start3A_42 = arith.constant 0 : i32
      %dma_start3A_43 = arith.constant 0 : i32
      %dma_start3A_44 = tpu.memref_slice %arg7[%dma_start3A_42, %dma_start3A_43] : memref<80x128xf32, #tpu.memory_space<vmem>> -> memref<72x128xf32, #tpu.memory_space<vmem>>
      %dma_start3A_45 = arith.constant 0 : i32
      %dma_start3A_46 = tpu.memref_slice %arg5[%add3A_6, %dma_start3A_45] : memref<10112x128xf32, #tpu.memory_space<vmem_shared>> -> memref<72x128xf32, #tpu.memory_space<vmem_shared>>
      tpu.enqueue_dma source(%dma_start3A_46 : memref<72x128xf32, #tpu.memory_space<vmem_shared>>) target(%dma_start3A_44 : memref<72x128xf32, #tpu.memory_space<vmem>>) target_semaphore(%run_scoped3A : memref<!tpu.dma_semaphore, #tpu.memory_space<semaphore_mem>>)
      %dma_wait3A = arith.constant 0 : i32
      %dma_wait3A_47 = arith.constant 0 : i32
      %dma_wait3A_48 = tpu.memref_slice %arg7[%dma_wait3A, %dma_wait3A_47] : memref<80x128xf32, #tpu.memory_space<vmem>> -> memref<72x128xf32, #tpu.memory_space<vmem>>
      %dma_wait3A_49 = arith.constant 0 : i32
      %dma_wait3A_50 = tpu.memref_slice %arg5[%add3A_6, %dma_wait3A_49] : memref<10112x128xf32, #tpu.memory_space<vmem_shared>> -> memref<72x128xf32, #tpu.memory_space<vmem_shared>>
      %dma_wait3A_51 = arith.constant 0 : i32
      %dma_wait3A_52 = arith.constant 0 : i32
      %dma_wait3A_53 = tpu.memref_slice %arg7[%dma_wait3A_51, %dma_wait3A_52] : memref<80x128xf32, #tpu.memory_space<vmem>> -> memref<72x128xf32, #tpu.memory_space<vmem>>
      %dma_wait3A_54 = arith.constant 0 : i32
      %dma_wait3A_55 = tpu.memref_slice %arg5[%add3A_6, %dma_wait3A_54] : memref<10112x128xf32, #tpu.memory_space<vmem_shared>> -> memref<72x128xf32, #tpu.memory_space<vmem_shared>>
      tpu.wait_dma2 semaphore(%run_scoped3A : memref<!tpu.dma_semaphore, #tpu.memory_space<semaphore_mem>>) src(%dma_wait3A_55 : memref<72x128xf32, #tpu.memory_space<vmem_shared>>) dst(%dma_wait3A_53 : memref<72x128xf32, #tpu.memory_space<vmem>>)
      tpu.yield
    }) : () -> ()
    %mul3A_35 = arith.constant 10112 : i32
    %mul3A_36 = arith.muli %arg0, %mul3A_35 : i32
    %add3A_37 = arith.addi %mul3A_36, %add3A_6 : i32
    "tpu.region"() ({
      %run_scoped3A = tpu.sem_alloc : memref<!tpu.dma_semaphore, #tpu.memory_space<semaphore_mem>>
      %dma_start3A = arith.constant 0 : i32
      %dma_start3A_38 = arith.constant 0 : i32
      %dma_start3A_39 = tpu.memref_slice %arg7[%dma_start3A, %dma_start3A_38] : memref<80x128xf32, #tpu.memory_space<vmem>> -> memref<72x128xf32, #tpu.memory_space<vmem>>
      %dma_start3A_40 = arith.constant 0 : i32
      %dma_start3A_41 = tpu.memref_slice %arg4[%add3A_37, %dma_start3A_40] : memref<20224x128xf32, #tpu.memory_space<hbm>> -> memref<72x128xf32, #tpu.memory_space<hbm>>
      %dma_start3A_42 = arith.constant 0 : i32
      %dma_start3A_43 = tpu.memref_slice %arg4[%add3A_37, %dma_start3A_42] : memref<20224x128xf32, #tpu.memory_space<hbm>> -> memref<72x128xf32, #tpu.memory_space<hbm>>
      %dma_start3A_44 = arith.constant 0 : i32
      %dma_start3A_45 = arith.constant 0 : i32
      %dma_start3A_46 = tpu.memref_slice %arg7[%dma_start3A_44, %dma_start3A_45] : memref<80x128xf32, #tpu.memory_space<vmem>> -> memref<72x128xf32, #tpu.memory_space<vmem>>
      tpu.enqueue_dma source(%dma_start3A_46 : memref<72x128xf32, #tpu.memory_space<vmem>>) target(%dma_start3A_43 : memref<72x128xf32, #tpu.memory_space<hbm>>) target_semaphore(%run_scoped3A : memref<!tpu.dma_semaphore, #tpu.memory_space<semaphore_mem>>)
      %dma_wait3A = arith.constant 0 : i32
      %dma_wait3A_47 = arith.constant 0 : i32
      %dma_wait3A_48 = tpu.memref_slice %arg7[%dma_wait3A, %dma_wait3A_47] : memref<80x128xf32, #tpu.memory_space<vmem>> -> memref<72x128xf32, #tpu.memory_space<vmem>>
      %dma_wait3A_49 = arith.constant 0 : i32
      %dma_wait3A_50 = tpu.memref_slice %arg4[%add3A_37, %dma_wait3A_49] : memref<20224x128xf32, #tpu.memory_space<hbm>> -> memref<72x128xf32, #tpu.memory_space<hbm>>
      %dma_wait3A_51 = arith.constant 0 : i32
      %dma_wait3A_52 = tpu.memref_slice %arg4[%add3A_37, %dma_wait3A_51] : memref<20224x128xf32, #tpu.memory_space<hbm>> -> memref<72x128xf32, #tpu.memory_space<hbm>>
      %dma_wait3A_53 = arith.constant 0 : i32
      %dma_wait3A_54 = arith.constant 0 : i32
      %dma_wait3A_55 = tpu.memref_slice %arg7[%dma_wait3A_53, %dma_wait3A_54] : memref<80x128xf32, #tpu.memory_space<vmem>> -> memref<72x128xf32, #tpu.memory_space<vmem>>
      tpu.wait_dma2 semaphore(%run_scoped3A : memref<!tpu.dma_semaphore, #tpu.memory_space<semaphore_mem>>) src(%dma_wait3A_55 : memref<72x128xf32, #tpu.memory_space<vmem>>) dst(%dma_wait3A_52 : memref<72x128xf32, #tpu.memory_space<hbm>>)
      tpu.yield
    }) : () -> ()
    return
  }
}

#map = affine_map<(d0, d1) -> (0)>
#map1 = affine_map<(d0, d1) -> (0, 0)>
module attributes {stable_mosaic.version = 14 : i64} {
  func.func @body(%arg0: i32, %arg1: i32, %arg2: memref<320000xi32, #tpu.memory_space<hbm>>, %arg3: memref<20224x128xf32, #tpu.memory_space<hbm>>, %arg4: memref<10112x128xf32, #tpu.memory_space<vmem_shared>>, %arg5: memref<80x128xf32, #tpu.memory_space<vmem>>, %arg6: memref<80x128xf32, #tpu.memory_space<vmem>>, %arg7: memref<80xi32, #tpu.memory_space<vmem>>, %arg8: memref<!tpu.dma_semaphore, #tpu.memory_space<semaphore_mem>>) attributes {dimension_semantics = [#tpu.dimension_semantics<core_parallel>, #tpu.dimension_semantics<subcore_parallel>], iteration_bounds = array<i64: 2, 16>, scalar_prefetch = 0 : i64, scratch_operands = 5 : i64, tpu.core_type = #tpu.core_type<sc_vector_subcore>, window_params = [{transform_indices = #map}, {transform_indices = #map1}]} {
    %mul3A = arith.constant 2 : i32
    %mul3A_0 = arith.muli %arg1, %mul3A : i32
    %add3A = arith.addi %mul3A_0, %arg0 : i32
    %mul3A_1 = arith.constant 10000 : i32
    %mul3A_2 = arith.muli %add3A, %mul3A_1 : i32
    %mul3A_3 = arith.constant 632 : i32
    %mul3A_4 = arith.muli %arg1, %mul3A_3 : i32
    %add3A_5 = arith.constant 560 : i32
    %add3A_6 = arith.addi %mul3A_4, %add3A_5 : i32
    %scan3A = arith.constant 0 : i32
    %scan3A_7 = arith.constant 0 : i32
    %scan3A_8 = arith.constant 80 : i32
    %scan3A_9 = arith.addi %scan3A_7, %scan3A_8 : i32
    %scan3A_10 = arith.constant 1 : i32
    %scan3A_11 = scf.for %scan3A_45 = %scan3A_7 to %scan3A_9 step %scan3A_10 iter_args(%scan3A_46 = %scan3A) -> (i32)  : i32 {
      %broadcast_in_dim3A = arith.constant 0.000000e+00 : f32
      %broadcast_in_dim3A_47 = vector.broadcast %broadcast_in_dim3A : f32 to vector<16xf32>
      %swap3A = arith.index_cast %scan3A_45 : i32 to index
      %swap3A_48 = arith.constant 0 : index
      %swap3A_49 = tpu.vector_load %arg6[%swap3A, %swap3A_48] {strides = array<i32>} : memref<80x128xf32, #tpu.memory_space<vmem>>, vector<1x16xf32>,
      %swap3A_50 = vector.shape_cast %swap3A_49 : vector<1x16xf32> to vector<16xf32>
      %swap3A_51 = vector.shape_cast %broadcast_in_dim3A_47 : vector<16xf32> to vector<1x16xf32>
      tpu.vector_store %arg6[%swap3A, %swap3A_48], %swap3A_51 {strides = array<i32>} : memref<80x128xf32, #tpu.memory_space<vmem>>, vector<1x16xf32>,
      %broadcast_in_dim3A_52 = arith.constant 0.000000e+00 : f32
      %broadcast_in_dim3A_53 = vector.broadcast %broadcast_in_dim3A_52 : f32 to vector<16xf32>
      %swap3A_54 = arith.index_cast %scan3A_45 : i32 to index
      %swap3A_55 = arith.constant 16 : index
      %swap3A_56 = tpu.vector_load %arg6[%swap3A_54, %swap3A_55] {strides = array<i32>} : memref<80x128xf32, #tpu.memory_space<vmem>>, vector<1x16xf32>,
      %swap3A_57 = vector.shape_cast %swap3A_56 : vector<1x16xf32> to vector<16xf32>
      %swap3A_58 = vector.shape_cast %broadcast_in_dim3A_53 : vector<16xf32> to vector<1x16xf32>
      tpu.vector_store %arg6[%swap3A_54, %swap3A_55], %swap3A_58 {strides = array<i32>} : memref<80x128xf32, #tpu.memory_space<vmem>>, vector<1x16xf32>,
      %broadcast_in_dim3A_59 = arith.constant 0.000000e+00 : f32
      %broadcast_in_dim3A_60 = vector.broadcast %broadcast_in_dim3A_59 : f32 to vector<16xf32>
      %swap3A_61 = arith.index_cast %scan3A_45 : i32 to index
      %swap3A_62 = arith.constant 32 : index
      %swap3A_63 = tpu.vector_load %arg6[%swap3A_61, %swap3A_62] {strides = array<i32>} : memref<80x128xf32, #tpu.memory_space<vmem>>, vector<1x16xf32>,
      %swap3A_64 = vector.shape_cast %swap3A_63 : vector<1x16xf32> to vector<16xf32>
      %swap3A_65 = vector.shape_cast %broadcast_in_dim3A_60 : vector<16xf32> to vector<1x16xf32>
      tpu.vector_store %arg6[%swap3A_61, %swap3A_62], %swap3A_65 {strides = array<i32>} : memref<80x128xf32, #tpu.memory_space<vmem>>, vector<1x16xf32>,
      %broadcast_in_dim3A_66 = arith.constant 0.000000e+00 : f32
      %broadcast_in_dim3A_67 = vector.broadcast %broadcast_in_dim3A_66 : f32 to vector<16xf32>
      %swap3A_68 = arith.index_cast %scan3A_45 : i32 to index
      %swap3A_69 = arith.constant 48 : index
      %swap3A_70 = tpu.vector_load %arg6[%swap3A_68, %swap3A_69] {strides = array<i32>} : memref<80x128xf32, #tpu.memory_space<vmem>>, vector<1x16xf32>,
      %swap3A_71 = vector.shape_cast %swap3A_70 : vector<1x16xf32> to vector<16xf32>
      %swap3A_72 = vector.shape_cast %broadcast_in_dim3A_67 : vector<16xf32> to vector<1x16xf32>
      tpu.vector_store %arg6[%swap3A_68, %swap3A_69], %swap3A_72 {strides = array<i32>} : memref<80x128xf32, #tpu.memory_space<vmem>>, vector<1x16xf32>,
      %broadcast_in_dim3A_73 = arith.constant 0.000000e+00 : f32
      %broadcast_in_dim3A_74 = vector.broadcast %broadcast_in_dim3A_73 : f32 to vector<16xf32>
      %swap3A_75 = arith.index_cast %scan3A_45 : i32 to index
      %swap3A_76 = arith.constant 64 : index
      %swap3A_77 = tpu.vector_load %arg6[%swap3A_75, %swap3A_76] {strides = array<i32>} : memref<80x128xf32, #tpu.memory_space<vmem>>, vector<1x16xf32>,
      %swap3A_78 = vector.shape_cast %swap3A_77 : vector<1x16xf32> to vector<16xf32>
      %swap3A_79 = vector.shape_cast %broadcast_in_dim3A_74 : vector<16xf32> to vector<1x16xf32>
      tpu.vector_store %arg6[%swap3A_75, %swap3A_76], %swap3A_79 {strides = array<i32>} : memref<80x128xf32, #tpu.memory_space<vmem>>, vector<1x16xf32>,
      %broadcast_in_dim3A_80 = arith.constant 0.000000e+00 : f32
      %broadcast_in_dim3A_81 = vector.broadcast %broadcast_in_dim3A_80 : f32 to vector<16xf32>
      %swap3A_82 = arith.index_cast %scan3A_45 : i32 to index
      %swap3A_83 = arith.constant 80 : index
      %swap3A_84 = tpu.vector_load %arg6[%swap3A_82, %swap3A_83] {strides = array<i32>} : memref<80x128xf32, #tpu.memory_space<vmem>>, vector<1x16xf32>,
      %swap3A_85 = vector.shape_cast %swap3A_84 : vector<1x16xf32> to vector<16xf32>
      %swap3A_86 = vector.shape_cast %broadcast_in_dim3A_81 : vector<16xf32> to vector<1x16xf32>
      tpu.vector_store %arg6[%swap3A_82, %swap3A_83], %swap3A_86 {strides = array<i32>} : memref<80x128xf32, #tpu.memory_space<vmem>>, vector<1x16xf32>,
      %broadcast_in_dim3A_87 = arith.constant 0.000000e+00 : f32
      %broadcast_in_dim3A_88 = vector.broadcast %broadcast_in_dim3A_87 : f32 to vector<16xf32>
      %swap3A_89 = arith.index_cast %scan3A_45 : i32 to index
      %swap3A_90 = arith.constant 96 : index
      %swap3A_91 = tpu.vector_load %arg6[%swap3A_89, %swap3A_90] {strides = array<i32>} : memref<80x128xf32, #tpu.memory_space<vmem>>, vector<1x16xf32>,
      %swap3A_92 = vector.shape_cast %swap3A_91 : vector<1x16xf32> to vector<16xf32>
      %swap3A_93 = vector.shape_cast %broadcast_in_dim3A_88 : vector<16xf32> to vector<1x16xf32>
      tpu.vector_store %arg6[%swap3A_89, %swap3A_90], %swap3A_93 {strides = array<i32>} : memref<80x128xf32, #tpu.memory_space<vmem>>, vector<1x16xf32>,
      %broadcast_in_dim3A_94 = arith.constant 0.000000e+00 : f32
      %broadcast_in_dim3A_95 = vector.broadcast %broadcast_in_dim3A_94 : f32 to vector<16xf32>
      %swap3A_96 = arith.index_cast %scan3A_45 : i32 to index
      %swap3A_97 = arith.constant 112 : index
      %swap3A_98 = tpu.vector_load %arg6[%swap3A_96, %swap3A_97] {strides = array<i32>} : memref<80x128xf32, #tpu.memory_space<vmem>>, vector<1x16xf32>,
      %swap3A_99 = vector.shape_cast %swap3A_98 : vector<1x16xf32> to vector<16xf32>
      %swap3A_100 = vector.shape_cast %broadcast_in_dim3A_95 : vector<16xf32> to vector<1x16xf32>
      tpu.vector_store %arg6[%swap3A_96, %swap3A_97], %swap3A_100 {strides = array<i32>} : memref<80x128xf32, #tpu.memory_space<vmem>>, vector<1x16xf32>,
      %scan3A_101 = arith.constant 0 : i32
      scf.yield %scan3A_101 : i32
    }
    %scan3A_12 = arith.constant 80 : i32
    %scan3A_13 = arith.constant 0 : i32
    %scan3A_14 = arith.constant 0 : i32
    %scan3A_15 = arith.constant 7 : i32
    %scan3A_16 = arith.addi %scan3A_14, %scan3A_15 : i32
    %scan3A_17 = arith.constant 1 : i32
    %scan3A_18 = scf.for %scan3A_45 = %scan3A_14 to %scan3A_16 step %scan3A_17 iter_args(%scan3A_46 = %scan3A_13) -> (i32)  : i32 {
      %mul3A_47 = arith.constant 632 : i32
      %mul3A_48 = arith.muli %arg1, %mul3A_47 : i32
      %mul3A_49 = arith.constant 80 : i32
      %mul3A_50 = arith.muli %scan3A_45, %mul3A_49 : i32
      %add3A_51 = arith.addi %mul3A_48, %mul3A_50 : i32
      "tpu.region"() ({
        %run_scoped3A = tpu.sem_alloc : memref<!tpu.dma_semaphore, #tpu.memory_space<semaphore_mem>>
        %dma_start3A = arith.constant 0 : i32
        %dma_start3A_53 = tpu.memref_slice %arg4[%add3A_51, %dma_start3A] : memref<10112x128xf32, #tpu.memory_space<vmem_shared>> -> memref<80x128xf32, #tpu.memory_space<vmem_shared>>
        %dma_start3A_54 = arith.constant 0 : i32
        %dma_start3A_55 = tpu.memref_slice %arg4[%add3A_51, %dma_start3A_54] : memref<10112x128xf32, #tpu.memory_space<vmem_shared>> -> memref<80x128xf32, #tpu.memory_space<vmem_shared>>
        tpu.enqueue_dma source(%arg6 : memref<80x128xf32, #tpu.memory_space<vmem>>) target(%dma_start3A_55 : memref<80x128xf32, #tpu.memory_space<vmem_shared>>) target_semaphore(%run_scoped3A : memref<!tpu.dma_semaphore, #tpu.memory_space<semaphore_mem>>)
        %dma_wait3A = arith.constant 0 : i32
        %dma_wait3A_56 = tpu.memref_slice %arg4[%add3A_51, %dma_wait3A] : memref<10112x128xf32, #tpu.memory_space<vmem_shared>> -> memref<80x128xf32, #tpu.memory_space<vmem_shared>>
        %dma_wait3A_57 = arith.constant 0 : i32
        %dma_wait3A_58 = tpu.memref_slice %arg4[%add3A_51, %dma_wait3A_57] : memref<10112x128xf32, #tpu.memory_space<vmem_shared>> -> memref<80x128xf32, #tpu.memory_space<vmem_shared>>
        tpu.wait_dma2 semaphore(%run_scoped3A : memref<!tpu.dma_semaphore, #tpu.memory_space<semaphore_mem>>) src(%arg6 : memref<80x128xf32, #tpu.memory_space<vmem>>) dst(%dma_wait3A_58 : memref<80x128xf32, #tpu.memory_space<vmem_shared>>)
        tpu.yield
      }) : () -> ()
      %scan3A_52 = arith.constant 0 : i32
      scf.yield %scan3A_52 : i32
    }
    %scan3A_19 = arith.constant 7 : i32
    "tpu.region"() ({
      %run_scoped3A = tpu.sem_alloc : memref<!tpu.dma_semaphore, #tpu.memory_space<semaphore_mem>>
      %dma_start3A = arith.constant 0 : i32
      %dma_start3A_45 = arith.constant 0 : i32
      %dma_start3A_46 = tpu.memref_slice %arg6[%dma_start3A, %dma_start3A_45] : memref<80x128xf32, #tpu.memory_space<vmem>> -> memref<72x128xf32, #tpu.memory_space<vmem>>
      %dma_start3A_47 = arith.constant 0 : i32
      %dma_start3A_48 = tpu.memref_slice %arg4[%add3A_6, %dma_start3A_47] : memref<10112x128xf32, #tpu.memory_space<vmem_shared>> -> memref<72x128xf32, #tpu.memory_space<vmem_shared>>
      %dma_start3A_49 = arith.constant 0 : i32
      %dma_start3A_50 = tpu.memref_slice %arg4[%add3A_6, %dma_start3A_49] : memref<10112x128xf32, #tpu.memory_space<vmem_shared>> -> memref<72x128xf32, #tpu.memory_space<vmem_shared>>
      %dma_start3A_51 = arith.constant 0 : i32
      %dma_start3A_52 = arith.constant 0 : i32
      %dma_start3A_53 = tpu.memref_slice %arg6[%dma_start3A_51, %dma_start3A_52] : memref<80x128xf32, #tpu.memory_space<vmem>> -> memref<72x128xf32, #tpu.memory_space<vmem>>
      tpu.enqueue_dma source(%dma_start3A_53 : memref<72x128xf32, #tpu.memory_space<vmem>>) target(%dma_start3A_50 : memref<72x128xf32, #tpu.memory_space<vmem_shared>>) target_semaphore(%run_scoped3A : memref<!tpu.dma_semaphore, #tpu.memory_space<semaphore_mem>>)
      %dma_wait3A = arith.constant 0 : i32
      %dma_wait3A_54 = arith.constant 0 : i32
      %dma_wait3A_55 = tpu.memref_slice %arg6[%dma_wait3A, %dma_wait3A_54] : memref<80x128xf32, #tpu.memory_space<vmem>> -> memref<72x128xf32, #tpu.memory_space<vmem>>
      %dma_wait3A_56 = arith.constant 0 : i32
      %dma_wait3A_57 = tpu.memref_slice %arg4[%add3A_6, %dma_wait3A_56] : memref<10112x128xf32, #tpu.memory_space<vmem_shared>> -> memref<72x128xf32, #tpu.memory_space<vmem_shared>>
      %dma_wait3A_58 = arith.constant 0 : i32
      %dma_wait3A_59 = tpu.memref_slice %arg4[%add3A_6, %dma_wait3A_58] : memref<10112x128xf32, #tpu.memory_space<vmem_shared>> -> memref<72x128xf32, #tpu.memory_space<vmem_shared>>
      %dma_wait3A_60 = arith.constant 0 : i32
      %dma_wait3A_61 = arith.constant 0 : i32
      %dma_wait3A_62 = tpu.memref_slice %arg6[%dma_wait3A_60, %dma_wait3A_61] : memref<80x128xf32, #tpu.memory_space<vmem>> -> memref<72x128xf32, #tpu.memory_space<vmem>>
      tpu.wait_dma2 semaphore(%run_scoped3A : memref<!tpu.dma_semaphore, #tpu.memory_space<semaphore_mem>>) src(%dma_wait3A_62 : memref<72x128xf32, #tpu.memory_space<vmem>>) dst(%dma_wait3A_59 : memref<72x128xf32, #tpu.memory_space<vmem_shared>>)
      tpu.yield
    }) : () -> ()
    %scan3A_20 = arith.constant 0 : i32
    %scan3A_21 = arith.constant 0 : i32
    %scan3A_22 = arith.constant 80 : i32
    %scan3A_23 = arith.addi %scan3A_21, %scan3A_22 : i32
    %scan3A_24 = arith.constant 1 : i32
    %scan3A_25 = scf.for %scan3A_45 = %scan3A_21 to %scan3A_23 step %scan3A_24 iter_args(%scan3A_46 = %scan3A_20) -> (i32)  : i32 {
      %broadcast_in_dim3A = arith.constant 1.000000e+00 : f32
      %broadcast_in_dim3A_47 = vector.broadcast %broadcast_in_dim3A : f32 to vector<16xf32>
      %swap3A = arith.index_cast %scan3A_45 : i32 to index
      %swap3A_48 = arith.constant 0 : index
      %swap3A_49 = tpu.vector_load %arg5[%swap3A, %swap3A_48] {strides = array<i32>} : memref<80x128xf32, #tpu.memory_space<vmem>>, vector<1x16xf32>,
      %swap3A_50 = vector.shape_cast %swap3A_49 : vector<1x16xf32> to vector<16xf32>
      %swap3A_51 = vector.shape_cast %broadcast_in_dim3A_47 : vector<16xf32> to vector<1x16xf32>
      tpu.vector_store %arg5[%swap3A, %swap3A_48], %swap3A_51 {strides = array<i32>} : memref<80x128xf32, #tpu.memory_space<vmem>>, vector<1x16xf32>,
      %broadcast_in_dim3A_52 = arith.constant 1.000000e+00 : f32
      %broadcast_in_dim3A_53 = vector.broadcast %broadcast_in_dim3A_52 : f32 to vector<16xf32>
      %swap3A_54 = arith.index_cast %scan3A_45 : i32 to index
      %swap3A_55 = arith.constant 16 : index
      %swap3A_56 = tpu.vector_load %arg5[%swap3A_54, %swap3A_55] {strides = array<i32>} : memref<80x128xf32, #tpu.memory_space<vmem>>, vector<1x16xf32>,
      %swap3A_57 = vector.shape_cast %swap3A_56 : vector<1x16xf32> to vector<16xf32>
      %swap3A_58 = vector.shape_cast %broadcast_in_dim3A_53 : vector<16xf32> to vector<1x16xf32>
      tpu.vector_store %arg5[%swap3A_54, %swap3A_55], %swap3A_58 {strides = array<i32>} : memref<80x128xf32, #tpu.memory_space<vmem>>, vector<1x16xf32>,
      %broadcast_in_dim3A_59 = arith.constant 1.000000e+00 : f32
      %broadcast_in_dim3A_60 = vector.broadcast %broadcast_in_dim3A_59 : f32 to vector<16xf32>
      %swap3A_61 = arith.index_cast %scan3A_45 : i32 to index
      %swap3A_62 = arith.constant 32 : index
      %swap3A_63 = tpu.vector_load %arg5[%swap3A_61, %swap3A_62] {strides = array<i32>} : memref<80x128xf32, #tpu.memory_space<vmem>>, vector<1x16xf32>,
      %swap3A_64 = vector.shape_cast %swap3A_63 : vector<1x16xf32> to vector<16xf32>
      %swap3A_65 = vector.shape_cast %broadcast_in_dim3A_60 : vector<16xf32> to vector<1x16xf32>
      tpu.vector_store %arg5[%swap3A_61, %swap3A_62], %swap3A_65 {strides = array<i32>} : memref<80x128xf32, #tpu.memory_space<vmem>>, vector<1x16xf32>,
      %broadcast_in_dim3A_66 = arith.constant 1.000000e+00 : f32
      %broadcast_in_dim3A_67 = vector.broadcast %broadcast_in_dim3A_66 : f32 to vector<16xf32>
      %swap3A_68 = arith.index_cast %scan3A_45 : i32 to index
      %swap3A_69 = arith.constant 48 : index
      %swap3A_70 = tpu.vector_load %arg5[%swap3A_68, %swap3A_69] {strides = array<i32>} : memref<80x128xf32, #tpu.memory_space<vmem>>, vector<1x16xf32>,
      %swap3A_71 = vector.shape_cast %swap3A_70 : vector<1x16xf32> to vector<16xf32>
      %swap3A_72 = vector.shape_cast %broadcast_in_dim3A_67 : vector<16xf32> to vector<1x16xf32>
      tpu.vector_store %arg5[%swap3A_68, %swap3A_69], %swap3A_72 {strides = array<i32>} : memref<80x128xf32, #tpu.memory_space<vmem>>, vector<1x16xf32>,
      %broadcast_in_dim3A_73 = arith.constant 1.000000e+00 : f32
      %broadcast_in_dim3A_74 = vector.broadcast %broadcast_in_dim3A_73 : f32 to vector<16xf32>
      %swap3A_75 = arith.index_cast %scan3A_45 : i32 to index
      %swap3A_76 = arith.constant 64 : index
      %swap3A_77 = tpu.vector_load %arg5[%swap3A_75, %swap3A_76] {strides = array<i32>} : memref<80x128xf32, #tpu.memory_space<vmem>>, vector<1x16xf32>,
      %swap3A_78 = vector.shape_cast %swap3A_77 : vector<1x16xf32> to vector<16xf32>
      %swap3A_79 = vector.shape_cast %broadcast_in_dim3A_74 : vector<16xf32> to vector<1x16xf32>
      tpu.vector_store %arg5[%swap3A_75, %swap3A_76], %swap3A_79 {strides = array<i32>} : memref<80x128xf32, #tpu.memory_space<vmem>>, vector<1x16xf32>,
      %broadcast_in_dim3A_80 = arith.constant 1.000000e+00 : f32
      %broadcast_in_dim3A_81 = vector.broadcast %broadcast_in_dim3A_80 : f32 to vector<16xf32>
      %swap3A_82 = arith.index_cast %scan3A_45 : i32 to index
      %swap3A_83 = arith.constant 80 : index
      %swap3A_84 = tpu.vector_load %arg5[%swap3A_82, %swap3A_83] {strides = array<i32>} : memref<80x128xf32, #tpu.memory_space<vmem>>, vector<1x16xf32>,
      %swap3A_85 = vector.shape_cast %swap3A_84 : vector<1x16xf32> to vector<16xf32>
      %swap3A_86 = vector.shape_cast %broadcast_in_dim3A_81 : vector<16xf32> to vector<1x16xf32>
      tpu.vector_store %arg5[%swap3A_82, %swap3A_83], %swap3A_86 {strides = array<i32>} : memref<80x128xf32, #tpu.memory_space<vmem>>, vector<1x16xf32>,
      %broadcast_in_dim3A_87 = arith.constant 1.000000e+00 : f32
      %broadcast_in_dim3A_88 = vector.broadcast %broadcast_in_dim3A_87 : f32 to vector<16xf32>
      %swap3A_89 = arith.index_cast %scan3A_45 : i32 to index
      %swap3A_90 = arith.constant 96 : index
      %swap3A_91 = tpu.vector_load %arg5[%swap3A_89, %swap3A_90] {strides = array<i32>} : memref<80x128xf32, #tpu.memory_space<vmem>>, vector<1x16xf32>,
      %swap3A_92 = vector.shape_cast %swap3A_91 : vector<1x16xf32> to vector<16xf32>
      %swap3A_93 = vector.shape_cast %broadcast_in_dim3A_88 : vector<16xf32> to vector<1x16xf32>
      tpu.vector_store %arg5[%swap3A_89, %swap3A_90], %swap3A_93 {strides = array<i32>} : memref<80x128xf32, #tpu.memory_space<vmem>>, vector<1x16xf32>,
      %broadcast_in_dim3A_94 = arith.constant 1.000000e+00 : f32
      %broadcast_in_dim3A_95 = vector.broadcast %broadcast_in_dim3A_94 : f32 to vector<16xf32>
      %swap3A_96 = arith.index_cast %scan3A_45 : i32 to index
      %swap3A_97 = arith.constant 112 : index
      %swap3A_98 = tpu.vector_load %arg5[%swap3A_96, %swap3A_97] {strides = array<i32>} : memref<80x128xf32, #tpu.memory_space<vmem>>, vector<1x16xf32>,
      %swap3A_99 = vector.shape_cast %swap3A_98 : vector<1x16xf32> to vector<16xf32>
      %swap3A_100 = vector.shape_cast %broadcast_in_dim3A_95 : vector<16xf32> to vector<1x16xf32>
      tpu.vector_store %arg5[%swap3A_96, %swap3A_97], %swap3A_100 {strides = array<i32>} : memref<80x128xf32, #tpu.memory_space<vmem>>, vector<1x16xf32>,
      %scan3A_101 = arith.constant 0 : i32
      scf.yield %scan3A_101 : i32
    }
    %scan3A_26 = arith.constant 80 : i32
    %barrier3A = arith.constant 0 : index
    tpu.barrier barrier_id(%barrier3A)
    %scan3A_27 = arith.constant 0 : i32
    %scan3A_28 = arith.constant 0 : i32
    %scan3A_29 = arith.constant 125 : i32
    %scan3A_30 = arith.addi %scan3A_28, %scan3A_29 : i32
    %scan3A_31 = arith.constant 1 : i32
    %scan3A_32 = scf.for %scan3A_45 = %scan3A_28 to %scan3A_30 step %scan3A_31 iter_args(%scan3A_46 = %scan3A_27) -> (i32)  : i32 {
      %mul3A_47 = arith.constant 80 : i32
      %mul3A_48 = arith.muli %scan3A_45, %mul3A_47 : i32
      %add3A_49 = arith.addi %mul3A_2, %mul3A_48 : i32
      "tpu.region"() ({
        %run_scoped3A = tpu.sem_alloc : memref<!tpu.dma_semaphore, #tpu.memory_space<semaphore_mem>>
        %dma_start3A = tpu.memref_slice %arg2[%add3A_49] : memref<320000xi32, #tpu.memory_space<hbm>> -> memref<80xi32, #tpu.memory_space<hbm>>
        %dma_start3A_51 = tpu.memref_slice %arg2[%add3A_49] : memref<320000xi32, #tpu.memory_space<hbm>> -> memref<80xi32, #tpu.memory_space<hbm>>
        tpu.enqueue_dma source(%dma_start3A_51 : memref<80xi32, #tpu.memory_space<hbm>>) target(%arg7 : memref<80xi32, #tpu.memory_space<vmem>>) target_semaphore(%run_scoped3A : memref<!tpu.dma_semaphore, #tpu.memory_space<semaphore_mem>>)
        %dma_wait3A = tpu.memref_slice %arg2[%add3A_49] : memref<320000xi32, #tpu.memory_space<hbm>> -> memref<80xi32, #tpu.memory_space<hbm>>
        %dma_wait3A_52 = tpu.memref_slice %arg2[%add3A_49] : memref<320000xi32, #tpu.memory_space<hbm>> -> memref<80xi32, #tpu.memory_space<hbm>>
        tpu.wait_dma2 semaphore(%run_scoped3A : memref<!tpu.dma_semaphore, #tpu.memory_space<semaphore_mem>>) src(%dma_wait3A_52 : memref<80xi32, #tpu.memory_space<hbm>>) dst(%arg7 : memref<80xi32, #tpu.memory_space<vmem>>)
        tpu.yield
      }) : () -> ()
      "tpu.region"() ({
        %run_scoped3A = tpu.sem_alloc : memref<!tpu.dma_semaphore, #tpu.memory_space<semaphore_mem>>
        %dma_start3A = arith.constant 0 : i32
        %dma_start3A_51 = arith.constant 0 : i32
        %dma_start3A_52 = tpu.memref_slice %arg4[%dma_start3A, %dma_start3A_51] : memref<10112x128xf32, #tpu.memory_space<vmem_shared>> -> memref<10112x128xf32, #tpu.memory_space<vmem_shared>>
        tpu.enqueue_indirect_dma source(%arg5 : memref<80x128xf32, #tpu.memory_space<vmem>>) target(%dma_start3A_52 : memref<10112x128xf32, #tpu.memory_space<vmem_shared>>) offsets(%arg7 : memref<80xi32, #tpu.memory_space<vmem>>) semaphore(%run_scoped3A : memref<!tpu.dma_semaphore, #tpu.memory_space<semaphore_mem>>) {add = true}
        %dma_wait3A = arith.constant 0 : i32
        %dma_wait3A_53 = arith.constant 0 : i32
        %dma_wait3A_54 = tpu.memref_slice %arg4[%dma_wait3A, %dma_wait3A_53] : memref<10112x128xf32, #tpu.memory_space<vmem_shared>> -> memref<10112x128xf32, #tpu.memory_space<vmem_shared>>
        tpu.wait_indirect_dma semaphore(%run_scoped3A : memref<!tpu.dma_semaphore, #tpu.memory_space<semaphore_mem>>) src(%arg5 : memref<80x128xf32, #tpu.memory_space<vmem>>) dst(%dma_wait3A_54 : memref<10112x128xf32, #tpu.memory_space<vmem_shared>>)
        tpu.yield
      }) : () -> ()
      %scan3A_50 = arith.constant 0 : i32
      scf.yield %scan3A_50 : i32
    }
    %scan3A_33 = arith.constant 125 : i32
    %barrier3A_34 = arith.constant 0 : index
    tpu.barrier barrier_id(%barrier3A_34)
    %scan3A_35 = arith.constant 0 : i32
    %scan3A_36 = arith.constant 0 : i32
    %scan3A_37 = arith.constant 7 : i32
    %scan3A_38 = arith.addi %scan3A_36, %scan3A_37 : i32
    %scan3A_39 = arith.constant 1 : i32
    %scan3A_40 = scf.for %scan3A_45 = %scan3A_36 to %scan3A_38 step %scan3A_39 iter_args(%scan3A_46 = %scan3A_35) -> (i32)  : i32 {
      %mul3A_47 = arith.constant 632 : i32
      %mul3A_48 = arith.muli %arg1, %mul3A_47 : i32
      %mul3A_49 = arith.constant 80 : i32
      %mul3A_50 = arith.muli %scan3A_45, %mul3A_49 : i32
      %add3A_51 = arith.addi %mul3A_48, %mul3A_50 : i32
      "tpu.region"() ({
        %run_scoped3A = tpu.sem_alloc : memref<!tpu.dma_semaphore, #tpu.memory_space<semaphore_mem>>
        %dma_start3A = arith.constant 0 : i32
        %dma_start3A_56 = tpu.memref_slice %arg4[%add3A_51, %dma_start3A] : memref<10112x128xf32, #tpu.memory_space<vmem_shared>> -> memref<80x128xf32, #tpu.memory_space<vmem_shared>>
        %dma_start3A_57 = arith.constant 0 : i32
        %dma_start3A_58 = tpu.memref_slice %arg4[%add3A_51, %dma_start3A_57] : memref<10112x128xf32, #tpu.memory_space<vmem_shared>> -> memref<80x128xf32, #tpu.memory_space<vmem_shared>>
        tpu.enqueue_dma source(%dma_start3A_58 : memref<80x128xf32, #tpu.memory_space<vmem_shared>>) target(%arg6 : memref<80x128xf32, #tpu.memory_space<vmem>>) target_semaphore(%run_scoped3A : memref<!tpu.dma_semaphore, #tpu.memory_space<semaphore_mem>>)
        %dma_wait3A = arith.constant 0 : i32
        %dma_wait3A_59 = tpu.memref_slice %arg4[%add3A_51, %dma_wait3A] : memref<10112x128xf32, #tpu.memory_space<vmem_shared>> -> memref<80x128xf32, #tpu.memory_space<vmem_shared>>
        %dma_wait3A_60 = arith.constant 0 : i32
        %dma_wait3A_61 = tpu.memref_slice %arg4[%add3A_51, %dma_wait3A_60] : memref<10112x128xf32, #tpu.memory_space<vmem_shared>> -> memref<80x128xf32, #tpu.memory_space<vmem_shared>>
        tpu.wait_dma2 semaphore(%run_scoped3A : memref<!tpu.dma_semaphore, #tpu.memory_space<semaphore_mem>>) src(%dma_wait3A_61 : memref<80x128xf32, #tpu.memory_space<vmem_shared>>) dst(%arg6 : memref<80x128xf32, #tpu.memory_space<vmem>>)
        tpu.yield
      }) : () -> ()
      %mul3A_52 = arith.constant 10112 : i32
      %mul3A_53 = arith.muli %arg0, %mul3A_52 : i32
      %add3A_54 = arith.addi %mul3A_53, %add3A_51 : i32
      "tpu.region"() ({
        %run_scoped3A = tpu.sem_alloc : memref<!tpu.dma_semaphore, #tpu.memory_space<semaphore_mem>>
        %dma_start3A = arith.constant 0 : i32
        %dma_start3A_56 = tpu.memref_slice %arg3[%add3A_54, %dma_start3A] : memref<20224x128xf32, #tpu.memory_space<hbm>> -> memref<80x128xf32, #tpu.memory_space<hbm>>
        %dma_start3A_57 = arith.constant 0 : i32
        %dma_start3A_58 = tpu.memref_slice %arg3[%add3A_54, %dma_start3A_57] : memref<20224x128xf32, #tpu.memory_space<hbm>> -> memref<80x128xf32, #tpu.memory_space<hbm>>
        tpu.enqueue_dma source(%arg6 : memref<80x128xf32, #tpu.memory_space<vmem>>) target(%dma_start3A_58 : memref<80x128xf32, #tpu.memory_space<hbm>>) target_semaphore(%run_scoped3A : memref<!tpu.dma_semaphore, #tpu.memory_space<semaphore_mem>>)
        %dma_wait3A = arith.constant 0 : i32
        %dma_wait3A_59 = tpu.memref_slice %arg3[%add3A_54, %dma_wait3A] : memref<20224x128xf32, #tpu.memory_space<hbm>> -> memref<80x128xf32, #tpu.memory_space<hbm>>
        %dma_wait3A_60 = arith.constant 0 : i32
        %dma_wait3A_61 = tpu.memref_slice %arg3[%add3A_54, %dma_wait3A_60] : memref<20224x128xf32, #tpu.memory_space<hbm>> -> memref<80x128xf32, #tpu.memory_space<hbm>>
        tpu.wait_dma2 semaphore(%run_scoped3A : memref<!tpu.dma_semaphore, #tpu.memory_space<semaphore_mem>>) src(%arg6 : memref<80x128xf32, #tpu.memory_space<vmem>>) dst(%dma_wait3A_61 : memref<80x128xf32, #tpu.memory_space<hbm>>)
        tpu.yield
      }) : () -> ()
      %scan3A_55 = arith.constant 0 : i32
      scf.yield %scan3A_55 : i32
    }
    %scan3A_41 = arith.constant 7 : i32
    "tpu.region"() ({
      %run_scoped3A = tpu.sem_alloc : memref<!tpu.dma_semaphore, #tpu.memory_space<semaphore_mem>>
      %dma_start3A = arith.constant 0 : i32
      %dma_start3A_45 = arith.constant 0 : i32
      %dma_start3A_46 = tpu.memref_slice %arg6[%dma_start3A, %dma_start3A_45] : memref<80x128xf32, #tpu.memory_space<vmem>> -> memref<72x128xf32, #tpu.memory_space<vmem>>
      %dma_start3A_47 = arith.constant 0 : i32
      %dma_start3A_48 = tpu.memref_slice %arg4[%add3A_6, %dma_start3A_47] : memref<10112x128xf32, #tpu.memory_space<vmem_shared>> -> memref<72x128xf32, #tpu.memory_space<vmem_shared>>
      %dma_start3A_49 = arith.constant 0 : i32
      %dma_start3A_50 = arith.constant 0 : i32
      %dma_start3A_51 = tpu.memref_slice %arg6[%dma_start3A_49, %dma_start3A_50] : memref<80x128xf32, #tpu.memory_space<vmem>> -> memref<72x128xf32, #tpu.memory_space<vmem>>
      %dma_start3A_52 = arith.constant 0 : i32
      %dma_start3A_53 = tpu.memref_slice %arg4[%add3A_6, %dma_start3A_52] : memref<10112x128xf32, #tpu.memory_space<vmem_shared>> -> memref<72x128xf32, #tpu.memory_space<vmem_shared>>
      tpu.enqueue_dma source(%dma_start3A_53 : memref<72x128xf32, #tpu.memory_space<vmem_shared>>) target(%dma_start3A_51 : memref<72x128xf32, #tpu.memory_space<vmem>>) target_semaphore(%run_scoped3A : memref<!tpu.dma_semaphore, #tpu.memory_space<semaphore_mem>>)
      %dma_wait3A = arith.constant 0 : i32
      %dma_wait3A_54 = arith.constant 0 : i32
      %dma_wait3A_55 = tpu.memref_slice %arg6[%dma_wait3A, %dma_wait3A_54] : memref<80x128xf32, #tpu.memory_space<vmem>> -> memref<72x128xf32, #tpu.memory_space<vmem>>
      %dma_wait3A_56 = arith.constant 0 : i32
      %dma_wait3A_57 = tpu.memref_slice %arg4[%add3A_6, %dma_wait3A_56] : memref<10112x128xf32, #tpu.memory_space<vmem_shared>> -> memref<72x128xf32, #tpu.memory_space<vmem_shared>>
      %dma_wait3A_58 = arith.constant 0 : i32
      %dma_wait3A_59 = arith.constant 0 : i32
      %dma_wait3A_60 = tpu.memref_slice %arg6[%dma_wait3A_58, %dma_wait3A_59] : memref<80x128xf32, #tpu.memory_space<vmem>> -> memref<72x128xf32, #tpu.memory_space<vmem>>
      %dma_wait3A_61 = arith.constant 0 : i32
      %dma_wait3A_62 = tpu.memref_slice %arg4[%add3A_6, %dma_wait3A_61] : memref<10112x128xf32, #tpu.memory_space<vmem_shared>> -> memref<72x128xf32, #tpu.memory_space<vmem_shared>>
      tpu.wait_dma2 semaphore(%run_scoped3A : memref<!tpu.dma_semaphore, #tpu.memory_space<semaphore_mem>>) src(%dma_wait3A_62 : memref<72x128xf32, #tpu.memory_space<vmem_shared>>) dst(%dma_wait3A_60 : memref<72x128xf32, #tpu.memory_space<vmem>>)
      tpu.yield
    }) : () -> ()
    %mul3A_42 = arith.constant 10112 : i32
    %mul3A_43 = arith.muli %arg0, %mul3A_42 : i32
    %add3A_44 = arith.addi %mul3A_43, %add3A_6 : i32
    "tpu.region"() ({
      %run_scoped3A = tpu.sem_alloc : memref<!tpu.dma_semaphore, #tpu.memory_space<semaphore_mem>>
      %dma_start3A = arith.constant 0 : i32
      %dma_start3A_45 = arith.constant 0 : i32
      %dma_start3A_46 = tpu.memref_slice %arg6[%dma_start3A, %dma_start3A_45] : memref<80x128xf32, #tpu.memory_space<vmem>> -> memref<72x128xf32, #tpu.memory_space<vmem>>
      %dma_start3A_47 = arith.constant 0 : i32
      %dma_start3A_48 = tpu.memref_slice %arg3[%add3A_44, %dma_start3A_47] : memref<20224x128xf32, #tpu.memory_space<hbm>> -> memref<72x128xf32, #tpu.memory_space<hbm>>
      %dma_start3A_49 = arith.constant 0 : i32
      %dma_start3A_50 = tpu.memref_slice %arg3[%add3A_44, %dma_start3A_49] : memref<20224x128xf32, #tpu.memory_space<hbm>> -> memref<72x128xf32, #tpu.memory_space<hbm>>
      %dma_start3A_51 = arith.constant 0 : i32
      %dma_start3A_52 = arith.constant 0 : i32
      %dma_start3A_53 = tpu.memref_slice %arg6[%dma_start3A_51, %dma_start3A_52] : memref<80x128xf32, #tpu.memory_space<vmem>> -> memref<72x128xf32, #tpu.memory_space<vmem>>
      tpu.enqueue_dma source(%dma_start3A_53 : memref<72x128xf32, #tpu.memory_space<vmem>>) target(%dma_start3A_50 : memref<72x128xf32, #tpu.memory_space<hbm>>) target_semaphore(%run_scoped3A : memref<!tpu.dma_semaphore, #tpu.memory_space<semaphore_mem>>)
      %dma_wait3A = arith.constant 0 : i32
      %dma_wait3A_54 = arith.constant 0 : i32
      %dma_wait3A_55 = tpu.memref_slice %arg6[%dma_wait3A, %dma_wait3A_54] : memref<80x128xf32, #tpu.memory_space<vmem>> -> memref<72x128xf32, #tpu.memory_space<vmem>>
      %dma_wait3A_56 = arith.constant 0 : i32
      %dma_wait3A_57 = tpu.memref_slice %arg3[%add3A_44, %dma_wait3A_56] : memref<20224x128xf32, #tpu.memory_space<hbm>> -> memref<72x128xf32, #tpu.memory_space<hbm>>
      %dma_wait3A_58 = arith.constant 0 : i32
      %dma_wait3A_59 = tpu.memref_slice %arg3[%add3A_44, %dma_wait3A_58] : memref<20224x128xf32, #tpu.memory_space<hbm>> -> memref<72x128xf32, #tpu.memory_space<hbm>>
      %dma_wait3A_60 = arith.constant 0 : i32
      %dma_wait3A_61 = arith.constant 0 : i32
      %dma_wait3A_62 = tpu.memref_slice %arg6[%dma_wait3A_60, %dma_wait3A_61] : memref<80x128xf32, #tpu.memory_space<vmem>> -> memref<72x128xf32, #tpu.memory_space<vmem>>
      tpu.wait_dma2 semaphore(%run_scoped3A : memref<!tpu.dma_semaphore, #tpu.memory_space<semaphore_mem>>) src(%dma_wait3A_62 : memref<72x128xf32, #tpu.memory_space<vmem>>) dst(%dma_wait3A_59 : memref<72x128xf32, #tpu.memory_space<hbm>>)
      tpu.yield
    }) : () -> ()
    return
  }
}

#map = affine_map<(d0, d1) -> (0, 0)>
#map1 = affine_map<(d0, d1) -> (0)>
module attributes {stable_mosaic.version = 14 : i64} {
  func.func @body(%arg0: i32, %arg1: i32, %arg2: memref<10000x128xf32, #tpu.memory_space<hbm>>, %arg3: memref<10000x128xf32, #tpu.memory_space<hbm>>, %arg4: memref<320000xi32, #tpu.memory_space<hbm>>, %arg5: memref<320000xi32, #tpu.memory_space<hbm>>, %arg6: memref<320000x128xf32, #tpu.memory_space<hbm>>, %arg7: memref<128xi32, #tpu.memory_space<vmem>>, %arg8: memref<128xi32, #tpu.memory_space<vmem>>, %arg9: memref<128x128xf32, #tpu.memory_space<vmem>>, %arg10: memref<128x128xf32, #tpu.memory_space<vmem>>, %arg11: memref<16xi32, #tpu.memory_space<vmem>>, %arg12: memref<16xi32, #tpu.memory_space<vmem>>, %arg13: memref<16x128xf32, #tpu.memory_space<vmem>>, %arg14: memref<16x128xf32, #tpu.memory_space<vmem>>, %arg15: memref<!tpu.dma_semaphore, #tpu.memory_space<semaphore_mem>>) attributes {dimension_semantics = [#tpu.dimension_semantics<core_parallel>, #tpu.dimension_semantics<subcore_parallel>], iteration_bounds = array<i64: 2, 16>, scalar_prefetch = 0 : i64, scratch_operands = 9 : i64, tpu.core_type = #tpu.core_type<sc_vector_subcore>, window_params = [{transform_indices = #map}, {transform_indices = #map}, {transform_indices = #map1}, {transform_indices = #map1}, {transform_indices = #map}]} {
    %mul3A = arith.constant 2 : i32
    %mul3A_0 = arith.muli %arg1, %mul3A : i32
    %add3A = arith.addi %mul3A_0, %arg0 : i32
    %mul3A_1 = arith.constant 10000 : i32
    %mul3A_2 = arith.muli %add3A, %mul3A_1 : i32
    %scan3A = arith.constant 0 : i32
    %scan3A_3 = arith.constant 0 : i32
    %scan3A_4 = arith.constant 78 : i32
    %scan3A_5 = arith.addi %scan3A_3, %scan3A_4 : i32
    %scan3A_6 = arith.constant 1 : i32
    %scan3A_7 = scf.for %scan3A_36 = %scan3A_3 to %scan3A_5 step %scan3A_6 iter_args(%scan3A_37 = %scan3A) -> (i32)  : i32 {
      %mul3A_38 = arith.constant 128 : i32
      %mul3A_39 = arith.muli %scan3A_36, %mul3A_38 : i32
      %add3A_40 = arith.addi %mul3A_2, %mul3A_39 : i32
      %dma_start3A_41 = tpu.memref_slice %arg4[%add3A_40] : memref<320000xi32, #tpu.memory_space<hbm>> -> memref<128xi32, #tpu.memory_space<hbm>>
      %dma_start3A_42 = tpu.memref_slice %arg4[%add3A_40] : memref<320000xi32, #tpu.memory_space<hbm>> -> memref<128xi32, #tpu.memory_space<hbm>>
      tpu.enqueue_dma source(%dma_start3A_42 : memref<128xi32, #tpu.memory_space<hbm>>) target(%arg7 : memref<128xi32, #tpu.memory_space<vmem>>) target_semaphore(%arg15 : memref<!tpu.dma_semaphore, #tpu.memory_space<semaphore_mem>>)
      %dma_start3A_43 = tpu.memref_slice %arg5[%add3A_40] : memref<320000xi32, #tpu.memory_space<hbm>> -> memref<128xi32, #tpu.memory_space<hbm>>
      %dma_start3A_44 = tpu.memref_slice %arg5[%add3A_40] : memref<320000xi32, #tpu.memory_space<hbm>> -> memref<128xi32, #tpu.memory_space<hbm>>
      tpu.enqueue_dma source(%dma_start3A_44 : memref<128xi32, #tpu.memory_space<hbm>>) target(%arg8 : memref<128xi32, #tpu.memory_space<vmem>>) target_semaphore(%arg15 : memref<!tpu.dma_semaphore, #tpu.memory_space<semaphore_mem>>)
      %dma_wait3A_45 = tpu.memref_slice %arg4[%add3A_40] : memref<320000xi32, #tpu.memory_space<hbm>> -> memref<128xi32, #tpu.memory_space<hbm>>
      %dma_wait3A_46 = tpu.memref_slice %arg4[%add3A_40] : memref<320000xi32, #tpu.memory_space<hbm>> -> memref<128xi32, #tpu.memory_space<hbm>>
      tpu.wait_dma2 semaphore(%arg15 : memref<!tpu.dma_semaphore, #tpu.memory_space<semaphore_mem>>) src(%dma_wait3A_46 : memref<128xi32, #tpu.memory_space<hbm>>) dst(%arg7 : memref<128xi32, #tpu.memory_space<vmem>>)
      %dma_wait3A_47 = tpu.memref_slice %arg5[%add3A_40] : memref<320000xi32, #tpu.memory_space<hbm>> -> memref<128xi32, #tpu.memory_space<hbm>>
      %dma_wait3A_48 = tpu.memref_slice %arg5[%add3A_40] : memref<320000xi32, #tpu.memory_space<hbm>> -> memref<128xi32, #tpu.memory_space<hbm>>
      tpu.wait_dma2 semaphore(%arg15 : memref<!tpu.dma_semaphore, #tpu.memory_space<semaphore_mem>>) src(%dma_wait3A_48 : memref<128xi32, #tpu.memory_space<hbm>>) dst(%arg8 : memref<128xi32, #tpu.memory_space<vmem>>)
      %dma_start3A_49 = arith.constant 0 : i32
      %dma_start3A_50 = arith.constant 0 : i32
      %dma_start3A_51 = tpu.memref_slice %arg2[%dma_start3A_49, %dma_start3A_50] : memref<10000x128xf32, #tpu.memory_space<hbm>> -> memref<10000x128xf32, #tpu.memory_space<hbm>>
      tpu.enqueue_indirect_dma source(%dma_start3A_51 : memref<10000x128xf32, #tpu.memory_space<hbm>>) target(%arg9 : memref<128x128xf32, #tpu.memory_space<vmem>>) offsets(%arg7 : memref<128xi32, #tpu.memory_space<vmem>>) semaphore(%arg15 : memref<!tpu.dma_semaphore, #tpu.memory_space<semaphore_mem>>)
      %dma_start3A_52 = arith.constant 0 : i32
      %dma_start3A_53 = arith.constant 0 : i32
      %dma_start3A_54 = tpu.memref_slice %arg3[%dma_start3A_52, %dma_start3A_53] : memref<10000x128xf32, #tpu.memory_space<hbm>> -> memref<10000x128xf32, #tpu.memory_space<hbm>>
      tpu.enqueue_indirect_dma source(%dma_start3A_54 : memref<10000x128xf32, #tpu.memory_space<hbm>>) target(%arg10 : memref<128x128xf32, #tpu.memory_space<vmem>>) offsets(%arg8 : memref<128xi32, #tpu.memory_space<vmem>>) semaphore(%arg15 : memref<!tpu.dma_semaphore, #tpu.memory_space<semaphore_mem>>)
      %dma_wait3A_55 = arith.constant 0 : i32
      %dma_wait3A_56 = arith.constant 0 : i32
      %dma_wait3A_57 = tpu.memref_slice %arg2[%dma_wait3A_55, %dma_wait3A_56] : memref<10000x128xf32, #tpu.memory_space<hbm>> -> memref<10000x128xf32, #tpu.memory_space<hbm>>
      tpu.wait_indirect_dma semaphore(%arg15 : memref<!tpu.dma_semaphore, #tpu.memory_space<semaphore_mem>>) src(%dma_wait3A_57 : memref<10000x128xf32, #tpu.memory_space<hbm>>) dst(%arg9 : memref<128x128xf32, #tpu.memory_space<vmem>>)
      %dma_wait3A_58 = arith.constant 0 : i32
      %dma_wait3A_59 = arith.constant 0 : i32
      %dma_wait3A_60 = tpu.memref_slice %arg3[%dma_wait3A_58, %dma_wait3A_59] : memref<10000x128xf32, #tpu.memory_space<hbm>> -> memref<10000x128xf32, #tpu.memory_space<hbm>>
      tpu.wait_indirect_dma semaphore(%arg15 : memref<!tpu.dma_semaphore, #tpu.memory_space<semaphore_mem>>) src(%dma_wait3A_60 : memref<10000x128xf32, #tpu.memory_space<hbm>>) dst(%arg10 : memref<128x128xf32, #tpu.memory_space<vmem>>)
      %scan3A_61 = arith.constant 0 : i32
      %scan3A_62 = arith.constant 0 : i32
      %scan3A_63 = arith.constant 128 : i32
      %scan3A_64 = arith.addi %scan3A_62, %scan3A_63 : i32
      %scan3A_65 = arith.constant 1 : i32
      %scan3A_66 = scf.for %scan3A_69 = %scan3A_62 to %scan3A_64 step %scan3A_65 iter_args(%scan3A_70 = %scan3A_61) -> (i32)  : i32 {
        %get3A = arith.index_cast %scan3A_69 : i32 to index
        %get3A_71 = arith.constant 0 : index
        %get3A_72 = tpu.vector_load %arg9[%get3A, %get3A_71] {strides = array<i32>} : memref<128x128xf32, #tpu.memory_space<vmem>>, vector<1x16xf32>,
        %get3A_73 = vector.shape_cast %get3A_72 : vector<1x16xf32> to vector<16xf32>
        %get3A_74 = arith.index_cast %scan3A_69 : i32 to index
        %get3A_75 = arith.constant 0 : index
        %get3A_76 = tpu.vector_load %arg10[%get3A_74, %get3A_75] {strides = array<i32>} : memref<128x128xf32, #tpu.memory_space<vmem>>, vector<1x16xf32>,
        %get3A_77 = vector.shape_cast %get3A_76 : vector<1x16xf32> to vector<16xf32>
        %add3A_78 = arith.addf %get3A_73, %get3A_77 : vector<16xf32>
        %swap3A = arith.index_cast %scan3A_69 : i32 to index
        %swap3A_79 = arith.constant 0 : index
        %swap3A_80 = tpu.vector_load %arg9[%swap3A, %swap3A_79] {strides = array<i32>} : memref<128x128xf32, #tpu.memory_space<vmem>>, vector<1x16xf32>,
        %swap3A_81 = vector.shape_cast %swap3A_80 : vector<1x16xf32> to vector<16xf32>
        %swap3A_82 = vector.shape_cast %add3A_78 : vector<16xf32> to vector<1x16xf32>
        tpu.vector_store %arg9[%swap3A, %swap3A_79], %swap3A_82 {strides = array<i32>} : memref<128x128xf32, #tpu.memory_space<vmem>>, vector<1x16xf32>,
        %get3A_83 = arith.index_cast %scan3A_69 : i32 to index
        %get3A_84 = arith.constant 16 : index
        %get3A_85 = tpu.vector_load %arg9[%get3A_83, %get3A_84] {strides = array<i32>} : memref<128x128xf32, #tpu.memory_space<vmem>>, vector<1x16xf32>,
        %get3A_86 = vector.shape_cast %get3A_85 : vector<1x16xf32> to vector<16xf32>
        %get3A_87 = arith.index_cast %scan3A_69 : i32 to index
        %get3A_88 = arith.constant 16 : index
        %get3A_89 = tpu.vector_load %arg10[%get3A_87, %get3A_88] {strides = array<i32>} : memref<128x128xf32, #tpu.memory_space<vmem>>, vector<1x16xf32>,
        %get3A_90 = vector.shape_cast %get3A_89 : vector<1x16xf32> to vector<16xf32>
        %add3A_91 = arith.addf %get3A_86, %get3A_90 : vector<16xf32>
        %swap3A_92 = arith.index_cast %scan3A_69 : i32 to index
        %swap3A_93 = arith.constant 16 : index
        %swap3A_94 = tpu.vector_load %arg9[%swap3A_92, %swap3A_93] {strides = array<i32>} : memref<128x128xf32, #tpu.memory_space<vmem>>, vector<1x16xf32>,
        %swap3A_95 = vector.shape_cast %swap3A_94 : vector<1x16xf32> to vector<16xf32>
        %swap3A_96 = vector.shape_cast %add3A_91 : vector<16xf32> to vector<1x16xf32>
        tpu.vector_store %arg9[%swap3A_92, %swap3A_93], %swap3A_96 {strides = array<i32>} : memref<128x128xf32, #tpu.memory_space<vmem>>, vector<1x16xf32>,
        %get3A_97 = arith.index_cast %scan3A_69 : i32 to index
        %get3A_98 = arith.constant 32 : index
        %get3A_99 = tpu.vector_load %arg9[%get3A_97, %get3A_98] {strides = array<i32>} : memref<128x128xf32, #tpu.memory_space<vmem>>, vector<1x16xf32>,
        %get3A_100 = vector.shape_cast %get3A_99 : vector<1x16xf32> to vector<16xf32>
        %get3A_101 = arith.index_cast %scan3A_69 : i32 to index
        %get3A_102 = arith.constant 32 : index
        %get3A_103 = tpu.vector_load %arg10[%get3A_101, %get3A_102] {strides = array<i32>} : memref<128x128xf32, #tpu.memory_space<vmem>>, vector<1x16xf32>,
        %get3A_104 = vector.shape_cast %get3A_103 : vector<1x16xf32> to vector<16xf32>
        %add3A_105 = arith.addf %get3A_100, %get3A_104 : vector<16xf32>
        %swap3A_106 = arith.index_cast %scan3A_69 : i32 to index
        %swap3A_107 = arith.constant 32 : index
        %swap3A_108 = tpu.vector_load %arg9[%swap3A_106, %swap3A_107] {strides = array<i32>} : memref<128x128xf32, #tpu.memory_space<vmem>>, vector<1x16xf32>,
        %swap3A_109 = vector.shape_cast %swap3A_108 : vector<1x16xf32> to vector<16xf32>
        %swap3A_110 = vector.shape_cast %add3A_105 : vector<16xf32> to vector<1x16xf32>
        tpu.vector_store %arg9[%swap3A_106, %swap3A_107], %swap3A_110 {strides = array<i32>} : memref<128x128xf32, #tpu.memory_space<vmem>>, vector<1x16xf32>,
        %get3A_111 = arith.index_cast %scan3A_69 : i32 to index
        %get3A_112 = arith.constant 48 : index
        %get3A_113 = tpu.vector_load %arg9[%get3A_111, %get3A_112] {strides = array<i32>} : memref<128x128xf32, #tpu.memory_space<vmem>>, vector<1x16xf32>,
        %get3A_114 = vector.shape_cast %get3A_113 : vector<1x16xf32> to vector<16xf32>
        %get3A_115 = arith.index_cast %scan3A_69 : i32 to index
        %get3A_116 = arith.constant 48 : index
        %get3A_117 = tpu.vector_load %arg10[%get3A_115, %get3A_116] {strides = array<i32>} : memref<128x128xf32, #tpu.memory_space<vmem>>, vector<1x16xf32>,
        %get3A_118 = vector.shape_cast %get3A_117 : vector<1x16xf32> to vector<16xf32>
        %add3A_119 = arith.addf %get3A_114, %get3A_118 : vector<16xf32>
        %swap3A_120 = arith.index_cast %scan3A_69 : i32 to index
        %swap3A_121 = arith.constant 48 : index
        %swap3A_122 = tpu.vector_load %arg9[%swap3A_120, %swap3A_121] {strides = array<i32>} : memref<128x128xf32, #tpu.memory_space<vmem>>, vector<1x16xf32>,
        %swap3A_123 = vector.shape_cast %swap3A_122 : vector<1x16xf32> to vector<16xf32>
        %swap3A_124 = vector.shape_cast %add3A_119 : vector<16xf32> to vector<1x16xf32>
        tpu.vector_store %arg9[%swap3A_120, %swap3A_121], %swap3A_124 {strides = array<i32>} : memref<128x128xf32, #tpu.memory_space<vmem>>, vector<1x16xf32>,
        %get3A_125 = arith.index_cast %scan3A_69 : i32 to index
        %get3A_126 = arith.constant 64 : index
        %get3A_127 = tpu.vector_load %arg9[%get3A_125, %get3A_126] {strides = array<i32>} : memref<128x128xf32, #tpu.memory_space<vmem>>, vector<1x16xf32>,
        %get3A_128 = vector.shape_cast %get3A_127 : vector<1x16xf32> to vector<16xf32>
        %get3A_129 = arith.index_cast %scan3A_69 : i32 to index
        %get3A_130 = arith.constant 64 : index
        %get3A_131 = tpu.vector_load %arg10[%get3A_129, %get3A_130] {strides = array<i32>} : memref<128x128xf32, #tpu.memory_space<vmem>>, vector<1x16xf32>,
        %get3A_132 = vector.shape_cast %get3A_131 : vector<1x16xf32> to vector<16xf32>
        %add3A_133 = arith.addf %get3A_128, %get3A_132 : vector<16xf32>
        %swap3A_134 = arith.index_cast %scan3A_69 : i32 to index
        %swap3A_135 = arith.constant 64 : index
        %swap3A_136 = tpu.vector_load %arg9[%swap3A_134, %swap3A_135] {strides = array<i32>} : memref<128x128xf32, #tpu.memory_space<vmem>>, vector<1x16xf32>,
        %swap3A_137 = vector.shape_cast %swap3A_136 : vector<1x16xf32> to vector<16xf32>
        %swap3A_138 = vector.shape_cast %add3A_133 : vector<16xf32> to vector<1x16xf32>
        tpu.vector_store %arg9[%swap3A_134, %swap3A_135], %swap3A_138 {strides = array<i32>} : memref<128x128xf32, #tpu.memory_space<vmem>>, vector<1x16xf32>,
        %get3A_139 = arith.index_cast %scan3A_69 : i32 to index
        %get3A_140 = arith.constant 80 : index
        %get3A_141 = tpu.vector_load %arg9[%get3A_139, %get3A_140] {strides = array<i32>} : memref<128x128xf32, #tpu.memory_space<vmem>>, vector<1x16xf32>,
        %get3A_142 = vector.shape_cast %get3A_141 : vector<1x16xf32> to vector<16xf32>
        %get3A_143 = arith.index_cast %scan3A_69 : i32 to index
        %get3A_144 = arith.constant 80 : index
        %get3A_145 = tpu.vector_load %arg10[%get3A_143, %get3A_144] {strides = array<i32>} : memref<128x128xf32, #tpu.memory_space<vmem>>, vector<1x16xf32>,
        %get3A_146 = vector.shape_cast %get3A_145 : vector<1x16xf32> to vector<16xf32>
        %add3A_147 = arith.addf %get3A_142, %get3A_146 : vector<16xf32>
        %swap3A_148 = arith.index_cast %scan3A_69 : i32 to index
        %swap3A_149 = arith.constant 80 : index
        %swap3A_150 = tpu.vector_load %arg9[%swap3A_148, %swap3A_149] {strides = array<i32>} : memref<128x128xf32, #tpu.memory_space<vmem>>, vector<1x16xf32>,
        %swap3A_151 = vector.shape_cast %swap3A_150 : vector<1x16xf32> to vector<16xf32>
        %swap3A_152 = vector.shape_cast %add3A_147 : vector<16xf32> to vector<1x16xf32>
        tpu.vector_store %arg9[%swap3A_148, %swap3A_149], %swap3A_152 {strides = array<i32>} : memref<128x128xf32, #tpu.memory_space<vmem>>, vector<1x16xf32>,
        %get3A_153 = arith.index_cast %scan3A_69 : i32 to index
        %get3A_154 = arith.constant 96 : index
        %get3A_155 = tpu.vector_load %arg9[%get3A_153, %get3A_154] {strides = array<i32>} : memref<128x128xf32, #tpu.memory_space<vmem>>, vector<1x16xf32>,
        %get3A_156 = vector.shape_cast %get3A_155 : vector<1x16xf32> to vector<16xf32>
        %get3A_157 = arith.index_cast %scan3A_69 : i32 to index
        %get3A_158 = arith.constant 96 : index
        %get3A_159 = tpu.vector_load %arg10[%get3A_157, %get3A_158] {strides = array<i32>} : memref<128x128xf32, #tpu.memory_space<vmem>>, vector<1x16xf32>,
        %get3A_160 = vector.shape_cast %get3A_159 : vector<1x16xf32> to vector<16xf32>
        %add3A_161 = arith.addf %get3A_156, %get3A_160 : vector<16xf32>
        %swap3A_162 = arith.index_cast %scan3A_69 : i32 to index
        %swap3A_163 = arith.constant 96 : index
        %swap3A_164 = tpu.vector_load %arg9[%swap3A_162, %swap3A_163] {strides = array<i32>} : memref<128x128xf32, #tpu.memory_space<vmem>>, vector<1x16xf32>,
        %swap3A_165 = vector.shape_cast %swap3A_164 : vector<1x16xf32> to vector<16xf32>
        %swap3A_166 = vector.shape_cast %add3A_161 : vector<16xf32> to vector<1x16xf32>
        tpu.vector_store %arg9[%swap3A_162, %swap3A_163], %swap3A_166 {strides = array<i32>} : memref<128x128xf32, #tpu.memory_space<vmem>>, vector<1x16xf32>,
        %get3A_167 = arith.index_cast %scan3A_69 : i32 to index
        %get3A_168 = arith.constant 112 : index
        %get3A_169 = tpu.vector_load %arg9[%get3A_167, %get3A_168] {strides = array<i32>} : memref<128x128xf32, #tpu.memory_space<vmem>>, vector<1x16xf32>,
        %get3A_170 = vector.shape_cast %get3A_169 : vector<1x16xf32> to vector<16xf32>
        %get3A_171 = arith.index_cast %scan3A_69 : i32 to index
        %get3A_172 = arith.constant 112 : index
        %get3A_173 = tpu.vector_load %arg10[%get3A_171, %get3A_172] {strides = array<i32>} : memref<128x128xf32, #tpu.memory_space<vmem>>, vector<1x16xf32>,
        %get3A_174 = vector.shape_cast %get3A_173 : vector<1x16xf32> to vector<16xf32>
        %add3A_175 = arith.addf %get3A_170, %get3A_174 : vector<16xf32>
        %swap3A_176 = arith.index_cast %scan3A_69 : i32 to index
        %swap3A_177 = arith.constant 112 : index
        %swap3A_178 = tpu.vector_load %arg9[%swap3A_176, %swap3A_177] {strides = array<i32>} : memref<128x128xf32, #tpu.memory_space<vmem>>, vector<1x16xf32>,
        %swap3A_179 = vector.shape_cast %swap3A_178 : vector<1x16xf32> to vector<16xf32>
        %swap3A_180 = vector.shape_cast %add3A_175 : vector<16xf32> to vector<1x16xf32>
        tpu.vector_store %arg9[%swap3A_176, %swap3A_177], %swap3A_180 {strides = array<i32>} : memref<128x128xf32, #tpu.memory_space<vmem>>, vector<1x16xf32>,
        %scan3A_181 = arith.constant 0 : i32
        scf.yield %scan3A_181 : i32
      }
      %scan3A_67 = arith.constant 128 : i32
      "tpu.region"() ({
        %run_scoped3A = tpu.sem_alloc : memref<!tpu.dma_semaphore, #tpu.memory_space<semaphore_mem>>
        %dma_start3A_69 = arith.constant 0 : i32
        %dma_start3A_70 = tpu.memref_slice %arg6[%add3A_40, %dma_start3A_69] : memref<320000x128xf32, #tpu.memory_space<hbm>> -> memref<128x128xf32, #tpu.memory_space<hbm>>
        %dma_start3A_71 = arith.constant 0 : i32
        %dma_start3A_72 = tpu.memref_slice %arg6[%add3A_40, %dma_start3A_71] : memref<320000x128xf32, #tpu.memory_space<hbm>> -> memref<128x128xf32, #tpu.memory_space<hbm>>
        tpu.enqueue_dma source(%arg9 : memref<128x128xf32, #tpu.memory_space<vmem>>) target(%dma_start3A_72 : memref<128x128xf32, #tpu.memory_space<hbm>>) target_semaphore(%run_scoped3A : memref<!tpu.dma_semaphore, #tpu.memory_space<semaphore_mem>>)
        %dma_wait3A_73 = arith.constant 0 : i32
        %dma_wait3A_74 = tpu.memref_slice %arg6[%add3A_40, %dma_wait3A_73] : memref<320000x128xf32, #tpu.memory_space<hbm>> -> memref<128x128xf32, #tpu.memory_space<hbm>>
        %dma_wait3A_75 = arith.constant 0 : i32
        %dma_wait3A_76 = tpu.memref_slice %arg6[%add3A_40, %dma_wait3A_75] : memref<320000x128xf32, #tpu.memory_space<hbm>> -> memref<128x128xf32, #tpu.memory_space<hbm>>
        tpu.wait_dma2 semaphore(%run_scoped3A : memref<!tpu.dma_semaphore, #tpu.memory_space<semaphore_mem>>) src(%arg9 : memref<128x128xf32, #tpu.memory_space<vmem>>) dst(%dma_wait3A_76 : memref<128x128xf32, #tpu.memory_space<hbm>>)
        tpu.yield
      }) : () -> ()
      %scan3A_68 = arith.constant 0 : i32
      scf.yield %scan3A_68 : i32
    }
    %scan3A_8 = arith.constant 78 : i32
    %add3A_9 = arith.constant 9984 : i32
    %add3A_10 = arith.addi %mul3A_2, %add3A_9 : i32
    %dma_start3A = tpu.memref_slice %arg4[%add3A_10] : memref<320000xi32, #tpu.memory_space<hbm>> -> memref<16xi32, #tpu.memory_space<hbm>>
    %dma_start3A_11 = tpu.memref_slice %arg4[%add3A_10] : memref<320000xi32, #tpu.memory_space<hbm>> -> memref<16xi32, #tpu.memory_space<hbm>>
    tpu.enqueue_dma source(%dma_start3A_11 : memref<16xi32, #tpu.memory_space<hbm>>) target(%arg11 : memref<16xi32, #tpu.memory_space<vmem>>) target_semaphore(%arg15 : memref<!tpu.dma_semaphore, #tpu.memory_space<semaphore_mem>>)
    %dma_start3A_12 = tpu.memref_slice %arg5[%add3A_10] : memref<320000xi32, #tpu.memory_space<hbm>> -> memref<16xi32, #tpu.memory_space<hbm>>
    %dma_start3A_13 = tpu.memref_slice %arg5[%add3A_10] : memref<320000xi32, #tpu.memory_space<hbm>> -> memref<16xi32, #tpu.memory_space<hbm>>
    tpu.enqueue_dma source(%dma_start3A_13 : memref<16xi32, #tpu.memory_space<hbm>>) target(%arg12 : memref<16xi32, #tpu.memory_space<vmem>>) target_semaphore(%arg15 : memref<!tpu.dma_semaphore, #tpu.memory_space<semaphore_mem>>)
    %dma_wait3A = tpu.memref_slice %arg4[%add3A_10] : memref<320000xi32, #tpu.memory_space<hbm>> -> memref<16xi32, #tpu.memory_space<hbm>>
    %dma_wait3A_14 = tpu.memref_slice %arg4[%add3A_10] : memref<320000xi32, #tpu.memory_space<hbm>> -> memref<16xi32, #tpu.memory_space<hbm>>
    tpu.wait_dma2 semaphore(%arg15 : memref<!tpu.dma_semaphore, #tpu.memory_space<semaphore_mem>>) src(%dma_wait3A_14 : memref<16xi32, #tpu.memory_space<hbm>>) dst(%arg11 : memref<16xi32, #tpu.memory_space<vmem>>)
    %dma_wait3A_15 = tpu.memref_slice %arg5[%add3A_10] : memref<320000xi32, #tpu.memory_space<hbm>> -> memref<16xi32, #tpu.memory_space<hbm>>
    %dma_wait3A_16 = tpu.memref_slice %arg5[%add3A_10] : memref<320000xi32, #tpu.memory_space<hbm>> -> memref<16xi32, #tpu.memory_space<hbm>>
    tpu.wait_dma2 semaphore(%arg15 : memref<!tpu.dma_semaphore, #tpu.memory_space<semaphore_mem>>) src(%dma_wait3A_16 : memref<16xi32, #tpu.memory_space<hbm>>) dst(%arg12 : memref<16xi32, #tpu.memory_space<vmem>>)
    %dma_start3A_17 = arith.constant 0 : i32
    %dma_start3A_18 = arith.constant 0 : i32
    %dma_start3A_19 = tpu.memref_slice %arg2[%dma_start3A_17, %dma_start3A_18] : memref<10000x128xf32, #tpu.memory_space<hbm>> -> memref<10000x128xf32, #tpu.memory_space<hbm>>
    tpu.enqueue_indirect_dma source(%dma_start3A_19 : memref<10000x128xf32, #tpu.memory_space<hbm>>) target(%arg13 : memref<16x128xf32, #tpu.memory_space<vmem>>) offsets(%arg11 : memref<16xi32, #tpu.memory_space<vmem>>) semaphore(%arg15 : memref<!tpu.dma_semaphore, #tpu.memory_space<semaphore_mem>>)
    %dma_start3A_20 = arith.constant 0 : i32
    %dma_start3A_21 = arith.constant 0 : i32
    %dma_start3A_22 = tpu.memref_slice %arg3[%dma_start3A_20, %dma_start3A_21] : memref<10000x128xf32, #tpu.memory_space<hbm>> -> memref<10000x128xf32, #tpu.memory_space<hbm>>
    tpu.enqueue_indirect_dma source(%dma_start3A_22 : memref<10000x128xf32, #tpu.memory_space<hbm>>) target(%arg14 : memref<16x128xf32, #tpu.memory_space<vmem>>) offsets(%arg12 : memref<16xi32, #tpu.memory_space<vmem>>) semaphore(%arg15 : memref<!tpu.dma_semaphore, #tpu.memory_space<semaphore_mem>>)
    %dma_wait3A_23 = arith.constant 0 : i32
    %dma_wait3A_24 = arith.constant 0 : i32
    %dma_wait3A_25 = tpu.memref_slice %arg2[%dma_wait3A_23, %dma_wait3A_24] : memref<10000x128xf32, #tpu.memory_space<hbm>> -> memref<10000x128xf32, #tpu.memory_space<hbm>>
    tpu.wait_indirect_dma semaphore(%arg15 : memref<!tpu.dma_semaphore, #tpu.memory_space<semaphore_mem>>) src(%dma_wait3A_25 : memref<10000x128xf32, #tpu.memory_space<hbm>>) dst(%arg13 : memref<16x128xf32, #tpu.memory_space<vmem>>)
    %dma_wait3A_26 = arith.constant 0 : i32
    %dma_wait3A_27 = arith.constant 0 : i32
    %dma_wait3A_28 = tpu.memref_slice %arg3[%dma_wait3A_26, %dma_wait3A_27] : memref<10000x128xf32, #tpu.memory_space<hbm>> -> memref<10000x128xf32, #tpu.memory_space<hbm>>
    tpu.wait_indirect_dma semaphore(%arg15 : memref<!tpu.dma_semaphore, #tpu.memory_space<semaphore_mem>>) src(%dma_wait3A_28 : memref<10000x128xf32, #tpu.memory_space<hbm>>) dst(%arg14 : memref<16x128xf32, #tpu.memory_space<vmem>>)
    %scan3A_29 = arith.constant 0 : i32
    %scan3A_30 = arith.constant 0 : i32
    %scan3A_31 = arith.constant 16 : i32
    %scan3A_32 = arith.addi %scan3A_30, %scan3A_31 : i32
    %scan3A_33 = arith.constant 1 : i32
    %scan3A_34 = scf.for %scan3A_36 = %scan3A_30 to %scan3A_32 step %scan3A_33 iter_args(%scan3A_37 = %scan3A_29) -> (i32)  : i32 {
      %get3A = arith.index_cast %scan3A_36 : i32 to index
      %get3A_38 = arith.constant 0 : index
      %get3A_39 = tpu.vector_load %arg13[%get3A, %get3A_38] {strides = array<i32>} : memref<16x128xf32, #tpu.memory_space<vmem>>, vector<1x16xf32>,
      %get3A_40 = vector.shape_cast %get3A_39 : vector<1x16xf32> to vector<16xf32>
      %get3A_41 = arith.index_cast %scan3A_36 : i32 to index
      %get3A_42 = arith.constant 0 : index
      %get3A_43 = tpu.vector_load %arg14[%get3A_41, %get3A_42] {strides = array<i32>} : memref<16x128xf32, #tpu.memory_space<vmem>>, vector<1x16xf32>,
      %get3A_44 = vector.shape_cast %get3A_43 : vector<1x16xf32> to vector<16xf32>
      %add3A_45 = arith.addf %get3A_40, %get3A_44 : vector<16xf32>
      %swap3A = arith.index_cast %scan3A_36 : i32 to index
      %swap3A_46 = arith.constant 0 : index
      %swap3A_47 = tpu.vector_load %arg13[%swap3A, %swap3A_46] {strides = array<i32>} : memref<16x128xf32, #tpu.memory_space<vmem>>, vector<1x16xf32>,
      %swap3A_48 = vector.shape_cast %swap3A_47 : vector<1x16xf32> to vector<16xf32>
      %swap3A_49 = vector.shape_cast %add3A_45 : vector<16xf32> to vector<1x16xf32>
      tpu.vector_store %arg13[%swap3A, %swap3A_46], %swap3A_49 {strides = array<i32>} : memref<16x128xf32, #tpu.memory_space<vmem>>, vector<1x16xf32>,
      %get3A_50 = arith.index_cast %scan3A_36 : i32 to index
      %get3A_51 = arith.constant 16 : index
      %get3A_52 = tpu.vector_load %arg13[%get3A_50, %get3A_51] {strides = array<i32>} : memref<16x128xf32, #tpu.memory_space<vmem>>, vector<1x16xf32>,
      %get3A_53 = vector.shape_cast %get3A_52 : vector<1x16xf32> to vector<16xf32>
      %get3A_54 = arith.index_cast %scan3A_36 : i32 to index
      %get3A_55 = arith.constant 16 : index
      %get3A_56 = tpu.vector_load %arg14[%get3A_54, %get3A_55] {strides = array<i32>} : memref<16x128xf32, #tpu.memory_space<vmem>>, vector<1x16xf32>,
      %get3A_57 = vector.shape_cast %get3A_56 : vector<1x16xf32> to vector<16xf32>
      %add3A_58 = arith.addf %get3A_53, %get3A_57 : vector<16xf32>
      %swap3A_59 = arith.index_cast %scan3A_36 : i32 to index
      %swap3A_60 = arith.constant 16 : index
      %swap3A_61 = tpu.vector_load %arg13[%swap3A_59, %swap3A_60] {strides = array<i32>} : memref<16x128xf32, #tpu.memory_space<vmem>>, vector<1x16xf32>,
      %swap3A_62 = vector.shape_cast %swap3A_61 : vector<1x16xf32> to vector<16xf32>
      %swap3A_63 = vector.shape_cast %add3A_58 : vector<16xf32> to vector<1x16xf32>
      tpu.vector_store %arg13[%swap3A_59, %swap3A_60], %swap3A_63 {strides = array<i32>} : memref<16x128xf32, #tpu.memory_space<vmem>>, vector<1x16xf32>,
      %get3A_64 = arith.index_cast %scan3A_36 : i32 to index
      %get3A_65 = arith.constant 32 : index
      %get3A_66 = tpu.vector_load %arg13[%get3A_64, %get3A_65] {strides = array<i32>} : memref<16x128xf32, #tpu.memory_space<vmem>>, vector<1x16xf32>,
      %get3A_67 = vector.shape_cast %get3A_66 : vector<1x16xf32> to vector<16xf32>
      %get3A_68 = arith.index_cast %scan3A_36 : i32 to index
      %get3A_69 = arith.constant 32 : index
      %get3A_70 = tpu.vector_load %arg14[%get3A_68, %get3A_69] {strides = array<i32>} : memref<16x128xf32, #tpu.memory_space<vmem>>, vector<1x16xf32>,
      %get3A_71 = vector.shape_cast %get3A_70 : vector<1x16xf32> to vector<16xf32>
      %add3A_72 = arith.addf %get3A_67, %get3A_71 : vector<16xf32>
      %swap3A_73 = arith.index_cast %scan3A_36 : i32 to index
      %swap3A_74 = arith.constant 32 : index
      %swap3A_75 = tpu.vector_load %arg13[%swap3A_73, %swap3A_74] {strides = array<i32>} : memref<16x128xf32, #tpu.memory_space<vmem>>, vector<1x16xf32>,
      %swap3A_76 = vector.shape_cast %swap3A_75 : vector<1x16xf32> to vector<16xf32>
      %swap3A_77 = vector.shape_cast %add3A_72 : vector<16xf32> to vector<1x16xf32>
      tpu.vector_store %arg13[%swap3A_73, %swap3A_74], %swap3A_77 {strides = array<i32>} : memref<16x128xf32, #tpu.memory_space<vmem>>, vector<1x16xf32>,
      %get3A_78 = arith.index_cast %scan3A_36 : i32 to index
      %get3A_79 = arith.constant 48 : index
      %get3A_80 = tpu.vector_load %arg13[%get3A_78, %get3A_79] {strides = array<i32>} : memref<16x128xf32, #tpu.memory_space<vmem>>, vector<1x16xf32>,
      %get3A_81 = vector.shape_cast %get3A_80 : vector<1x16xf32> to vector<16xf32>
      %get3A_82 = arith.index_cast %scan3A_36 : i32 to index
      %get3A_83 = arith.constant 48 : index
      %get3A_84 = tpu.vector_load %arg14[%get3A_82, %get3A_83] {strides = array<i32>} : memref<16x128xf32, #tpu.memory_space<vmem>>, vector<1x16xf32>,
      %get3A_85 = vector.shape_cast %get3A_84 : vector<1x16xf32> to vector<16xf32>
      %add3A_86 = arith.addf %get3A_81, %get3A_85 : vector<16xf32>
      %swap3A_87 = arith.index_cast %scan3A_36 : i32 to index
      %swap3A_88 = arith.constant 48 : index
      %swap3A_89 = tpu.vector_load %arg13[%swap3A_87, %swap3A_88] {strides = array<i32>} : memref<16x128xf32, #tpu.memory_space<vmem>>, vector<1x16xf32>,
      %swap3A_90 = vector.shape_cast %swap3A_89 : vector<1x16xf32> to vector<16xf32>
      %swap3A_91 = vector.shape_cast %add3A_86 : vector<16xf32> to vector<1x16xf32>
      tpu.vector_store %arg13[%swap3A_87, %swap3A_88], %swap3A_91 {strides = array<i32>} : memref<16x128xf32, #tpu.memory_space<vmem>>, vector<1x16xf32>,
      %get3A_92 = arith.index_cast %scan3A_36 : i32 to index
      %get3A_93 = arith.constant 64 : index
      %get3A_94 = tpu.vector_load %arg13[%get3A_92, %get3A_93] {strides = array<i32>} : memref<16x128xf32, #tpu.memory_space<vmem>>, vector<1x16xf32>,
      %get3A_95 = vector.shape_cast %get3A_94 : vector<1x16xf32> to vector<16xf32>
      %get3A_96 = arith.index_cast %scan3A_36 : i32 to index
      %get3A_97 = arith.constant 64 : index
      %get3A_98 = tpu.vector_load %arg14[%get3A_96, %get3A_97] {strides = array<i32>} : memref<16x128xf32, #tpu.memory_space<vmem>>, vector<1x16xf32>,
      %get3A_99 = vector.shape_cast %get3A_98 : vector<1x16xf32> to vector<16xf32>
      %add3A_100 = arith.addf %get3A_95, %get3A_99 : vector<16xf32>
      %swap3A_101 = arith.index_cast %scan3A_36 : i32 to index
      %swap3A_102 = arith.constant 64 : index
      %swap3A_103 = tpu.vector_load %arg13[%swap3A_101, %swap3A_102] {strides = array<i32>} : memref<16x128xf32, #tpu.memory_space<vmem>>, vector<1x16xf32>,
      %swap3A_104 = vector.shape_cast %swap3A_103 : vector<1x16xf32> to vector<16xf32>
      %swap3A_105 = vector.shape_cast %add3A_100 : vector<16xf32> to vector<1x16xf32>
      tpu.vector_store %arg13[%swap3A_101, %swap3A_102], %swap3A_105 {strides = array<i32>} : memref<16x128xf32, #tpu.memory_space<vmem>>, vector<1x16xf32>,
      %get3A_106 = arith.index_cast %scan3A_36 : i32 to index
      %get3A_107 = arith.constant 80 : index
      %get3A_108 = tpu.vector_load %arg13[%get3A_106, %get3A_107] {strides = array<i32>} : memref<16x128xf32, #tpu.memory_space<vmem>>, vector<1x16xf32>,
      %get3A_109 = vector.shape_cast %get3A_108 : vector<1x16xf32> to vector<16xf32>
      %get3A_110 = arith.index_cast %scan3A_36 : i32 to index
      %get3A_111 = arith.constant 80 : index
      %get3A_112 = tpu.vector_load %arg14[%get3A_110, %get3A_111] {strides = array<i32>} : memref<16x128xf32, #tpu.memory_space<vmem>>, vector<1x16xf32>,
      %get3A_113 = vector.shape_cast %get3A_112 : vector<1x16xf32> to vector<16xf32>
      %add3A_114 = arith.addf %get3A_109, %get3A_113 : vector<16xf32>
      %swap3A_115 = arith.index_cast %scan3A_36 : i32 to index
      %swap3A_116 = arith.constant 80 : index
      %swap3A_117 = tpu.vector_load %arg13[%swap3A_115, %swap3A_116] {strides = array<i32>} : memref<16x128xf32, #tpu.memory_space<vmem>>, vector<1x16xf32>,
      %swap3A_118 = vector.shape_cast %swap3A_117 : vector<1x16xf32> to vector<16xf32>
      %swap3A_119 = vector.shape_cast %add3A_114 : vector<16xf32> to vector<1x16xf32>
      tpu.vector_store %arg13[%swap3A_115, %swap3A_116], %swap3A_119 {strides = array<i32>} : memref<16x128xf32, #tpu.memory_space<vmem>>, vector<1x16xf32>,
      %get3A_120 = arith.index_cast %scan3A_36 : i32 to index
      %get3A_121 = arith.constant 96 : index
      %get3A_122 = tpu.vector_load %arg13[%get3A_120, %get3A_121] {strides = array<i32>} : memref<16x128xf32, #tpu.memory_space<vmem>>, vector<1x16xf32>,
      %get3A_123 = vector.shape_cast %get3A_122 : vector<1x16xf32> to vector<16xf32>
      %get3A_124 = arith.index_cast %scan3A_36 : i32 to index
      %get3A_125 = arith.constant 96 : index
      %get3A_126 = tpu.vector_load %arg14[%get3A_124, %get3A_125] {strides = array<i32>} : memref<16x128xf32, #tpu.memory_space<vmem>>, vector<1x16xf32>,
      %get3A_127 = vector.shape_cast %get3A_126 : vector<1x16xf32> to vector<16xf32>
      %add3A_128 = arith.addf %get3A_123, %get3A_127 : vector<16xf32>
      %swap3A_129 = arith.index_cast %scan3A_36 : i32 to index
      %swap3A_130 = arith.constant 96 : index
      %swap3A_131 = tpu.vector_load %arg13[%swap3A_129, %swap3A_130] {strides = array<i32>} : memref<16x128xf32, #tpu.memory_space<vmem>>, vector<1x16xf32>,
      %swap3A_132 = vector.shape_cast %swap3A_131 : vector<1x16xf32> to vector<16xf32>
      %swap3A_133 = vector.shape_cast %add3A_128 : vector<16xf32> to vector<1x16xf32>
      tpu.vector_store %arg13[%swap3A_129, %swap3A_130], %swap3A_133 {strides = array<i32>} : memref<16x128xf32, #tpu.memory_space<vmem>>, vector<1x16xf32>,
      %get3A_134 = arith.index_cast %scan3A_36 : i32 to index
      %get3A_135 = arith.constant 112 : index
      %get3A_136 = tpu.vector_load %arg13[%get3A_134, %get3A_135] {strides = array<i32>} : memref<16x128xf32, #tpu.memory_space<vmem>>, vector<1x16xf32>,
      %get3A_137 = vector.shape_cast %get3A_136 : vector<1x16xf32> to vector<16xf32>
      %get3A_138 = arith.index_cast %scan3A_36 : i32 to index
      %get3A_139 = arith.constant 112 : index
      %get3A_140 = tpu.vector_load %arg14[%get3A_138, %get3A_139] {strides = array<i32>} : memref<16x128xf32, #tpu.memory_space<vmem>>, vector<1x16xf32>,
      %get3A_141 = vector.shape_cast %get3A_140 : vector<1x16xf32> to vector<16xf32>
      %add3A_142 = arith.addf %get3A_137, %get3A_141 : vector<16xf32>
      %swap3A_143 = arith.index_cast %scan3A_36 : i32 to index
      %swap3A_144 = arith.constant 112 : index
      %swap3A_145 = tpu.vector_load %arg13[%swap3A_143, %swap3A_144] {strides = array<i32>} : memref<16x128xf32, #tpu.memory_space<vmem>>, vector<1x16xf32>,
      %swap3A_146 = vector.shape_cast %swap3A_145 : vector<1x16xf32> to vector<16xf32>
      %swap3A_147 = vector.shape_cast %add3A_142 : vector<16xf32> to vector<1x16xf32>
      tpu.vector_store %arg13[%swap3A_143, %swap3A_144], %swap3A_147 {strides = array<i32>} : memref<16x128xf32, #tpu.memory_space<vmem>>, vector<1x16xf32>,
      %scan3A_148 = arith.constant 0 : i32
      scf.yield %scan3A_148 : i32
    }
    %scan3A_35 = arith.constant 16 : i32
    "tpu.region"() ({
      %run_scoped3A = tpu.sem_alloc : memref<!tpu.dma_semaphore, #tpu.memory_space<semaphore_mem>>
      %dma_start3A_36 = arith.constant 0 : i32
      %dma_start3A_37 = tpu.memref_slice %arg6[%add3A_10, %dma_start3A_36] : memref<320000x128xf32, #tpu.memory_space<hbm>> -> memref<16x128xf32, #tpu.memory_space<hbm>>
      %dma_start3A_38 = arith.constant 0 : i32
      %dma_start3A_39 = tpu.memref_slice %arg6[%add3A_10, %dma_start3A_38] : memref<320000x128xf32, #tpu.memory_space<hbm>> -> memref<16x128xf32, #tpu.memory_space<hbm>>
      tpu.enqueue_dma source(%arg13 : memref<16x128xf32, #tpu.memory_space<vmem>>) target(%dma_start3A_39 : memref<16x128xf32, #tpu.memory_space<hbm>>) target_semaphore(%run_scoped3A : memref<!tpu.dma_semaphore, #tpu.memory_space<semaphore_mem>>)
      %dma_wait3A_40 = arith.constant 0 : i32
      %dma_wait3A_41 = tpu.memref_slice %arg6[%add3A_10, %dma_wait3A_40] : memref<320000x128xf32, #tpu.memory_space<hbm>> -> memref<16x128xf32, #tpu.memory_space<hbm>>
      %dma_wait3A_42 = arith.constant 0 : i32
      %dma_wait3A_43 = tpu.memref_slice %arg6[%add3A_10, %dma_wait3A_42] : memref<320000x128xf32, #tpu.memory_space<hbm>> -> memref<16x128xf32, #tpu.memory_space<hbm>>
      tpu.wait_dma2 semaphore(%run_scoped3A : memref<!tpu.dma_semaphore, #tpu.memory_space<semaphore_mem>>) src(%arg13 : memref<16x128xf32, #tpu.memory_space<vmem>>) dst(%dma_wait3A_43 : memref<16x128xf32, #tpu.memory_space<hbm>>)
      tpu.yield
    }) : () -> ()
    return
  }
}

module attributes {stable_mosaic.version = 14 : i64} {
  func.func @_edge_body(%arg0: i32, %arg1: memref<4000x128xf32, #tpu.memory_space<vmem>>, %arg2: memref<4000x128xf32, #tpu.memory_space<vmem>>, %arg3: memref<128x128xf32, #tpu.memory_space<vmem>>, %arg4: memref<1x128xf32, #tpu.memory_space<vmem>>, %arg5: memref<128x128xf32, #tpu.memory_space<vmem>>, %arg6: memref<1x128xf32, #tpu.memory_space<vmem>>, %arg7: memref<128x128xf32, #tpu.memory_space<vmem>>, %arg8: memref<1x128xf32, #tpu.memory_space<vmem>>, %arg9: memref<4000x128xf32, #tpu.memory_space<vmem>>, %arg10: memref<4000x128xf32, #tpu.memory_space<vmem>>, %arg11: memref<1x128xf32, #tpu.memory_space<vmem>>) attributes {dimension_semantics = [#tpu.dimension_semantics<arbitrary>], iteration_bounds = array<i64: 80>, scalar_prefetch = 0 : i64, scratch_operands = 0 : i64, tpu.core_type = #tpu.core_type<tc>, window_params = [{transform_indices = @transform_0, window_bounds = array<i64: 4000, 128>}, {transform_indices = @transform_1, window_bounds = array<i64: 4000, 128>}, {pipeline_mode = #tpu.pipeline_mode<synchronous>, transform_indices = @transform_2, window_bounds = array<i64: 128, 128>}, {pipeline_mode = #tpu.pipeline_mode<synchronous>, transform_indices = @transform_3, window_bounds = array<i64: 1, 128>}, {pipeline_mode = #tpu.pipeline_mode<synchronous>, transform_indices = @transform_4, window_bounds = array<i64: 128, 128>}, {pipeline_mode = #tpu.pipeline_mode<synchronous>, transform_indices = @transform_5, window_bounds = array<i64: 1, 128>}, {pipeline_mode = #tpu.pipeline_mode<synchronous>, transform_indices = @transform_6, window_bounds = array<i64: 128, 128>}, {pipeline_mode = #tpu.pipeline_mode<synchronous>, transform_indices = @transform_7, window_bounds = array<i64: 1, 128>}, {transform_indices = @transform_8, window_bounds = array<i64: 4000, 128>}, {transform_indices = @transform_9, window_bounds = array<i64: 4000, 128>}, {pipeline_mode = #tpu.pipeline_mode<synchronous>, transform_indices = @transform_10, window_bounds = array<i64: 1, 128>}]} {
    %get3A = arith.constant 0 : index
    %get3A_0 = arith.constant 0 : index
    %get3A_1 = vector.load %arg1[%get3A, %get3A_0] : memref<4000x128xf32, #tpu.memory_space<vmem>>, vector<4000x128xf32>
    %get3A_2 = arith.constant 0 : index
    %get3A_3 = arith.constant 0 : index
    %get3A_4 = vector.load %arg3[%get3A_2, %get3A_3] : memref<128x128xf32, #tpu.memory_space<vmem>>, vector<128x128xf32>
    %dot_general3A = arith.constant dense<0.000000e+00> : vector<4000x128xf32>
    %dot_general3A_5 = tpu.matmul %get3A_1, %get3A_4, %dot_general3A {dimension_numbers = #tpu.dot_dimension_numbers<[1], [0], [0], [1], [0, 0, 1, 1], [], []>, transpose_lhs_hint = false} : vector<4000x128xf32>, vector<128x128xf32>, vector<4000x128xf32> -> vector<4000x128xf32>
    %get3A_6 = arith.constant 0 : index
    %get3A_7 = arith.constant 0 : index
    %get3A_8 = vector.load %arg4[%get3A_6, %get3A_7] : memref<1x128xf32, #tpu.memory_space<vmem>>, vector<1x128xf32>
    %add3A = vector.broadcast %get3A_8 : vector<1x128xf32> to vector<4000x128xf32>
    %add3A_9 = arith.addf %dot_general3A_5, %add3A : vector<4000x128xf32>
    %max3A = arith.constant 0.000000e+00 : f32
    %max3A_10 = vector.broadcast %max3A : f32 to vector<4000x128xf32>
    %max3A_11 = arith.maximumf %add3A_9, %max3A_10 : vector<4000x128xf32>
    %get3A_12 = arith.constant 0 : index
    %get3A_13 = arith.constant 0 : index
    %get3A_14 = vector.load %arg5[%get3A_12, %get3A_13] : memref<128x128xf32, #tpu.memory_space<vmem>>, vector<128x128xf32>
    %dot_general3A_15 = arith.constant dense<0.000000e+00> : vector<4000x128xf32>
    %dot_general3A_16 = tpu.matmul %max3A_11, %get3A_14, %dot_general3A_15 {dimension_numbers = #tpu.dot_dimension_numbers<[1], [0], [0], [1], [0, 0, 1, 1], [], []>, transpose_lhs_hint = false} : vector<4000x128xf32>, vector<128x128xf32>, vector<4000x128xf32> -> vector<4000x128xf32>
    %get3A_17 = arith.constant 0 : index
    %get3A_18 = arith.constant 0 : index
    %get3A_19 = vector.load %arg2[%get3A_17, %get3A_18] : memref<4000x128xf32, #tpu.memory_space<vmem>>, vector<4000x128xf32>
    %add3A_20 = arith.addf %dot_general3A_16, %get3A_19 : vector<4000x128xf32>
    %get3A_21 = arith.constant 0 : index
    %get3A_22 = arith.constant 0 : index
    %get3A_23 = vector.load %arg6[%get3A_21, %get3A_22] : memref<1x128xf32, #tpu.memory_space<vmem>>, vector<1x128xf32>
    %add3A_24 = vector.broadcast %get3A_23 : vector<1x128xf32> to vector<4000x128xf32>
    %add3A_25 = arith.addf %add3A_20, %add3A_24 : vector<4000x128xf32>
    %max3A_26 = arith.constant 0.000000e+00 : f32
    %max3A_27 = vector.broadcast %max3A_26 : f32 to vector<4000x128xf32>
    %max3A_28 = arith.maximumf %add3A_25, %max3A_27 : vector<4000x128xf32>
    %get3A_29 = arith.constant 0 : index
    %get3A_30 = arith.constant 0 : index
    %get3A_31 = vector.load %arg7[%get3A_29, %get3A_30] : memref<128x128xf32, #tpu.memory_space<vmem>>, vector<128x128xf32>
    %dot_general3A_32 = arith.constant dense<0.000000e+00> : vector<4000x128xf32>
    %dot_general3A_33 = tpu.matmul %max3A_28, %get3A_31, %dot_general3A_32 {dimension_numbers = #tpu.dot_dimension_numbers<[1], [0], [0], [1], [0, 0, 1, 1], [], []>, transpose_lhs_hint = false} : vector<4000x128xf32>, vector<128x128xf32>, vector<4000x128xf32> -> vector<4000x128xf32>
    %get3A_34 = arith.constant 0 : index
    %get3A_35 = arith.constant 0 : index
    %get3A_36 = vector.load %arg8[%get3A_34, %get3A_35] : memref<1x128xf32, #tpu.memory_space<vmem>>, vector<1x128xf32>
    %add3A_37 = vector.broadcast %get3A_36 : vector<1x128xf32> to vector<4000x128xf32>
    %add3A_38 = arith.addf %dot_general3A_33, %add3A_37 : vector<4000x128xf32>
    %max3A_39 = arith.constant 0.000000e+00 : f32
    %max3A_40 = vector.broadcast %max3A_39 : f32 to vector<4000x128xf32>
    %max3A_41 = arith.maximumf %add3A_38, %max3A_40 : vector<4000x128xf32>
    %swap3A = arith.constant 0 : index
    %swap3A_42 = arith.constant 0 : index
    %swap3A_43 = vector.load %arg10[%swap3A, %swap3A_42] : memref<4000x128xf32, #tpu.memory_space<vmem>>, vector<4000x128xf32>
    tpu.vector_store %arg10[%swap3A, %swap3A_42], %max3A_41 {strides = array<i32>} : memref<4000x128xf32, #tpu.memory_space<vmem>>, vector<4000x128xf32>,
    %get3A_44 = arith.constant 0 : index
    %get3A_45 = arith.constant 0 : index
    %get3A_46 = vector.load %arg1[%get3A_44, %get3A_45] : memref<4000x128xf32, #tpu.memory_space<vmem>>, vector<4000x128xf32>
    %add3A_47 = arith.addf %max3A_41, %get3A_46 : vector<4000x128xf32>
    %swap3A_48 = arith.constant 0 : index
    %swap3A_49 = arith.constant 0 : index
    %swap3A_50 = vector.load %arg9[%swap3A_48, %swap3A_49] : memref<4000x128xf32, #tpu.memory_space<vmem>>, vector<4000x128xf32>
    tpu.vector_store %arg9[%swap3A_48, %swap3A_49], %add3A_47 {strides = array<i32>} : memref<4000x128xf32, #tpu.memory_space<vmem>>, vector<4000x128xf32>,
    %eq3A = arith.constant 0 : i32
    %eq3A_51 = arith.cmpi eq, %arg0, %eq3A : i32
    %convert_element_type3A = arith.extui %eq3A_51 : i1 to i32
    %cond3A = arith.constant 0 : i32
    %cond3A_52 = arith.cmpi ne, %convert_element_type3A, %cond3A : i32
    scf.if %cond3A_52 {
      %broadcast_in_dim3A_61 = arith.constant 0.000000e+00 : f32
      %broadcast_in_dim3A_62 = vector.broadcast %broadcast_in_dim3A_61 : f32 to vector<1x128xf32>
      %swap3A_63 = arith.constant 0 : index
      %swap3A_64 = arith.constant 0 : index
      %swap3A_65 = vector.load %arg11[%swap3A_63, %swap3A_64] : memref<1x128xf32, #tpu.memory_space<vmem>>, vector<1x128xf32>
      tpu.vector_store %arg11[%swap3A_63, %swap3A_64], %broadcast_in_dim3A_62 {strides = array<i32>} : memref<1x128xf32, #tpu.memory_space<vmem>>, vector<1x128xf32>,
    } else {
    }
    %get3A_53 = arith.constant 0 : index
    %get3A_54 = arith.constant 0 : index
    %get3A_55 = vector.load %arg11[%get3A_53, %get3A_54] : memref<1x128xf32, #tpu.memory_space<vmem>>, vector<1x128xf32>
    %reduce_sum3A = arith.constant dense<0.000000e+00> : vector<128xf32>
    %reduce_sum3A_56 = vector.multi_reduction <add>, %max3A_41, %reduce_sum3A [0] : vector<4000x128xf32> to vector<128xf32>
    %broadcast_in_dim3A = vector.shape_cast %reduce_sum3A_56 : vector<128xf32> to vector<1x128xf32>
    %add3A_57 = arith.addf %get3A_55, %broadcast_in_dim3A : vector<1x128xf32>
    %swap3A_58 = arith.constant 0 : index
    %swap3A_59 = arith.constant 0 : index
    %swap3A_60 = vector.load %arg11[%swap3A_58, %swap3A_59] : memref<1x128xf32, #tpu.memory_space<vmem>>, vector<1x128xf32>
    tpu.vector_store %arg11[%swap3A_58, %swap3A_59], %add3A_57 {strides = array<i32>} : memref<1x128xf32, #tpu.memory_space<vmem>>, vector<1x128xf32>,
    return
  }
  func.func @transform_0(%arg0: i32) -> (i32, i32) {
    %c0_i32 = arith.constant 0 : i32
    %c0_i32_0 = arith.constant 0 : i32
    return %arg0, %c0_i32 : i32, i32
  }
  func.func @transform_1(%arg0: i32) -> (i32, i32) {
    %c0_i32 = arith.constant 0 : i32
    %c0_i32_0 = arith.constant 0 : i32
    return %arg0, %c0_i32 : i32, i32
  }
  func.func @transform_2(%arg0: i32) -> (i32, i32) {
    %c0_i32 = arith.constant 0 : i32
    %c0_i32_0 = arith.constant 0 : i32
    %c0_i32_1 = arith.constant 0 : i32
    return %c0_i32, %c0_i32_0 : i32, i32
  }
  func.func @transform_3(%arg0: i32) -> (i32, i32) {
    %c0_i32 = arith.constant 0 : i32
    %c0_i32_0 = arith.constant 0 : i32
    %c0_i32_1 = arith.constant 0 : i32
    return %c0_i32, %c0_i32_0 : i32, i32
  }
  func.func @transform_4(%arg0: i32) -> (i32, i32) {
    %c0_i32 = arith.constant 0 : i32
    %c0_i32_0 = arith.constant 0 : i32
    %c0_i32_1 = arith.constant 0 : i32
    return %c0_i32, %c0_i32_0 : i32, i32
  }
  func.func @transform_5(%arg0: i32) -> (i32, i32) {
    %c0_i32 = arith.constant 0 : i32
    %c0_i32_0 = arith.constant 0 : i32
    %c0_i32_1 = arith.constant 0 : i32
    return %c0_i32, %c0_i32_0 : i32, i32
  }
  func.func @transform_6(%arg0: i32) -> (i32, i32) {
    %c0_i32 = arith.constant 0 : i32
    %c0_i32_0 = arith.constant 0 : i32
    %c0_i32_1 = arith.constant 0 : i32
    return %c0_i32, %c0_i32_0 : i32, i32
  }
  func.func @transform_7(%arg0: i32) -> (i32, i32) {
    %c0_i32 = arith.constant 0 : i32
    %c0_i32_0 = arith.constant 0 : i32
    %c0_i32_1 = arith.constant 0 : i32
    return %c0_i32, %c0_i32_0 : i32, i32
  }
  func.func @transform_8(%arg0: i32) -> (i32, i32) {
    %c0_i32 = arith.constant 0 : i32
    %c0_i32_0 = arith.constant 0 : i32
    return %arg0, %c0_i32 : i32, i32
  }
  func.func @transform_9(%arg0: i32) -> (i32, i32) {
    %c0_i32 = arith.constant 0 : i32
    %c0_i32_0 = arith.constant 0 : i32
    return %arg0, %c0_i32 : i32, i32
  }
  func.func @transform_10(%arg0: i32) -> (i32, i32) {
    %c0_i32 = arith.constant 0 : i32
    %c0_i32_0 = arith.constant 0 : i32
    %c0_i32_1 = arith.constant 0 : i32
    return %c0_i32, %c0_i32_0 : i32, i32
  }
}

module attributes {stable_mosaic.version = 14 : i64} {
  func.func @_prep_body(%arg0: i32, %arg1: memref<1000x128xf32, #tpu.memory_space<vmem>>, %arg2: memref<1x128xf32, #tpu.memory_space<vmem>>, %arg3: memref<128x128xf32, #tpu.memory_space<vmem>>, %arg4: memref<1x128xf32, #tpu.memory_space<vmem>>, %arg5: memref<128x128xf32, #tpu.memory_space<vmem>>, %arg6: memref<1x128xf32, #tpu.memory_space<vmem>>, %arg7: memref<128x128xf32, #tpu.memory_space<vmem>>, %arg8: memref<128x128xf32, #tpu.memory_space<vmem>>, %arg9: memref<128x128xf32, #tpu.memory_space<vmem>>, %arg10: memref<1x128xf32, #tpu.memory_space<vmem>>, %arg11: memref<1000x128xf32, #tpu.memory_space<vmem>>, %arg12: memref<1000x128xf32, #tpu.memory_space<vmem>>, %arg13: memref<1000x128xf32, #tpu.memory_space<vmem>>, %arg14: memref<1x128xf32, #tpu.memory_space<vmem>>, %arg15: memref<1x128xf32, #tpu.memory_space<vmem>>) attributes {dimension_semantics = [#tpu.dimension_semantics<arbitrary>], iteration_bounds = array<i64: 10>, scalar_prefetch = 0 : i64, scratch_operands = 0 : i64, tpu.core_type = #tpu.core_type<tc>, window_params = [{transform_indices = @transform_0, window_bounds = array<i64: 1000, 128>}, {pipeline_mode = #tpu.pipeline_mode<synchronous>, transform_indices = @transform_1, window_bounds = array<i64: 1, 128>}, {pipeline_mode = #tpu.pipeline_mode<synchronous>, transform_indices = @transform_2, window_bounds = array<i64: 128, 128>}, {pipeline_mode = #tpu.pipeline_mode<synchronous>, transform_indices = @transform_3, window_bounds = array<i64: 1, 128>}, {pipeline_mode = #tpu.pipeline_mode<synchronous>, transform_indices = @transform_4, window_bounds = array<i64: 128, 128>}, {pipeline_mode = #tpu.pipeline_mode<synchronous>, transform_indices = @transform_5, window_bounds = array<i64: 1, 128>}, {pipeline_mode = #tpu.pipeline_mode<synchronous>, transform_indices = @transform_6, window_bounds = array<i64: 128, 128>}, {pipeline_mode = #tpu.pipeline_mode<synchronous>, transform_indices = @transform_7, window_bounds = array<i64: 128, 128>}, {pipeline_mode = #tpu.pipeline_mode<synchronous>, transform_indices = @transform_8, window_bounds = array<i64: 128, 128>}, {pipeline_mode = #tpu.pipeline_mode<synchronous>, transform_indices = @transform_9, window_bounds = array<i64: 1, 128>}, {transform_indices = @transform_10, window_bounds = array<i64: 1000, 128>}, {transform_indices = @transform_11, window_bounds = array<i64: 1000, 128>}, {transform_indices = @transform_12, window_bounds = array<i64: 1000, 128>}, {pipeline_mode = #tpu.pipeline_mode<synchronous>, transform_indices = @transform_13, window_bounds = array<i64: 1, 128>}, {pipeline_mode = #tpu.pipeline_mode<synchronous>, transform_indices = @transform_14, window_bounds = array<i64: 1, 128>}]} {
    %get3A = arith.constant 0 : index
    %get3A_0 = arith.constant 0 : index
    %get3A_1 = vector.load %arg1[%get3A, %get3A_0] : memref<1000x128xf32, #tpu.memory_space<vmem>>, vector<1000x128xf32>
    %get3A_2 = arith.constant 0 : index
    %get3A_3 = arith.constant 0 : index
    %get3A_4 = vector.load %arg3[%get3A_2, %get3A_3] : memref<128x128xf32, #tpu.memory_space<vmem>>, vector<128x128xf32>
    %dot_general3A = arith.constant dense<0.000000e+00> : vector<1000x128xf32>
    %dot_general3A_5 = tpu.matmul %get3A_1, %get3A_4, %dot_general3A {dimension_numbers = #tpu.dot_dimension_numbers<[1], [0], [0], [1], [0, 0, 1, 1], [], []>, transpose_lhs_hint = false} : vector<1000x128xf32>, vector<128x128xf32>, vector<1000x128xf32> -> vector<1000x128xf32>
    %get3A_6 = arith.constant 0 : index
    %get3A_7 = arith.constant 0 : index
    %get3A_8 = vector.load %arg4[%get3A_6, %get3A_7] : memref<1x128xf32, #tpu.memory_space<vmem>>, vector<1x128xf32>
    %add3A = vector.broadcast %get3A_8 : vector<1x128xf32> to vector<1000x128xf32>
    %add3A_9 = arith.addf %dot_general3A_5, %add3A : vector<1000x128xf32>
    %max3A = arith.constant 0.000000e+00 : f32
    %max3A_10 = vector.broadcast %max3A : f32 to vector<1000x128xf32>
    %max3A_11 = arith.maximumf %add3A_9, %max3A_10 : vector<1000x128xf32>
    %swap3A = arith.constant 0 : index
    %swap3A_12 = arith.constant 0 : index
    %swap3A_13 = vector.load %arg11[%swap3A, %swap3A_12] : memref<1000x128xf32, #tpu.memory_space<vmem>>, vector<1000x128xf32>
    tpu.vector_store %arg11[%swap3A, %swap3A_12], %max3A_11 {strides = array<i32>} : memref<1000x128xf32, #tpu.memory_space<vmem>>, vector<1000x128xf32>,
    %get3A_14 = arith.constant 0 : index
    %get3A_15 = arith.constant 0 : index
    %get3A_16 = vector.load %arg7[%get3A_14, %get3A_15] : memref<128x128xf32, #tpu.memory_space<vmem>>, vector<128x128xf32>
    %dot_general3A_17 = arith.constant dense<0.000000e+00> : vector<1000x128xf32>
    %dot_general3A_18 = tpu.matmul %max3A_11, %get3A_16, %dot_general3A_17 {dimension_numbers = #tpu.dot_dimension_numbers<[1], [0], [0], [1], [0, 0, 1, 1], [], []>, transpose_lhs_hint = false} : vector<1000x128xf32>, vector<128x128xf32>, vector<1000x128xf32> -> vector<1000x128xf32>
    %swap3A_19 = arith.constant 0 : index
    %swap3A_20 = arith.constant 0 : index
    %swap3A_21 = vector.load %arg12[%swap3A_19, %swap3A_20] : memref<1000x128xf32, #tpu.memory_space<vmem>>, vector<1000x128xf32>
    tpu.vector_store %arg12[%swap3A_19, %swap3A_20], %dot_general3A_18 {strides = array<i32>} : memref<1000x128xf32, #tpu.memory_space<vmem>>, vector<1000x128xf32>,
    %get3A_22 = arith.constant 0 : index
    %get3A_23 = arith.constant 0 : index
    %get3A_24 = vector.load %arg8[%get3A_22, %get3A_23] : memref<128x128xf32, #tpu.memory_space<vmem>>, vector<128x128xf32>
    %dot_general3A_25 = arith.constant dense<0.000000e+00> : vector<1000x128xf32>
    %dot_general3A_26 = tpu.matmul %max3A_11, %get3A_24, %dot_general3A_25 {dimension_numbers = #tpu.dot_dimension_numbers<[1], [0], [0], [1], [0, 0, 1, 1], [], []>, transpose_lhs_hint = false} : vector<1000x128xf32>, vector<128x128xf32>, vector<1000x128xf32> -> vector<1000x128xf32>
    %swap3A_27 = arith.constant 0 : index
    %swap3A_28 = arith.constant 0 : index
    %swap3A_29 = vector.load %arg13[%swap3A_27, %swap3A_28] : memref<1000x128xf32, #tpu.memory_space<vmem>>, vector<1000x128xf32>
    tpu.vector_store %arg13[%swap3A_27, %swap3A_28], %dot_general3A_26 {strides = array<i32>} : memref<1000x128xf32, #tpu.memory_space<vmem>>, vector<1000x128xf32>,
    %get3A_30 = arith.constant 0 : index
    %get3A_31 = arith.constant 0 : index
    %get3A_32 = vector.load %arg2[%get3A_30, %get3A_31] : memref<1x128xf32, #tpu.memory_space<vmem>>, vector<1x128xf32>
    %get3A_33 = arith.constant 0 : index
    %get3A_34 = arith.constant 0 : index
    %get3A_35 = vector.load %arg5[%get3A_33, %get3A_34] : memref<128x128xf32, #tpu.memory_space<vmem>>, vector<128x128xf32>
    %dot_general3A_36 = arith.constant dense<0.000000e+00> : vector<1x128xf32>
    %dot_general3A_37 = tpu.matmul %get3A_32, %get3A_35, %dot_general3A_36 {dimension_numbers = #tpu.dot_dimension_numbers<[1], [0], [0], [1], [0, 0, 1, 1], [], []>, transpose_lhs_hint = false} : vector<1x128xf32>, vector<128x128xf32>, vector<1x128xf32> -> vector<1x128xf32>
    %get3A_38 = arith.constant 0 : index
    %get3A_39 = arith.constant 0 : index
    %get3A_40 = vector.load %arg6[%get3A_38, %get3A_39] : memref<1x128xf32, #tpu.memory_space<vmem>>, vector<1x128xf32>
    %add3A_41 = arith.addf %dot_general3A_37, %get3A_40 : vector<1x128xf32>
    %max3A_42 = arith.constant 0.000000e+00 : f32
    %max3A_43 = vector.broadcast %max3A_42 : f32 to vector<1x128xf32>
    %max3A_44 = arith.maximumf %add3A_41, %max3A_43 : vector<1x128xf32>
    %swap3A_45 = arith.constant 0 : index
    %swap3A_46 = arith.constant 0 : index
    %swap3A_47 = vector.load %arg14[%swap3A_45, %swap3A_46] : memref<1x128xf32, #tpu.memory_space<vmem>>, vector<1x128xf32>
    tpu.vector_store %arg14[%swap3A_45, %swap3A_46], %max3A_44 {strides = array<i32>} : memref<1x128xf32, #tpu.memory_space<vmem>>, vector<1x128xf32>,
    %get3A_48 = arith.constant 0 : index
    %get3A_49 = arith.constant 0 : index
    %get3A_50 = vector.load %arg9[%get3A_48, %get3A_49] : memref<128x128xf32, #tpu.memory_space<vmem>>, vector<128x128xf32>
    %dot_general3A_51 = arith.constant dense<0.000000e+00> : vector<1x128xf32>
    %dot_general3A_52 = tpu.matmul %max3A_44, %get3A_50, %dot_general3A_51 {dimension_numbers = #tpu.dot_dimension_numbers<[1], [0], [0], [1], [0, 0, 1, 1], [], []>, transpose_lhs_hint = false} : vector<1x128xf32>, vector<128x128xf32>, vector<1x128xf32> -> vector<1x128xf32>
    %get3A_53 = arith.constant 0 : index
    %get3A_54 = arith.constant 0 : index
    %get3A_55 = vector.load %arg10[%get3A_53, %get3A_54] : memref<1x128xf32, #tpu.memory_space<vmem>>, vector<1x128xf32>
    %add3A_56 = arith.addf %dot_general3A_52, %get3A_55 : vector<1x128xf32>
    %swap3A_57 = arith.constant 0 : index
    %swap3A_58 = arith.constant 0 : index
    %swap3A_59 = vector.load %arg15[%swap3A_57, %swap3A_58] : memref<1x128xf32, #tpu.memory_space<vmem>>, vector<1x128xf32>
    tpu.vector_store %arg15[%swap3A_57, %swap3A_58], %add3A_56 {strides = array<i32>} : memref<1x128xf32, #tpu.memory_space<vmem>>, vector<1x128xf32>,
    return
  }
  func.func @transform_0(%arg0: i32) -> (i32, i32) {
    %c0_i32 = arith.constant 0 : i32
    %c0_i32_0 = arith.constant 0 : i32
    return %arg0, %c0_i32 : i32, i32
  }
  func.func @transform_1(%arg0: i32) -> (i32, i32) {
    %c0_i32 = arith.constant 0 : i32
    %c0_i32_0 = arith.constant 0 : i32
    %c0_i32_1 = arith.constant 0 : i32
    return %c0_i32, %c0_i32_0 : i32, i32
  }
  func.func @transform_2(%arg0: i32) -> (i32, i32) {
    %c0_i32 = arith.constant 0 : i32
    %c0_i32_0 = arith.constant 0 : i32
    %c0_i32_1 = arith.constant 0 : i32
    return %c0_i32, %c0_i32_0 : i32, i32
  }
  func.func @transform_3(%arg0: i32) -> (i32, i32) {
    %c0_i32 = arith.constant 0 : i32
    %c0_i32_0 = arith.constant 0 : i32
    %c0_i32_1 = arith.constant 0 : i32
    return %c0_i32, %c0_i32_0 : i32, i32
  }
  func.func @transform_4(%arg0: i32) -> (i32, i32) {
    %c0_i32 = arith.constant 0 : i32
    %c0_i32_0 = arith.constant 0 : i32
    %c0_i32_1 = arith.constant 0 : i32
    return %c0_i32, %c0_i32_0 : i32, i32
  }
  func.func @transform_5(%arg0: i32) -> (i32, i32) {
    %c0_i32 = arith.constant 0 : i32
    %c0_i32_0 = arith.constant 0 : i32
    %c0_i32_1 = arith.constant 0 : i32
    return %c0_i32, %c0_i32_0 : i32, i32
  }
  func.func @transform_6(%arg0: i32) -> (i32, i32) {
    %c0_i32 = arith.constant 0 : i32
    %c0_i32_0 = arith.constant 0 : i32
    %c0_i32_1 = arith.constant 0 : i32
    return %c0_i32, %c0_i32_0 : i32, i32
  }
  func.func @transform_7(%arg0: i32) -> (i32, i32) {
    %c0_i32 = arith.constant 0 : i32
    %c0_i32_0 = arith.constant 0 : i32
    %c0_i32_1 = arith.constant 0 : i32
    return %c0_i32, %c0_i32_0 : i32, i32
  }
  func.func @transform_8(%arg0: i32) -> (i32, i32) {
    %c0_i32 = arith.constant 0 : i32
    %c0_i32_0 = arith.constant 0 : i32
    %c0_i32_1 = arith.constant 0 : i32
    return %c0_i32, %c0_i32_0 : i32, i32
  }
  func.func @transform_9(%arg0: i32) -> (i32, i32) {
    %c0_i32 = arith.constant 0 : i32
    %c0_i32_0 = arith.constant 0 : i32
    %c0_i32_1 = arith.constant 0 : i32
    return %c0_i32, %c0_i32_0 : i32, i32
  }
  func.func @transform_10(%arg0: i32) -> (i32, i32) {
    %c0_i32 = arith.constant 0 : i32
    %c0_i32_0 = arith.constant 0 : i32
    return %arg0, %c0_i32 : i32, i32
  }
  func.func @transform_11(%arg0: i32) -> (i32, i32) {
    %c0_i32 = arith.constant 0 : i32
    %c0_i32_0 = arith.constant 0 : i32
    return %arg0, %c0_i32 : i32, i32
  }
  func.func @transform_12(%arg0: i32) -> (i32, i32) {
    %c0_i32 = arith.constant 0 : i32
    %c0_i32_0 = arith.constant 0 : i32
    return %arg0, %c0_i32 : i32, i32
  }
  func.func @transform_13(%arg0: i32) -> (i32, i32) {
    %c0_i32 = arith.constant 0 : i32
    %c0_i32_0 = arith.constant 0 : i32
    %c0_i32_1 = arith.constant 0 : i32
    return %c0_i32, %c0_i32_0 : i32, i32
  }
  func.func @transform_14(%arg0: i32) -> (i32, i32) {
    %c0_i32 = arith.constant 0 : i32
    %c0_i32_0 = arith.constant 0 : i32
    %c0_i32_1 = arith.constant 0 : i32
    return %c0_i32, %c0_i32_0 : i32, i32
  }
}

module attributes {stable_mosaic.version = 14 : i64} {
  func.func @_finish_body(%arg0: i32, %arg1: memref<2x1000x128xf32, #tpu.memory_space<vmem>>, %arg2: memref<2x1000x128xf32, #tpu.memory_space<vmem>>, %arg3: memref<1000x128xf32, #tpu.memory_space<vmem>>, %arg4: memref<1000x128xf32, #tpu.memory_space<vmem>>, %arg5: memref<1x128xf32, #tpu.memory_space<vmem>>, %arg6: memref<1x128xf32, #tpu.memory_space<vmem>>, %arg7: memref<1x128xf32, #tpu.memory_space<vmem>>, %arg8: memref<128x128xf32, #tpu.memory_space<vmem>>, %arg9: memref<128x128xf32, #tpu.memory_space<vmem>>, %arg10: memref<128x128xf32, #tpu.memory_space<vmem>>, %arg11: memref<1x128xf32, #tpu.memory_space<vmem>>, %arg12: memref<128x128xf32, #tpu.memory_space<vmem>>, %arg13: memref<1x128xf32, #tpu.memory_space<vmem>>, %arg14: memref<128x128xf32, #tpu.memory_space<vmem>>, %arg15: memref<128x128xf32, #tpu.memory_space<vmem>>, %arg16: memref<128x128xf32, #tpu.memory_space<vmem>>, %arg17: memref<1x128xf32, #tpu.memory_space<vmem>>, %arg18: memref<128x128xf32, #tpu.memory_space<vmem>>, %arg19: memref<1x128xf32, #tpu.memory_space<vmem>>, %arg20: memref<1xf32, #tpu.memory_space<smem>>, %arg21: memref<1xf32, #tpu.memory_space<smem>>, %arg22: memref<1000x128xf32, #tpu.memory_space<vmem>>, %arg23: memref<1x128xf32, #tpu.memory_space<vmem>>, %arg24: memref<1x128xf32, #tpu.memory_space<vmem>>) attributes {dimension_semantics = [#tpu.dimension_semantics<arbitrary>], iteration_bounds = array<i64: 10>, scalar_prefetch = 0 : i64, scratch_operands = 1 : i64, tpu.core_type = #tpu.core_type<tc>, window_params = [{transform_indices = @transform_0, window_bounds = array<i64: 2, 1000, 128>}, {transform_indices = @transform_1, window_bounds = array<i64: 2, 1000, 128>}, {transform_indices = @transform_2, window_bounds = array<i64: 1000, 128>}, {transform_indices = @transform_3, window_bounds = array<i64: 1000, 128>}, {pipeline_mode = #tpu.pipeline_mode<synchronous>, transform_indices = @transform_4, window_bounds = array<i64: 1, 128>}, {pipeline_mode = #tpu.pipeline_mode<synchronous>, transform_indices = @transform_5, window_bounds = array<i64: 1, 128>}, {pipeline_mode = #tpu.pipeline_mode<synchronous>, transform_indices = @transform_6, window_bounds = array<i64: 1, 128>}, {pipeline_mode = #tpu.pipeline_mode<synchronous>, transform_indices = @transform_7, window_bounds = array<i64: 128, 128>}, {pipeline_mode = #tpu.pipeline_mode<synchronous>, transform_indices = @transform_8, window_bounds = array<i64: 128, 128>}, {pipeline_mode = #tpu.pipeline_mode<synchronous>, transform_indices = @transform_9, window_bounds = array<i64: 128, 128>}, {pipeline_mode = #tpu.pipeline_mode<synchronous>, transform_indices = @transform_10, window_bounds = array<i64: 1, 128>}, {pipeline_mode = #tpu.pipeline_mode<synchronous>, transform_indices = @transform_11, window_bounds = array<i64: 128, 128>}, {pipeline_mode = #tpu.pipeline_mode<synchronous>, transform_indices = @transform_12, window_bounds = array<i64: 1, 128>}, {pipeline_mode = #tpu.pipeline_mode<synchronous>, transform_indices = @transform_13, window_bounds = array<i64: 128, 128>}, {pipeline_mode = #tpu.pipeline_mode<synchronous>, transform_indices = @transform_14, window_bounds = array<i64: 128, 128>}, {pipeline_mode = #tpu.pipeline_mode<synchronous>, transform_indices = @transform_15, window_bounds = array<i64: 128, 128>}, {pipeline_mode = #tpu.pipeline_mode<synchronous>, transform_indices = @transform_16, window_bounds = array<i64: 1, 128>}, {pipeline_mode = #tpu.pipeline_mode<synchronous>, transform_indices = @transform_17, window_bounds = array<i64: 128, 128>}, {pipeline_mode = #tpu.pipeline_mode<synchronous>, transform_indices = @transform_18, window_bounds = array<i64: 1, 128>}, {transform_indices = @transform_19, window_bounds = array<i64: 1>}, {transform_indices = @transform_20, window_bounds = array<i64: 1>}, {transform_indices = @transform_21, window_bounds = array<i64: 1000, 128>}, {pipeline_mode = #tpu.pipeline_mode<synchronous>, transform_indices = @transform_22, window_bounds = array<i64: 1, 128>}]} {
    %get3A = arith.constant 0 : index
    %get3A_0 = arith.constant 0 : index
    %get3A_1 = arith.constant 0 : index
    %get3A_2 = vector.load %arg1[%get3A, %get3A_0, %get3A_1] : memref<2x1000x128xf32, #tpu.memory_space<vmem>>, vector<2x1000x128xf32>
    %reduce_sum3A = arith.constant dense<0.000000e+00> : vector<1000x128xf32>
    %reduce_sum3A_3 = vector.multi_reduction <add>, %get3A_2, %reduce_sum3A [0] : vector<2x1000x128xf32> to vector<1000x128xf32>
    %get3A_4 = arith.constant 0 : index
    %get3A_5 = arith.constant 0 : index
    %get3A_6 = arith.constant 0 : index
    %get3A_7 = vector.load %arg2[%get3A_4, %get3A_5, %get3A_6] : memref<2x1000x128xf32, #tpu.memory_space<vmem>>, vector<1x1000x128xf32>
    %get3A_8 = vector.shape_cast %get3A_7 : vector<1x1000x128xf32> to vector<1000x128xf32>
    %get3A_9 = arith.constant 1 : index
    %get3A_10 = arith.constant 0 : index
    %get3A_11 = arith.constant 0 : index
    %get3A_12 = vector.load %arg2[%get3A_9, %get3A_10, %get3A_11] : memref<2x1000x128xf32, #tpu.memory_space<vmem>>, vector<1x1000x128xf32>
    %get3A_13 = vector.shape_cast %get3A_12 : vector<1x1000x128xf32> to vector<1000x128xf32>
    %add3A = arith.addf %get3A_8, %get3A_13 : vector<1000x128xf32>
    %slice3A = vector.extract_strided_slice %add3A {offsets = [0, 0], sizes = [1000, 1], strides = [1, 1]} : vector<1000x128xf32> to vector<1000x1xf32>
    %max3A = arith.constant 1.000000e+00 : f32
    %max3A_14 = vector.broadcast %max3A : f32 to vector<1000x1xf32>
    %max3A_15 = arith.maximumf %slice3A, %max3A_14 : vector<1000x1xf32>
    %div3A = vector.broadcast %max3A_15 : vector<1000x1xf32> to vector<1000x128xf32>
    %div3A_16 = arith.divf %reduce_sum3A_3, %div3A : vector<1000x128xf32>
    %get3A_17 = arith.constant 0 : index
    %get3A_18 = arith.constant 0 : index
    %get3A_19 = vector.load %arg3[%get3A_17, %get3A_18] : memref<1000x128xf32, #tpu.memory_space<vmem>>, vector<1000x128xf32>
    %get3A_20 = arith.constant 0 : index
    %get3A_21 = arith.constant 0 : index
    %get3A_22 = vector.load %arg8[%get3A_20, %get3A_21] : memref<128x128xf32, #tpu.memory_space<vmem>>, vector<128x128xf32>
    %dot_general3A = arith.constant dense<0.000000e+00> : vector<1000x128xf32>
    %dot_general3A_23 = tpu.matmul %get3A_19, %get3A_22, %dot_general3A {dimension_numbers = #tpu.dot_dimension_numbers<[1], [0], [0], [1], [0, 0, 1, 1], [], []>, transpose_lhs_hint = false} : vector<1000x128xf32>, vector<128x128xf32>, vector<1000x128xf32> -> vector<1000x128xf32>
    %get3A_24 = arith.constant 0 : index
    %get3A_25 = arith.constant 0 : index
    %get3A_26 = vector.load %arg9[%get3A_24, %get3A_25] : memref<128x128xf32, #tpu.memory_space<vmem>>, vector<128x128xf32>
    %dot_general3A_27 = arith.constant dense<0.000000e+00> : vector<1000x128xf32>
    %dot_general3A_28 = tpu.matmul %div3A_16, %get3A_26, %dot_general3A_27 {dimension_numbers = #tpu.dot_dimension_numbers<[1], [0], [0], [1], [0, 0, 1, 1], [], []>, transpose_lhs_hint = false} : vector<1000x128xf32>, vector<128x128xf32>, vector<1000x128xf32> -> vector<1000x128xf32>
    %add3A_29 = arith.addf %dot_general3A_23, %dot_general3A_28 : vector<1000x128xf32>
    %get3A_30 = arith.constant 0 : index
    %get3A_31 = arith.constant 0 : index
    %get3A_32 = vector.load %arg5[%get3A_30, %get3A_31] : memref<1x128xf32, #tpu.memory_space<vmem>>, vector<1x128xf32>
    %get3A_33 = arith.constant 0 : index
    %get3A_34 = arith.constant 0 : index
    %get3A_35 = vector.load %arg10[%get3A_33, %get3A_34] : memref<128x128xf32, #tpu.memory_space<vmem>>, vector<128x128xf32>
    %dot_general3A_36 = arith.constant dense<0.000000e+00> : vector<1x128xf32>
    %dot_general3A_37 = tpu.matmul %get3A_32, %get3A_35, %dot_general3A_36 {dimension_numbers = #tpu.dot_dimension_numbers<[1], [0], [0], [1], [0, 0, 1, 1], [], []>, transpose_lhs_hint = false} : vector<1x128xf32>, vector<128x128xf32>, vector<1x128xf32> -> vector<1x128xf32>
    %add3A_38 = vector.broadcast %dot_general3A_37 : vector<1x128xf32> to vector<1000x128xf32>
    %add3A_39 = arith.addf %add3A_29, %add3A_38 : vector<1000x128xf32>
    %get3A_40 = arith.constant 0 : index
    %get3A_41 = arith.constant 0 : index
    %get3A_42 = vector.load %arg11[%get3A_40, %get3A_41] : memref<1x128xf32, #tpu.memory_space<vmem>>, vector<1x128xf32>
    %add3A_43 = vector.broadcast %get3A_42 : vector<1x128xf32> to vector<1000x128xf32>
    %add3A_44 = arith.addf %add3A_39, %add3A_43 : vector<1000x128xf32>
    %max3A_45 = arith.constant 0.000000e+00 : f32
    %max3A_46 = vector.broadcast %max3A_45 : f32 to vector<1000x128xf32>
    %max3A_47 = arith.maximumf %add3A_44, %max3A_46 : vector<1000x128xf32>
    %get3A_48 = arith.constant 0 : index
    %get3A_49 = arith.constant 0 : index
    %get3A_50 = vector.load %arg12[%get3A_48, %get3A_49] : memref<128x128xf32, #tpu.memory_space<vmem>>, vector<128x128xf32>
    %dot_general3A_51 = arith.constant dense<0.000000e+00> : vector<1000x128xf32>
    %dot_general3A_52 = tpu.matmul %max3A_47, %get3A_50, %dot_general3A_51 {dimension_numbers = #tpu.dot_dimension_numbers<[1], [0], [0], [1], [0, 0, 1, 1], [], []>, transpose_lhs_hint = false} : vector<1000x128xf32>, vector<128x128xf32>, vector<1000x128xf32> -> vector<1000x128xf32>
    %get3A_53 = arith.constant 0 : index
    %get3A_54 = arith.constant 0 : index
    %get3A_55 = vector.load %arg13[%get3A_53, %get3A_54] : memref<1x128xf32, #tpu.memory_space<vmem>>, vector<1x128xf32>
    %add3A_56 = vector.broadcast %get3A_55 : vector<1x128xf32> to vector<1000x128xf32>
    %add3A_57 = arith.addf %dot_general3A_52, %add3A_56 : vector<1000x128xf32>
    %max3A_58 = arith.constant 0.000000e+00 : f32
    %max3A_59 = vector.broadcast %max3A_58 : f32 to vector<1000x128xf32>
    %max3A_60 = arith.maximumf %add3A_57, %max3A_59 : vector<1000x128xf32>
    %get3A_61 = arith.constant 0 : index
    %get3A_62 = arith.constant 0 : index
    %get3A_63 = vector.load %arg4[%get3A_61, %get3A_62] : memref<1000x128xf32, #tpu.memory_space<vmem>>, vector<1000x128xf32>
    %add3A_64 = arith.addf %max3A_60, %get3A_63 : vector<1000x128xf32>
    %swap3A = arith.constant 0 : index
    %swap3A_65 = arith.constant 0 : index
    %swap3A_66 = vector.load %arg22[%swap3A, %swap3A_65] : memref<1000x128xf32, #tpu.memory_space<vmem>>, vector<1000x128xf32>
    tpu.vector_store %arg22[%swap3A, %swap3A_65], %add3A_64 {strides = array<i32>} : memref<1000x128xf32, #tpu.memory_space<vmem>>, vector<1000x128xf32>,
    %eq3A = arith.constant 0 : i32
    %eq3A_67 = arith.cmpi eq, %arg0, %eq3A : i32
    %convert_element_type3A = arith.extui %eq3A_67 : i1 to i32
    %cond3A = arith.constant 0 : i32
    %cond3A_68 = arith.cmpi ne, %convert_element_type3A, %cond3A : i32
    scf.if %cond3A_68 {
      %broadcast_in_dim3A_83 = arith.constant 0.000000e+00 : f32
      %broadcast_in_dim3A_84 = vector.broadcast %broadcast_in_dim3A_83 : f32 to vector<1x128xf32>
      %swap3A_85 = arith.constant 0 : index
      %swap3A_86 = arith.constant 0 : index
      %swap3A_87 = vector.load %arg24[%swap3A_85, %swap3A_86] : memref<1x128xf32, #tpu.memory_space<vmem>>, vector<1x128xf32>
      tpu.vector_store %arg24[%swap3A_85, %swap3A_86], %broadcast_in_dim3A_84 {strides = array<i32>} : memref<1x128xf32, #tpu.memory_space<vmem>>, vector<1x128xf32>,
    } else {
    }
    %get3A_69 = arith.constant 0 : index
    %get3A_70 = arith.constant 0 : index
    %get3A_71 = vector.load %arg24[%get3A_69, %get3A_70] : memref<1x128xf32, #tpu.memory_space<vmem>>, vector<1x128xf32>
    %reduce_sum3A_72 = arith.constant dense<0.000000e+00> : vector<128xf32>
    %reduce_sum3A_73 = vector.multi_reduction <add>, %max3A_60, %reduce_sum3A_72 [0] : vector<1000x128xf32> to vector<128xf32>
    %broadcast_in_dim3A = vector.shape_cast %reduce_sum3A_73 : vector<128xf32> to vector<1x128xf32>
    %add3A_74 = arith.addf %get3A_71, %broadcast_in_dim3A : vector<1x128xf32>
    %swap3A_75 = arith.constant 0 : index
    %swap3A_76 = arith.constant 0 : index
    %swap3A_77 = vector.load %arg24[%swap3A_75, %swap3A_76] : memref<1x128xf32, #tpu.memory_space<vmem>>, vector<1x128xf32>
    tpu.vector_store %arg24[%swap3A_75, %swap3A_76], %add3A_74 {strides = array<i32>} : memref<1x128xf32, #tpu.memory_space<vmem>>, vector<1x128xf32>,
    %eq3A_78 = arith.constant 9 : i32
    %eq3A_79 = arith.cmpi eq, %arg0, %eq3A_78 : i32
    %convert_element_type3A_80 = arith.extui %eq3A_79 : i1 to i32
    %cond3A_81 = arith.constant 0 : i32
    %cond3A_82 = arith.cmpi ne, %convert_element_type3A_80, %cond3A_81 : i32
    scf.if %cond3A_82 {
      %get3A_83 = arith.constant 0 : index
      %get3A_84 = arith.constant 0 : index
      %get3A_85 = vector.load %arg7[%get3A_83, %get3A_84] : memref<1x128xf32, #tpu.memory_space<vmem>>, vector<1x128xf32>
      %get3A_86 = arith.constant 0 : index
      %get3A_87 = memref.load %arg20[%get3A_86] : memref<1xf32, #tpu.memory_space<smem>>
      %mul3A = vector.broadcast %get3A_87 : f32 to vector<1x128xf32>
      %mul3A_88 = arith.mulf %get3A_85, %mul3A : vector<1x128xf32>
      %get3A_89 = arith.constant 0 : index
      %get3A_90 = arith.constant 0 : index
      %get3A_91 = vector.load %arg24[%get3A_89, %get3A_90] : memref<1x128xf32, #tpu.memory_space<vmem>>, vector<1x128xf32>
      %get3A_92 = arith.constant 0 : index
      %get3A_93 = memref.load %arg21[%get3A_92] : memref<1xf32, #tpu.memory_space<smem>>
      %mul3A_94 = vector.broadcast %get3A_93 : f32 to vector<1x128xf32>
      %mul3A_95 = arith.mulf %get3A_91, %mul3A_94 : vector<1x128xf32>
      %get3A_96 = arith.constant 0 : index
      %get3A_97 = arith.constant 0 : index
      %get3A_98 = vector.load %arg5[%get3A_96, %get3A_97] : memref<1x128xf32, #tpu.memory_space<vmem>>, vector<1x128xf32>
      %get3A_99 = arith.constant 0 : index
      %get3A_100 = arith.constant 0 : index
      %get3A_101 = vector.load %arg14[%get3A_99, %get3A_100] : memref<128x128xf32, #tpu.memory_space<vmem>>, vector<128x128xf32>
      %dot_general3A_102 = arith.constant dense<0.000000e+00> : vector<1x128xf32>
      %dot_general3A_103 = tpu.matmul %get3A_98, %get3A_101, %dot_general3A_102 {dimension_numbers = #tpu.dot_dimension_numbers<[1], [0], [0], [1], [0, 0, 1, 1], [], []>, transpose_lhs_hint = false} : vector<1x128xf32>, vector<128x128xf32>, vector<1x128xf32> -> vector<1x128xf32>
      %get3A_104 = arith.constant 0 : index
      %get3A_105 = arith.constant 0 : index
      %get3A_106 = vector.load %arg15[%get3A_104, %get3A_105] : memref<128x128xf32, #tpu.memory_space<vmem>>, vector<128x128xf32>
      %dot_general3A_107 = arith.constant dense<0.000000e+00> : vector<1x128xf32>
      %dot_general3A_108 = tpu.matmul %mul3A_88, %get3A_106, %dot_general3A_107 {dimension_numbers = #tpu.dot_dimension_numbers<[1], [0], [0], [1], [0, 0, 1, 1], [], []>, transpose_lhs_hint = false} : vector<1x128xf32>, vector<128x128xf32>, vector<1x128xf32> -> vector<1x128xf32>
      %add3A_109 = arith.addf %dot_general3A_103, %dot_general3A_108 : vector<1x128xf32>
      %get3A_110 = arith.constant 0 : index
      %get3A_111 = arith.constant 0 : index
      %get3A_112 = vector.load %arg16[%get3A_110, %get3A_111] : memref<128x128xf32, #tpu.memory_space<vmem>>, vector<128x128xf32>
      %dot_general3A_113 = arith.constant dense<0.000000e+00> : vector<1x128xf32>
      %dot_general3A_114 = tpu.matmul %mul3A_95, %get3A_112, %dot_general3A_113 {dimension_numbers = #tpu.dot_dimension_numbers<[1], [0], [0], [1], [0, 0, 1, 1], [], []>, transpose_lhs_hint = false} : vector<1x128xf32>, vector<128x128xf32>, vector<1x128xf32> -> vector<1x128xf32>
      %add3A_115 = arith.addf %add3A_109, %dot_general3A_114 : vector<1x128xf32>
      %get3A_116 = arith.constant 0 : index
      %get3A_117 = arith.constant 0 : index
      %get3A_118 = vector.load %arg17[%get3A_116, %get3A_117] : memref<1x128xf32, #tpu.memory_space<vmem>>, vector<1x128xf32>
      %add3A_119 = arith.addf %add3A_115, %get3A_118 : vector<1x128xf32>
      %max3A_120 = arith.constant 0.000000e+00 : f32
      %max3A_121 = vector.broadcast %max3A_120 : f32 to vector<1x128xf32>
      %max3A_122 = arith.maximumf %add3A_119, %max3A_121 : vector<1x128xf32>
      %get3A_123 = arith.constant 0 : index
      %get3A_124 = arith.constant 0 : index
      %get3A_125 = vector.load %arg18[%get3A_123, %get3A_124] : memref<128x128xf32, #tpu.memory_space<vmem>>, vector<128x128xf32>
      %dot_general3A_126 = arith.constant dense<0.000000e+00> : vector<1x128xf32>
      %dot_general3A_127 = tpu.matmul %max3A_122, %get3A_125, %dot_general3A_126 {dimension_numbers = #tpu.dot_dimension_numbers<[1], [0], [0], [1], [0, 0, 1, 1], [], []>, transpose_lhs_hint = false} : vector<1x128xf32>, vector<128x128xf32>, vector<1x128xf32> -> vector<1x128xf32>
      %get3A_128 = arith.constant 0 : index
      %get3A_129 = arith.constant 0 : index
      %get3A_130 = vector.load %arg19[%get3A_128, %get3A_129] : memref<1x128xf32, #tpu.memory_space<vmem>>, vector<1x128xf32>
      %add3A_131 = arith.addf %dot_general3A_127, %get3A_130 : vector<1x128xf32>
      %max3A_132 = arith.constant 0.000000e+00 : f32
      %max3A_133 = vector.broadcast %max3A_132 : f32 to vector<1x128xf32>
      %max3A_134 = arith.maximumf %add3A_131, %max3A_133 : vector<1x128xf32>
      %get3A_135 = arith.constant 0 : index
      %get3A_136 = arith.constant 0 : index
      %get3A_137 = vector.load %arg6[%get3A_135, %get3A_136] : memref<1x128xf32, #tpu.memory_space<vmem>>, vector<1x128xf32>
      %add3A_138 = arith.addf %max3A_134, %get3A_137 : vector<1x128xf32>
      %swap3A_139 = arith.constant 0 : index
      %swap3A_140 = arith.constant 0 : index
      %swap3A_141 = vector.load %arg23[%swap3A_139, %swap3A_140] : memref<1x128xf32, #tpu.memory_space<vmem>>, vector<1x128xf32>
      tpu.vector_store %arg23[%swap3A_139, %swap3A_140], %add3A_138 {strides = array<i32>} : memref<1x128xf32, #tpu.memory_space<vmem>>, vector<1x128xf32>,
    } else {
    }
    return
  }
  func.func @transform_0(%arg0: i32) -> (i32, i32, i32) {
    %c0_i32 = arith.constant 0 : i32
    %c0_i32_0 = arith.constant 0 : i32
    %c0_i32_1 = arith.constant 0 : i32
    return %c0_i32, %arg0, %c0_i32_0 : i32, i32, i32
  }
  func.func @transform_1(%arg0: i32) -> (i32, i32, i32) {
    %c0_i32 = arith.constant 0 : i32
    %c0_i32_0 = arith.constant 0 : i32
    %c0_i32_1 = arith.constant 0 : i32
    return %c0_i32, %arg0, %c0_i32_0 : i32, i32, i32
  }
  func.func @transform_2(%arg0: i32) -> (i32, i32) {
    %c0_i32 = arith.constant 0 : i32
    %c0_i32_0 = arith.constant 0 : i32
    return %arg0, %c0_i32 : i32, i32
  }
  func.func @transform_3(%arg0: i32) -> (i32, i32) {
    %c0_i32 = arith.constant 0 : i32
    %c0_i32_0 = arith.constant 0 : i32
    return %arg0, %c0_i32 : i32, i32
  }
  func.func @transform_4(%arg0: i32) -> (i32, i32) {
    %c0_i32 = arith.constant 0 : i32
    %c0_i32_0 = arith.constant 0 : i32
    %c0_i32_1 = arith.constant 0 : i32
    return %c0_i32, %c0_i32_0 : i32, i32
  }
  func.func @transform_5(%arg0: i32) -> (i32, i32) {
    %c0_i32 = arith.constant 0 : i32
    %c0_i32_0 = arith.constant 0 : i32
    %c0_i32_1 = arith.constant 0 : i32
    return %c0_i32, %c0_i32_0 : i32, i32
  }
  func.func @transform_6(%arg0: i32) -> (i32, i32) {
    %c0_i32 = arith.constant 0 : i32
    %c0_i32_0 = arith.constant 0 : i32
    %c0_i32_1 = arith.constant 0 : i32
    return %c0_i32, %c0_i32_0 : i32, i32
  }
  func.func @transform_7(%arg0: i32) -> (i32, i32) {
    %c0_i32 = arith.constant 0 : i32
    %c0_i32_0 = arith.constant 0 : i32
    %c0_i32_1 = arith.constant 0 : i32
    return %c0_i32, %c0_i32_0 : i32, i32
  }
  func.func @transform_8(%arg0: i32) -> (i32, i32) {
    %c0_i32 = arith.constant 0 : i32
    %c0_i32_0 = arith.constant 0 : i32
    %c0_i32_1 = arith.constant 0 : i32
    return %c0_i32, %c0_i32_0 : i32, i32
  }
  func.func @transform_9(%arg0: i32) -> (i32, i32) {
    %c0_i32 = arith.constant 0 : i32
    %c0_i32_0 = arith.constant 0 : i32
    %c0_i32_1 = arith.constant 0 : i32
    return %c0_i32, %c0_i32_0 : i32, i32
  }
  func.func @transform_10(%arg0: i32) -> (i32, i32) {
    %c0_i32 = arith.constant 0 : i32
    %c0_i32_0 = arith.constant 0 : i32
    %c0_i32_1 = arith.constant 0 : i32
    return %c0_i32, %c0_i32_0 : i32, i32
  }
  func.func @transform_11(%arg0: i32) -> (i32, i32) {
    %c0_i32 = arith.constant 0 : i32
    %c0_i32_0 = arith.constant 0 : i32
    %c0_i32_1 = arith.constant 0 : i32
    return %c0_i32, %c0_i32_0 : i32, i32
  }
  func.func @transform_12(%arg0: i32) -> (i32, i32) {
    %c0_i32 = arith.constant 0 : i32
    %c0_i32_0 = arith.constant 0 : i32
    %c0_i32_1 = arith.constant 0 : i32
    return %c0_i32, %c0_i32_0 : i32, i32
  }
  func.func @transform_13(%arg0: i32) -> (i32, i32) {
    %c0_i32 = arith.constant 0 : i32
    %c0_i32_0 = arith.constant 0 : i32
    %c0_i32_1 = arith.constant 0 : i32
    return %c0_i32, %c0_i32_0 : i32, i32
  }
  func.func @transform_14(%arg0: i32) -> (i32, i32) {
    %c0_i32 = arith.constant 0 : i32
    %c0_i32_0 = arith.constant 0 : i32
    %c0_i32_1 = arith.constant 0 : i32
    return %c0_i32, %c0_i32_0 : i32, i32
  }
  func.func @transform_15(%arg0: i32) -> (i32, i32) {
    %c0_i32 = arith.constant 0 : i32
    %c0_i32_0 = arith.constant 0 : i32
    %c0_i32_1 = arith.constant 0 : i32
    return %c0_i32, %c0_i32_0 : i32, i32
  }
  func.func @transform_16(%arg0: i32) -> (i32, i32) {
    %c0_i32 = arith.constant 0 : i32
    %c0_i32_0 = arith.constant 0 : i32
    %c0_i32_1 = arith.constant 0 : i32
    return %c0_i32, %c0_i32_0 : i32, i32
  }
  func.func @transform_17(%arg0: i32) -> (i32, i32) {
    %c0_i32 = arith.constant 0 : i32
    %c0_i32_0 = arith.constant 0 : i32
    %c0_i32_1 = arith.constant 0 : i32
    return %c0_i32, %c0_i32_0 : i32, i32
  }
  func.func @transform_18(%arg0: i32) -> (i32, i32) {
    %c0_i32 = arith.constant 0 : i32
    %c0_i32_0 = arith.constant 0 : i32
    %c0_i32_1 = arith.constant 0 : i32
    return %c0_i32, %c0_i32_0 : i32, i32
  }
  func.func @transform_19(%arg0: i32) -> i32 {
    %c0_i32 = arith.constant 0 : i32
    %c0_i32_0 = arith.constant 0 : i32
    return %c0_i32 : i32
  }
  func.func @transform_20(%arg0: i32) -> i32 {
    %c0_i32 = arith.constant 0 : i32
    %c0_i32_0 = arith.constant 0 : i32
    return %c0_i32 : i32
  }
  func.func @transform_21(%arg0: i32) -> (i32, i32) {
    %c0_i32 = arith.constant 0 : i32
    %c0_i32_0 = arith.constant 0 : i32
    return %arg0, %c0_i32 : i32, i32
  }
  func.func @transform_22(%arg0: i32) -> (i32, i32) {
    %c0_i32 = arith.constant 0 : i32
    %c0_i32_0 = arith.constant 0 : i32
    %c0_i32_1 = arith.constant 0 : i32
    return %c0_i32, %c0_i32_0 : i32, i32
  }
}

</mosaic_0001>

<sc_bundles>
// kernel: kernel.11.cloned.1.call-start
scs
__scs_entry_jumppad:
0x0: {  	(pc) =	sbr.rel $0x88, $3  }
0x1: {  	(tag) =	ssettag $0x0;
	lr =	simm.s32 $0x1  }
0x2: {  	[smem:$0x3F8B] =	sst lr;
	_ =	strace $0xD0000000  }
0x3: {  	_ = 	snop  }
0x4: {  	_ = 	snop  }
0x5: {  	_ = 	snop  }
0x6: {  	_ = 	snop  }
0x7: {  	_ = 	snop  }
__scs_overlays_trampoline_lowered:
0x8: {  	[smem:$0x3F9A] =	sst s0  }
0x9: {  	[smem:$0x3F9B] =	sst s1  }
0xa: {  	[smem:$0x3F9C] =	sst s2  }
0xb: {  	[smem:$0x3F9D] =	sst s3  }
0xc: {  	[smem:$0x3F9E] =	sst s4  }
0xd: {  	[smem:$0x3F9F] =	sst s5  }
0xe: {  	[smem:$0x3FA0] =	sst s6  }
0xf: {  	[smem:$0x3FA1] =	sst s7  }
0x10: {  	[smem:$0x3FA2] =	sst s8  }
0x11: {  	[smem:$0x3FA3] =	sst s9;
	s0 =	simm.s32 @!p0 $0x0  }
0x12: {  	s1 =	sld [smem:$0x3F89];
	s0 =	simm.s32 @p0 $0x1  }
0x13: {  	[smem:$0x3FA4] =	sst s0;
	s0 =	simm.s32 @!p1 $0x0  }
0x14: {  	s2 =	sld [smem:$0x3F88];
	s0 =	simm.s32 @p1 $0x1  }
0x15: {  	[smem:$0x3FA5] =	sst s0;
	s0 =	simm.s32 @!p2 $0x0  }
0x16: {  	s3 =	sld [smem:$0x3FDB];
	s0 =	simm.s32 @p2 $0x1  }
0x17: {  	s4 =	simm.s32 $0x1BF5;
	[smem:$0x3FA7] =	sst s0  }
0x18: {  	s0 =	sld [smem:$0x3F8A];
	_ =	swait.ge [sflag:s4], $0x0  }
0x19: {  	s7 =	sld [smem:$0x3F8B]  }
0x1a: {  	s8 =	sadd.s32 $0xFFFFE003, lr  }
0x1b: {  	s9 =	sadd.s32 $0xFFFFFEF7, lr;
	s5 =	simm.s32 $0xFFFFFFFF;
	p2 =	slt.u32 s8, $0xFFFFF086  }
0x1c: {  	p1 =	slt.u32 s9, $0xF7A;
	s5 =	simm.s32 @!p2 $0x0  }
0x1d: {  	s5 =	simm.s32 @p1 $0x1;
	p0 =	seq.s32 s7, s2  }
0x1e: {  	s7 =	smul.u32 @!p0 $0xF7A, s2;
	p2 =	seq.s32 @!p0 s5, $0x0  }
0x1f: {  	s9 =	smul.u32 $0xF7A, s1;
	s8 =	simm.s32 @!p0 $0x1BF5;
	p2 =	por !p2, p0  }
0x20: {  	[sflag:s8] =	ssyncset.s32 @!p0 $0xFFFFF086;
	s6 =	sadd.s32 @!p0 s3, s7;
	s7 =	simm.s32 @!p0 $0x108  }
0x21: {  	s3 =	sadd.s32 s3, s9;
	s6 =	sadd.s32 @!p0 $0x88, s6;
	s7 =	simm.s32 @p2 $0x1082  }
0x22: {  	[simem:s7], [sflag:s8] =	dma.local @!p0 [hbm:s6], $0xF7A  }
0x23: {  	s9 =	sor.u32 $0xD0000000, s2;
	s6 =	simm.s32 $0x108;
	_ =	swait.ge @!p0 [sflag:s8], $0x0  }
0x24: {  	s3 =	sadd.s32 $0x88, s3;
	s6 =	simm.s32 @!p1 $0x1082;
	[sflag:s4] =	ssyncset.s32 $0xFFFFF086  }
0x25: {  	[simem:s6], [sflag:s4] =	dma.local [hbm:s3], $0xF7A  }
0x26: {  	[smem:$0x3F8B] =	sst s1;
	(tag) =	ssettag s2;
	_ =	strace s9  }
0x27: {  	s1 =	sld [smem:$0x3F9B]  }
0x28: {  	s2 =	sld [smem:$0x3F9C]  }
0x29: {  	s4 =	sld [smem:$0x3F9E]  }
0x2a: {  	p0 =	seq.s32 s5, $0x0;
	s5 =	sld [smem:$0x3F9F]  }
0x2b: {  	s6 =	sld [smem:$0x3FA0]  }
0x2c: {  	s7 =	sld [smem:$0x3FA1]  }
0x2d: {  	s3 =	simm.s32 $0x108;
	s8 =	sld [smem:$0x3FA2]  }
0x2e: {  	s3 =	simm.s32 @!p0 $0x1082;
	s9 =	sld [smem:$0x3FA3]  }
0x2f: {  	lr =	sadd.s32 s0, s3;
	s0 =	sld [smem:$0x3F9A]  }
0x30: {  	s3 =	sld [smem:$0x3F9D]  }
0x31: {  	[smem:$0x3FA6] =	sst s10  }
0x32: {  	s10 =	sld [smem:$0x3FA4];
	_ =	sdelay $0x3  }
0x33: {  	p0 =	seq.s32 s10, $0x1;
	s10 =	sld [smem:$0x3FA6];
	_ =	sdelay $0x3  }
0x34: {  	[smem:$0x3FA6] =	sst s10  }
0x35: {  	s10 =	sld [smem:$0x3FA5];
	_ =	sdelay $0x3  }
0x36: {  	p1 =	seq.s32 s10, $0x1;
	s10 =	sld [smem:$0x3FA6];
	_ =	sdelay $0x3  }
0x37: {  	[smem:$0x3FA6] =	sst s10  }
0x38: {  	s10 =	sld [smem:$0x3FA7]  }
0x39: {  	_ = 	snop;
	(pc) =	sbr.ind lr, $3  }
0x3a: {  	_ = 	snop  }
0x3b: {  	_ = 	snop  }
0x3c: {  	p2 =	seq.s32 s10, $0x1;
	s10 =	sld [smem:$0x3FA6]  }
0x3d: {  	_ =	shalt  }
0x3e: {  	_ =	shalt  }
0x3f: {  	_ =	shalt  }
0x40: {  	_ =	shalt  }
0x41: {  	_ =	shalt  }
0x42: {  	_ =	shalt  }
0x43: {  	_ =	shalt  }
0x44: {  	_ =	shalt  }
0x45: {  	_ =	shalt  }
0x46: {  	_ =	shalt  }
0x47: {  	_ =	shalt  }
0x48: {  	_ =	shalt  }
0x49: {  	_ =	shalt  }
0x4a: {  	_ =	shalt  }
0x4b: {  	_ =	shalt  }
0x4c: {  	_ =	shalt  }
0x4d: {  	_ =	shalt  }
0x4e: {  	_ =	shalt  }
0x4f: {  	_ =	shalt  }
0x50: {  	_ =	shalt  }
0x51: {  	_ =	shalt  }
0x52: {  	_ =	shalt  }
0x53: {  	_ =	shalt  }
0x54: {  	_ =	shalt  }
0x55: {  	_ =	shalt  }
0x56: {  	_ =	shalt  }
0x57: {  	_ =	shalt  }
0x58: {  	_ =	shalt  }
0x59: {  	_ =	shalt  }
0x5a: {  	_ =	shalt  }
0x5b: {  	_ =	shalt  }
0x5c: {  	_ =	shalt  }
0x5d: {  	_ =	shalt  }
0x5e: {  	_ =	shalt  }
0x5f: {  	_ =	shalt  }
0x60: {  	_ =	shalt  }
0x61: {  	_ =	shalt  }
0x62: {  	_ =	shalt  }
0x63: {  	_ =	shalt  }
0x64: {  	_ =	shalt  }
0x65: {  	_ =	shalt  }
0x66: {  	_ =	shalt  }
0x67: {  	_ =	shalt  }
0x68: {  	_ =	shalt  }
0x69: {  	_ =	shalt  }
0x6a: {  	_ =	shalt  }
0x6b: {  	_ =	shalt  }
0x6c: {  	_ =	shalt  }
0x6d: {  	_ =	shalt  }
0x6e: {  	_ =	shalt  }
0x6f: {  	_ =	shalt  }
0x70: {  	_ =	shalt  }
0x71: {  	_ =	shalt  }
0x72: {  	_ =	shalt  }
0x73: {  	_ =	shalt  }
0x74: {  	_ =	shalt  }
0x75: {  	_ =	shalt  }
0x76: {  	_ =	shalt  }
0x77: {  	_ =	shalt  }
0x78: {  	_ =	shalt  }
0x79: {  	_ =	shalt  }
0x7a: {  	_ =	shalt  }
0x7b: {  	_ =	shalt  }
0x7c: {  	_ =	shalt  }
0x7d: {  	_ =	shalt  }
0x7e: {  	_ =	shalt  }
0x7f: {  	_ =	shalt  }
0x80: {  	_ =	shalt  }
0x81: {  	_ =	shalt  }
0x82: {  	_ =	shalt  }
0x83: {  	_ =	shalt  }
0x84: {  	_ =	shalt  }
0x85: {  	_ =	shalt  }
0x86: {  	_ =	shalt  }
0x87: {  	_ =	shalt  }
.Lfunc_end0:
.L_simem_size_0:
called_computation.1_lowered:
.L_overlay_start_0:
0x88: {  	s2 =	sld [smem:$0x3FD9]  }
0x89: {  	s3 =	sld [smem:$0x3FFE];
	_ =	sdelay $0x1  }
0x8a: {  	s1 =	srdreg.scid  }
0x8b: {  	s0 =	sand.u32 $0x1, s1  }
0x8c: {  	s17 =	sshll.u32 s0, $0xA;
	s2 =	sadd.s32 s3, s2  }
0x8d: {  	s2 =	sadd.s32 s2, s17  }
0x8e: {  	[smem:$0x3FB2] =	sst s2  }
0x8f: {  	_ = 	snop  }
0x90: {  	(tm) =	ssettm $0x1  }
0x91: {  	s18 =	sld [smem:$0x3FFB];
	_ =	sdelay $0x3  }
0x92: {  	_ =	strace s18  }
0x93: {  	s2 =	sld [smem:$0x3FFC];
	_ =	sdelay $0x3  }
0x94: {  	_ =	strace s2  }
0x95: {  	s2 =	sld [smem:$0x3FFD];
	_ =	sdelay $0x3  }
0x96: {  	_ =	strace s2  }
0x97: {  	_ =	strace $0x8FFFFFFF  }
0x98: {  	s19 =	sld [smem:$0x3FDB];
	_ =	sdelay $0x1  }
0x99: {  	s20 =	simm.s32 $_scs_section_size  }
0x9a: {  	s4 =	simm.s32 $_size__tile_overlayer_lowered;
	s5 =	simm.s32 $_tile_overlayer_lowered  }
0x9b: {  	s6 =	simm.s32 $0x1BFF;
	s21 =	sshll.u32 s5, $0x1;
	s3 =	sadd.s32 s20, s19  }
0x9c: {  	s22 =	simm.s32 $0x0;
	s4 =	sshll.u32 s4, $0x1;
	s5 =	sadd.s32 s21, s3  }
0x9d: {  	[timem:s22], [sflag:s6] =	dma.local [hbm:s5], s4  }
0x9e: {  	_ =	swait.ge [sflag:s6], s4  }
0x9f: {  	s4 =	ssub.s32 $0x0, s4;
	[sflag:s6] =	ssyncset.done $0x0  }
0xa0: {  	[sflag:s6] =	ssyncadd.s32 s4;
	_ =	sdelay $0x1  }
0xa1: {  	s23 =	simm.s32 $0x1B8B  }
0xa2: {  	_ =	swait.ge [sflag:s23], $0x1  }
0xa3: {  	[sflag:s23] =	ssyncset.done $0x0  }
0xa4: {  	[sflag:s23] =	ssyncadd.s32 $0xFFFFFFFF  }
0xa5: {  	s4 =	sld [smem:$0x0]  }
0xa6: {  	s5 =	sand.u32 $0xFFFFFFFE, s1  }
0xa7: {  	p0 =	sne.s32 s1, s5  }
0xa8: {  	s5 =	sshll.u32 @p0 s5, $0xE  }
0xa9: {  	s5 =	sadd.s32 @p0 $0x11B8D, s5;
	s6 =	sshll.u32 @p0 s4, $0x11  }
0xaa: {  	s5 =	sor.u32 @p0 s6, s5  }
0xab: {  	[sflag:s5] =	ssyncadd.remote.s32 @p0 $0x1;
	_ =	sdelay $0x1  }
0xac: {  	s5 =	simm.s32 @p0 $0x1B8D  }
0xad: {  	_ =	swait.eq @p0 [sflag:s5], $0x1  }
0xae: {  	[sflag:s5] =	ssyncadd.s32 @p0 $0xFFFFFFFF  }
0xaf: {  	s6 =	sshll.u32 @!p0 s1, $0xE  }
0xb0: {  	s6 =	sor.u32 @!p0 $0x4000, s6;
	s5 =	simm.s32 @!p0 $0x1B8D  }
0xb1: {  	s4 =	sshll.u32 @!p0 s4, $0x11;
	s6 =	sadd.s32 @!p0 $0x11B8D, s6;
	_ =	swait.eq @!p0 [sflag:s5], $0x1  }
0xb2: {  	s4 =	sor.u32 @!p0 s4, s6;
	[sflag:s5] =	ssyncadd.s32 @!p0 $0xFFFFFFFF  }
0xb3: {  	s25 =	simm.s32 $0x1B8E;
	s24 =	sld [smem:$0x3FFE];
	[sflag:s4] =	ssyncadd.remote.s32 @!p0 $0x1  }
0xb4: {  	s26 =	simm.s32 $execute0_lowered;
	[smem:$0x3FD2] =	sst s25  }
0xb5: {  	s5 =	sshll.u32 s26, $0x1;
	_ =	strace $0x80000049;
	[dreg:$0x1] =	wrdreg $0xFFFFFFFF  }
0xb6: {  	s28 =	simm.s32 $_size_execute0_lowered;
	s3 =	sadd.s32 s3, s5;
	[dreg:$0x0] =	wrdreg $0x0  }
0xb7: {  	s5 =	sshll.u32 s28, $0x1;
	[dreg:$0x2] =	wrdreg s3  }
0xb8: {  	[dreg:$0x3] =	wrdreg s5  }
0xb9: {  	[dreg:$0x4] =	wrdreg $0xC0  }
0xba: {  	_ =	task [dreg:s22], $0x5FFFF  }
0xbb: {  	[dreg:$0x1] =	wrdreg $0xFFFFFFFF  }
0xbc: {  	[dreg:$0x0] =	wrdreg $0x60  }
0xbd: {  	[dreg:$0x2] =	wrdreg s24  }
0xbe: {  	[dreg:$0x3] =	wrdreg $0x0  }
0xbf: {  	[dreg:$0x4] =	wrdreg $0x9  }
0xc0: {  	_ =	task.clear_ibuf [dreg:s22], $0x5FFFF;
	_ =	strace $0x90000049  }
0xc1: {  	s29 =	simm.s32 $0x9;
	_ =	strace $0x8000004B  }
0xc2: {  	_ =	swait.ge [sflag:s29], $0x1  }
0xc3: {  	[sflag:s29] =	ssyncadd.s32 $0xFFFFFFFF  }
0xc4: {  	_ =	strace $0x9000004B  }
0xc5: {  	_ =	sfence  }
0xc6: {  	s30 =	sld [smem:$0x0];
	_ =	sdelay $0x2  }
0xc7: {  	s31 =	sshll.u32 s1, $0xD;
	s1 =	sshrl.u32 s1, $0x2  }
0xc8: {  	s4 =	sand.u32 $0x4000, s31;
	s1 =	sadd.s32 s1, s30  }
0xc9: {  	s0 =	sor.u32 s4, s0;
	s1 =	sshll.u32 s1, $0x11  }
0xca: {  	s0 =	sor.u32 s1, s0  }
0xcb: {  	s0 =	sadd.s32 $0x8F2B, s0  }
0xcc: {  	[sflag:s0] =	ssyncadd.remote.s32 $0x1  }
0xcd: {  	_ =	sfence.sel $0xFFFF  }
0xce: {  	[dreg:$0x0] =	wrdreg $0xFFFFFFFF;
	(pc) =	sbr.abs _section_cstart, $3  }
0xcf: {  	[dreg:$0x1] =	wrdreg $0xFFFFFFFF  }
0xd0: {  	_ =	task.clear_ibuf [dreg:s22], $0x2FFFF;
	_ =	strace $0x9FFFFFFF  }
0xd1: {  	(tm) =	ssettm $0x7FFFFFFF  }
tec
execute0_lowered:
.L_overlay_start_1:
0x0: {  	(tag) =	ssettag $0x1  }
0x1: {  	s1 =	srdreg.scid  }
0x2: {  	s0 =	stileid.u32;
	s6 =	rddreg [dreg:$0x0]  }
0x3: {  	s2 =	rddreg [dreg:$0x1];
	s3 =	simm.s32 $0x0;
	s5 =	smul.u32 $0x4E20, s0  }
0x4: {  	s28 =	simm.s32 $0x0;
	s4 =	sand.u32 $0x1, s1;
	s12 =	smul.u32 $0x278, s0  }
0x5: {  	[smem:$0x7FF] =	sst s3;
	s20 =	sadd.s32 $0x522800, s6;
	s8 =	smul.u32 $0x4F000, s0  }
0x6: {  	s7 =	smul.u32 $0x2710, s4;
	_ =	strace $0x8000004A;
	s16 =	ssub.s32 $0x2, s4  }
0x7: {  	s18 =	smul.u32 $0x2780, s4;
	s17 =	sadd.s32 $0x230, s12;
	s19 =	sshrl.u32 s16, $0x1  }
0x8: {  	s24 =	sshrl.u32 s8, $0x2;
	s15 =	sadd.s32 $0x50, s12;
	s5 =	sadd.s32 s7, s5  }
0x9: {  	s22 =	sshll.u32 s17, $0x7;
	s9 =	ssub.s32 s16, s19;
	s23 =	sadd.s32 s18, s17  }
0xa: {  	s25 =	sshll.u32 s15, $0x7;
	s16 =	sadd.s32 $0xA0, s12;
	s17 =	sadd.s32 $0xF0, s12  }
0xb: {  	s19 =	sadd.s32 $0x140, s12;
	s14 =	sadd.s32 s18, s12;
	s15 =	sadd.s32 s18, s15  }
0xc: {  	s5 =	sshrl.u32 s5, $0x3;
	s4 =	sadd.s32 s22, s2;
	s7 =	smax.u32 s9, $0x1  }
0xd: {  	s8 =	sadd.s32 s25, s2;
	s26 =	sshll.u32 s16, $0x7;
	s10 =	sshll.u32 s17, $0x7  }
0xe: {  	s11 =	sshll.u32 s19, $0x7;
	s22 =	sadd.s32 $0x190, s12;
	s14 =	sshll.u32 s14, $0x4  }
0xf: {  	s15 =	sshll.u32 s15, $0x4;
	s16 =	sadd.s32 s18, s16;
	s17 =	sadd.s32 s18, s17  }
0x10: {  	s19 =	sadd.s32 s18, s19;
	s25 =	simm.s32 $0x50;
	s21 =	sadd.s32 s5, s6  }
0x11: {  	s5 =	sshll.u32 s23, $0x4;
	s6 =	sadd.s32 s24, s2;
	s9 =	sadd.s32 s26, s2  }
0x12: {  	s10 =	sadd.s32 s10, s2;
	s11 =	sadd.s32 s11, s2;
	s13 =	sshll.u32 s22, $0x7  }
0x13: {  	s23 =	sadd.s32 $0x1E0, s12;
	s14 =	sadd.s32 s20, s14;
	s15 =	sadd.s32 s20, s15  }
0x14: {  	s16 =	sshll.u32 s16, $0x4;
	s17 =	sshll.u32 s17, $0x4;
	s19 =	sshll.u32 s19, $0x4  }
0x15: {  	s22 =	sadd.s32 s18, s22;
	s24 =	simm.s32 $0x18C00;
	s26 =	simm.s32 $0x13C00  }
0x16: {  	s5 =	sadd.s32 s20, s5;
	s12 =	sadd.s32 s13, s2;
	s29 =	sshll.u32 s23, $0x7  }
0x17: {  	s16 =	sadd.s32 s20, s16;
	s17 =	sadd.s32 s20, s17;
	s23 =	sadd.s32 s18, s23  }
0x18: {  	s18 =	sadd.s32 s20, s19;
	s30 =	sshll.u32 s22, $0x4;
	s21 =	sadd.s32 $0xF600, s21  }
0x19: {  	s22 =	simm.s32 $0x16400;
	s13 =	sadd.s32 s29, s2;
	s31 =	sshll.u32 s23, $0x4  }
0x1a: {  	v0 =	vimm.f32 $0.0e+00;
	v1 =	vimm.f32 $1.000000000e+00;
	s19 =	sadd.s32 s20, s30;
	s23 =	simm.s32 $0x1;
	s20 =	sadd.s32 s20, s31  }
.LBB2_1:
0x1b: {  	s29 =	simm.s32 $0x0;
	s30 =	simm.s32 $0x200  }
.LBB2_2:
0x1c: {  	p0 =	sne.s32 s30, $0x9E00;
	[tilespmem:s29+$0x16470] =	vst v0  }
0x1d: {  	[tilespmem:s29+$0x16400] =	vst v0  }
0x1e: {  	[tilespmem:s29+$0x16410] =	vst v0  }
.Ltmp0:
0x1f: {  	[tilespmem:s29+$0x16420] =	vst v0;
	(pc) =	sbr.rel @p0 .LBB2_2-.Ltmp0, $4  }
0x20: {  	[tilespmem:s29+$0x16430] =	vst v0  }
0x21: {  	[tilespmem:s29+$0x16440] =	vst v0  }
0x22: {  	[tilespmem:s29+$0x16450] =	vst v0  }
0x23: {  	[tilespmem:s29+$0x16460] =	vst v0;
	s29 =	sshra.s32 s30, $0x2;
	s30 =	sadd.s32 $0x200, s30  }
0x24: {  	[tilespmem:s29+$0x16470] =	vst v0  }
0x25: {  	[tilespmem:s29+$0x16400] =	vst v0  }
0x26: {  	[tilespmem:s29+$0x16410] =	vst v0  }
0x27: {  	[tilespmem:s29+$0x16420] =	vst v0  }
0x28: {  	[tilespmem:s29+$0x16430] =	vst v0  }
0x29: {  	[tilespmem:s29+$0x16440] =	vst v0  }
0x2a: {  	[tilespmem:s29+$0x16450] =	vst v0  }
0x2b: {  	[tilespmem:s29+$0x16460] =	vst v0  }
0x2c: {  	[spmem:s6] =	stream.linear.scatter [tilespmem:s22], [sflag:$0x1], $0x2800, $0x38;
	[tilespmem:$0x18C80] =	vst v63  }
0x2d: {  	_ =	swait.ge [sflag:s23], $0x2800  }
0x2e: {  	[sflag:s23] =	ssyncset.done $0x0  }
0x2f: {  	[sflag:s23] =	ssyncadd.s32 $0xFFFFD800  }
0x30: {  	[spmem:s8] =	stream.linear.scatter [tilespmem:s22], [sflag:$0x1], $0x2800, $0x38;
	[tilespmem:$0x18C80] =	vst v63  }
0x31: {  	_ =	swait.ge [sflag:s23], $0x2800  }
0x32: {  	[sflag:s23] =	ssyncset.done $0x0  }
0x33: {  	[sflag:s23] =	ssyncadd.s32 $0xFFFFD800  }
0x34: {  	[spmem:s9] =	stream.linear.scatter [tilespmem:s22], [sflag:$0x1], $0x2800, $0x38;
	[tilespmem:$0x18C80] =	vst v63  }
0x35: {  	_ =	swait.ge [sflag:s23], $0x2800  }
0x36: {  	[sflag:s23] =	ssyncset.done $0x0  }
0x37: {  	[sflag:s23] =	ssyncadd.s32 $0xFFFFD800  }
0x38: {  	[spmem:s10] =	stream.linear.scatter [tilespmem:s22], [sflag:$0x1], $0x2800, $0x38;
	[tilespmem:$0x18C80] =	vst v63  }
0x39: {  	_ =	swait.ge [sflag:s23], $0x2800  }
0x3a: {  	[sflag:s23] =	ssyncset.done $0x0  }
0x3b: {  	[sflag:s23] =	ssyncadd.s32 $0xFFFFD800  }
0x3c: {  	[spmem:s11] =	stream.linear.scatter [tilespmem:s22], [sflag:$0x1], $0x2800, $0x38;
	[tilespmem:$0x18C80] =	vst v63  }
0x3d: {  	_ =	swait.ge [sflag:s23], $0x2800  }
0x3e: {  	[sflag:s23] =	ssyncset.done $0x0  }
0x3f: {  	[sflag:s23] =	ssyncadd.s32 $0xFFFFD800  }
0x40: {  	[spmem:s12] =	stream.linear.scatter [tilespmem:s22], [sflag:$0x1], $0x2800, $0x38;
	[tilespmem:$0x18C80] =	vst v63  }
0x41: {  	_ =	swait.ge [sflag:s23], $0x2800  }
0x42: {  	[sflag:s23] =	ssyncset.done $0x0  }
0x43: {  	[sflag:s23] =	ssyncadd.s32 $0xFFFFD800  }
0x44: {  	[spmem:s13] =	stream.linear.scatter [tilespmem:s22], [sflag:$0x1], $0x2800, $0x38;
	[tilespmem:$0x18C80] =	vst v63  }
0x45: {  	_ =	swait.ge [sflag:s23], $0x2800  }
0x46: {  	[sflag:s23] =	ssyncset.done $0x0  }
0x47: {  	[sflag:s23] =	ssyncadd.s32 $0xFFFFD800  }
0x48: {  	[spmem:s4] =	stream.linear.scatter [tilespmem:s22], [sflag:$0x1], $0x2400, $0x38;
	[tilespmem:$0x18C80] =	vst v63  }
0x49: {  	_ =	swait.ge [sflag:s23], $0x2400  }
0x4a: {  	[sflag:s23] =	ssyncset.done $0x0  }
0x4b: {  	s29 =	simm.s32 $0x0;
	s30 =	simm.s32 $0x200;
	[sflag:s23] =	ssyncadd.s32 $0xFFFFDC00  }
.LBB2_4:
0x4c: {  	p0 =	sne.s32 s30, $0x9E00;
	[tilespmem:s29+$0x13C70] =	vst v1  }
0x4d: {  	[tilespmem:s29+$0x13C00] =	vst v1  }
0x4e: {  	[tilespmem:s29+$0x13C10] =	vst v1  }
.Ltmp1:
0x4f: {  	[tilespmem:s29+$0x13C20] =	vst v1;
	(pc) =	sbr.rel @p0 .LBB2_4-.Ltmp1, $4  }
0x50: {  	[tilespmem:s29+$0x13C30] =	vst v1  }
0x51: {  	[tilespmem:s29+$0x13C40] =	vst v1  }
0x52: {  	[tilespmem:s29+$0x13C50] =	vst v1  }
0x53: {  	[tilespmem:s29+$0x13C60] =	vst v1;
	s29 =	sshra.s32 s30, $0x2;
	s30 =	sadd.s32 $0x200, s30  }
0x54: {  	[tilespmem:s29+$0x13C70] =	vst v1  }
0x55: {  	[tilespmem:s29+$0x13C00] =	vst v1  }
0x56: {  	[tilespmem:s29+$0x13C10] =	vst v1  }
0x57: {  	[tilespmem:s29+$0x13C20] =	vst v1  }
0x58: {  	[tilespmem:s29+$0x13C30] =	vst v1  }
0x59: {  	[tilespmem:s29+$0x13C40] =	vst v1  }
0x5a: {  	[tilespmem:s29+$0x13C50] =	vst v1  }
0x5b: {  	[tilespmem:s29+$0x13C60] =	vst v1  }
0x5c: {  	s29 =	sadd.s32 $0x0, s21;
	[bflag:$0x0] =	sbarrier.arrive $0xFFFF  }
0x5d: {  	[tilespmem:s24], [sflag:$0x1] =	stream.linear.gather [hbm4b:s29+s3], $0x50, $0x38;
	[tilespmem:$0x18C80] =	vst v63  }
0x5e: {  	_ =	swait.ge [sflag:s23], $0x50  }
0x5f: {  	[sflag:s23] =	ssyncset.done $0x0  }
0x60: {  	[sflag:s23] =	ssyncadd.s32 $0xFFFFFFB0  }
0x61: {  	[spmem:s2] =	stream.indirect.scatter.add.f32 [tilespmem:s26], [sflag:$0x1], $0x80, s24, s25, $0xb8;
	[tilespmem:$0x18C80] =	vst v63  }
0x62: {  	_ =	swait.ge [sflag:s23], $0x2800  }
0x63: {  	s30 =	simm.s32 $0x14;
	s29 =	simm.s32 $0xA;
	[sflag:s23] =	ssyncset.done $0x0  }
.LBB2_6:
0x64: {  	s31 =	sadd.s32 s29, s21  }
0x65: {  	[sflag:s23] =	ssyncadd.s32 $0xFFFFD800;
	s29 =	smov.u32 s30;
	s1 =	sadd.s32 $0xA, s30  }
0x66: {  	[tilespmem:s24], [sflag:$0x1] =	stream.linear.gather [hbm4b:s31+s3], $0x50, $0x38;
	[tilespmem:$0x18C80] =	vst v63  }
0x67: {  	p0 =	sne.s32 s30, $0x4D8;
	_ =	swait.ge [sflag:s23], $0x50  }
.Ltmp2:
0x68: {  	[sflag:s23] =	ssyncset.done $0x0;
	(pc) =	sbr.rel @p0 .LBB2_6-.Ltmp2, $4  }
0x69: {  	[sflag:s23] =	ssyncadd.s32 $0xFFFFFFB0  }
0x6a: {  	[spmem:s2] =	stream.indirect.scatter.add.f32 [tilespmem:s26], [sflag:$0x1], $0x80, s24, s25, $0xb8;
	[tilespmem:$0x18C80] =	vst v63  }
0x6b: {  	_ =	swait.ge [sflag:s23], $0x2800  }
0x6c: {  	s30 =	smov.u32 s1;
	[sflag:s23] =	ssyncset.done $0x0  }
0x6d: {  	s1 =	sadd.s32 s29, s21;
	[sflag:s23] =	ssyncadd.s32 $0xFFFFD800  }
0x6e: {  	[tilespmem:s24], [sflag:$0x1] =	stream.linear.gather [hbm4b:s1+s3], $0x50, $0x38;
	[tilespmem:$0x18C80] =	vst v63  }
0x6f: {  	_ =	swait.ge [sflag:s23], $0x50  }
0x70: {  	[sflag:s23] =	ssyncset.done $0x0  }
0x71: {  	[sflag:s23] =	ssyncadd.s32 $0xFFFFFFB0  }
0x72: {  	[spmem:s2] =	stream.indirect.scatter.add.f32 [tilespmem:s26], [sflag:$0x1], $0x80, s24, s25, $0xb8;
	[tilespmem:$0x18C80] =	vst v63  }
0x73: {  	_ =	swait.ge [sflag:s23], $0x2800  }
0x74: {  	[sflag:s23] =	ssyncset.done $0x0  }
0x75: {  	[sflag:s23] =	ssyncadd.s32 $0xFFFFD800  }
0x76: {  	[bflag:$0x0] =	sbarrier.arrive $0xFFFF  }
0x77: {  	[tilespmem:s22], [sflag:$0x1] =	stream.linear.gather [spmem:s6], $0x2800, $0x38;
	[tilespmem:$0x18C80] =	vst v63  }
0x78: {  	_ =	swait.ge [sflag:s23], $0x2800  }
0x79: {  	[sflag:s23] =	ssyncset.done $0x0  }
0x7a: {  	[sflag:s23] =	ssyncadd.s32 $0xFFFFD800  }
0x7b: {  	[hbm4b:s14+s3] =	stream.linear.scatter [tilespmem:s22], [sflag:$0x1], $0x2800, $0x38;
	[tilespmem:$0x18C80] =	vst v63  }
0x7c: {  	_ =	swait.ge [sflag:s23], $0x2800  }
0x7d: {  	[sflag:s23] =	ssyncset.done $0x0  }
0x7e: {  	[sflag:s23] =	ssyncadd.s32 $0xFFFFD800  }
0x7f: {  	[tilespmem:s22], [sflag:$0x1] =	stream.linear.gather [spmem:s8], $0x2800, $0x38;
	[tilespmem:$0x18C80] =	vst v63  }
0x80: {  	_ =	swait.ge [sflag:s23], $0x2800  }
0x81: {  	[sflag:s23] =	ssyncset.done $0x0  }
0x82: {  	[sflag:s23] =	ssyncadd.s32 $0xFFFFD800  }
0x83: {  	[hbm4b:s15+s3] =	stream.linear.scatter [tilespmem:s22], [sflag:$0x1], $0x2800, $0x38;
	[tilespmem:$0x18C80] =	vst v63  }
0x84: {  	_ =	swait.ge [sflag:s23], $0x2800  }
0x85: {  	[sflag:s23] =	ssyncset.done $0x0  }
0x86: {  	[sflag:s23] =	ssyncadd.s32 $0xFFFFD800  }
0x87: {  	[tilespmem:s22], [sflag:$0x1] =	stream.linear.gather [spmem:s9], $0x2800, $0x38;
	[tilespmem:$0x18C80] =	vst v63  }
0x88: {  	_ =	swait.ge [sflag:s23], $0x2800  }
0x89: {  	[sflag:s23] =	ssyncset.done $0x0  }
0x8a: {  	[sflag:s23] =	ssyncadd.s32 $0xFFFFD800  }
0x8b: {  	[hbm4b:s16+s3] =	stream.linear.scatter [tilespmem:s22], [sflag:$0x1], $0x2800, $0x38;
	[tilespmem:$0x18C80] =	vst v63  }
0x8c: {  	_ =	swait.ge [sflag:s23], $0x2800  }
0x8d: {  	[sflag:s23] =	ssyncset.done $0x0  }
0x8e: {  	[sflag:s23] =	ssyncadd.s32 $0xFFFFD800  }
0x8f: {  	[tilespmem:s22], [sflag:$0x1] =	stream.linear.gather [spmem:s10], $0x2800, $0x38;
	[tilespmem:$0x18C80] =	vst v63  }
0x90: {  	_ =	swait.ge [sflag:s23], $0x2800  }
0x91: {  	[sflag:s23] =	ssyncset.done $0x0  }
0x92: {  	[sflag:s23] =	ssyncadd.s32 $0xFFFFD800  }
0x93: {  	[hbm4b:s17+s3] =	stream.linear.scatter [tilespmem:s22], [sflag:$0x1], $0x2800, $0x38;
	[tilespmem:$0x18C80] =	vst v63  }
0x94: {  	_ =	swait.ge [sflag:s23], $0x2800  }
0x95: {  	[sflag:s23] =	ssyncset.done $0x0  }
0x96: {  	[sflag:s23] =	ssyncadd.s32 $0xFFFFD800  }
0x97: {  	[tilespmem:s22], [sflag:$0x1] =	stream.linear.gather [spmem:s11], $0x2800, $0x38;
	[tilespmem:$0x18C80] =	vst v63  }
0x98: {  	_ =	swait.ge [sflag:s23], $0x2800  }
0x99: {  	[sflag:s23] =	ssyncset.done $0x0  }
0x9a: {  	[sflag:s23] =	ssyncadd.s32 $0xFFFFD800  }
0x9b: {  	[hbm4b:s18+s3] =	stream.linear.scatter [tilespmem:s22], [sflag:$0x1], $0x2800, $0x38;
	[tilespmem:$0x18C80] =	vst v63  }
0x9c: {  	_ =	swait.ge [sflag:s23], $0x2800  }
0x9d: {  	[sflag:s23] =	ssyncset.done $0x0  }
0x9e: {  	[sflag:s23] =	ssyncadd.s32 $0xFFFFD800  }
0x9f: {  	[tilespmem:s22], [sflag:$0x1] =	stream.linear.gather [spmem:s12], $0x2800, $0x38;
	[tilespmem:$0x18C80] =	vst v63  }
0xa0: {  	_ =	swait.ge [sflag:s23], $0x2800  }
0xa1: {  	[sflag:s23] =	ssyncset.done $0x0  }
0xa2: {  	[sflag:s23] =	ssyncadd.s32 $0xFFFFD800  }
0xa3: {  	[hbm4b:s19+s3] =	stream.linear.scatter [tilespmem:s22], [sflag:$0x1], $0x2800, $0x38;
	[tilespmem:$0x18C80] =	vst v63  }
0xa4: {  	_ =	swait.ge [sflag:s23], $0x2800  }
0xa5: {  	[sflag:s23] =	ssyncset.done $0x0  }
0xa6: {  	[sflag:s23] =	ssyncadd.s32 $0xFFFFD800  }
0xa7: {  	[tilespmem:s22], [sflag:$0x1] =	stream.linear.gather [spmem:s13], $0x2800, $0x38;
	[tilespmem:$0x18C80] =	vst v63  }
0xa8: {  	_ =	swait.ge [sflag:s23], $0x2800  }
0xa9: {  	[sflag:s23] =	ssyncset.done $0x0  }
0xaa: {  	[sflag:s23] =	ssyncadd.s32 $0xFFFFD800  }
0xab: {  	[hbm4b:s20+s3] =	stream.linear.scatter [tilespmem:s22], [sflag:$0x1], $0x2800, $0x38;
	[tilespmem:$0x18C80] =	vst v63  }
0xac: {  	_ =	swait.ge [sflag:s23], $0x2800  }
0xad: {  	[sflag:s23] =	ssyncset.done $0x0  }
0xae: {  	[sflag:s23] =	ssyncadd.s32 $0xFFFFD800  }
0xaf: {  	[tilespmem:s22], [sflag:$0x1] =	stream.linear.gather [spmem:s4], $0x2400, $0x38;
	[tilespmem:$0x18C80] =	vst v63  }
0xb0: {  	s28 =	sadd.s32 $0x1, s28;
	_ =	swait.ge [sflag:s23], $0x2400  }
0xb1: {  	p0 =	sne.s32 s28, s7;
	[sflag:s23] =	ssyncset.done $0x0  }
.Ltmp3:
0xb2: {  	[sflag:s23] =	ssyncadd.s32 $0xFFFFDC00;
	(pc) =	sbr.rel @p0 .LBB2_1-.Ltmp3, $4  }
0xb3: {  	[hbm4b:s5+s3] =	stream.linear.scatter [tilespmem:s22], [sflag:$0x1], $0x2400, $0x38;
	[tilespmem:$0x18C80] =	vst v63  }
0xb4: {  	_ =	swait.ge [sflag:s23], $0x2400  }
0xb5: {  	[sflag:s23] =	ssyncset.done $0x0  }
0xb6: {  	[sflag:s23] =	ssyncadd.s32 $0xFFFFDC00  }
0xb7: {  	_ =	sfence.sel $0x180000  }
0xb8: {  	[bflag:$0x0] =	sbarrier.arrive $0xFFFF  }
0xb9: {  	_ =	strace $0x9000004A  }
0xba: {  	[bflag:$0x2] =	sbarrier.arrive $0xFFFF  }
0xbb: {  	p0 =	sne.s32 s0, $0x0;
	s0 =	rddreg [dreg:$0x2]  }
0xbc: {  	s0 =	sadd.s32 @!p0 $0x100000, s0  }
0xbd: {  	[sflag:s0] =	ssyncadd.tile.s32 @!p0 $0x1;
	_ =	shalt  }
.Lfunc_end2:
_tile_overlayer_lowered:
.L_overlay_start_2:
0xbe: {  	(tag) =	ssettag $0x2  }
0xbf: {  	s0 =	rddreg [dreg:$0x0];
	s2 =	stileid.u32  }
0xc0: {  	s1 =	rddreg [dreg:$0x1];
	p0 =	sne.s32 s2, $0x0  }
0xc1: {  	s3 =	rddreg [dreg:$0x2];
	[bflag:$0x3] =	sbarrier.arrive $0xFFFF;
	s2 =	simm.s32 @!p0 $0x1C01  }
0xc2: {  	[timem:s3], [sflag:s2] =	dma.local @!p0 [hbm:s0], s1  }
0xc3: {  	s0 =	simm.s32 @!p0 $0x1  }
0xc4: {  	_ =	swait.ge @!p0 [sflag:s0], s1  }
0xc5: {  	s1 =	ssub.s32 @!p0 $0x0, s1;
	[sflag:s0] =	ssyncset.done @!p0 $0x0  }
0xc6: {  	[sflag:s0] =	ssyncadd.s32 @!p0 s1  }
0xc7: {  	[bflag:$0x3] =	sbarrier.arrive $0xFFFF  }
0xc8: {  	_ =	shalt  }

// kernel: kernel.14.cloned.1.call-start
scs
__scs_entry_jumppad:
0x0: {  	(pc) =	sbr.rel $0x88, $3  }
0x1: {  	(tag) =	ssettag $0x0;
	lr =	simm.s32 $0x1  }
0x2: {  	[smem:$0x3F8B] =	sst lr;
	_ =	strace $0xD0000000  }
0x3: {  	_ = 	snop  }
0x4: {  	_ = 	snop  }
0x5: {  	_ = 	snop  }
0x6: {  	_ = 	snop  }
0x7: {  	_ = 	snop  }
__scs_overlays_trampoline_lowered:
0x8: {  	[smem:$0x3F9A] =	sst s0  }
0x9: {  	[smem:$0x3F9B] =	sst s1  }
0xa: {  	[smem:$0x3F9C] =	sst s2  }
0xb: {  	[smem:$0x3F9D] =	sst s3  }
0xc: {  	[smem:$0x3F9E] =	sst s4  }
0xd: {  	[smem:$0x3F9F] =	sst s5  }
0xe: {  	[smem:$0x3FA0] =	sst s6  }
0xf: {  	[smem:$0x3FA1] =	sst s7  }
0x10: {  	[smem:$0x3FA2] =	sst s8  }
0x11: {  	[smem:$0x3FA3] =	sst s9;
	s0 =	simm.s32 @!p0 $0x0  }
0x12: {  	s1 =	sld [smem:$0x3F89];
	s0 =	simm.s32 @p0 $0x1  }
0x13: {  	[smem:$0x3FA4] =	sst s0;
	s0 =	simm.s32 @!p1 $0x0  }
0x14: {  	s2 =	sld [smem:$0x3F88];
	s0 =	simm.s32 @p1 $0x1  }
0x15: {  	[smem:$0x3FA5] =	sst s0;
	s0 =	simm.s32 @!p2 $0x0  }
0x16: {  	s3 =	sld [smem:$0x3FDB];
	s0 =	simm.s32 @p2 $0x1  }
0x17: {  	s4 =	simm.s32 $0x1BF5;
	[smem:$0x3FA7] =	sst s0  }
0x18: {  	s0 =	sld [smem:$0x3F8A];
	_ =	swait.ge [sflag:s4], $0x0  }
0x19: {  	s7 =	sld [smem:$0x3F8B]  }
0x1a: {  	s8 =	sadd.s32 $0xFFFFE003, lr  }
0x1b: {  	s9 =	sadd.s32 $0xFFFFFEF7, lr;
	s5 =	simm.s32 $0xFFFFFFFF;
	p2 =	slt.u32 s8, $0xFFFFF086  }
0x1c: {  	p1 =	slt.u32 s9, $0xF7A;
	s5 =	simm.s32 @!p2 $0x0  }
0x1d: {  	s5 =	simm.s32 @p1 $0x1;
	p0 =	seq.s32 s7, s2  }
0x1e: {  	s7 =	smul.u32 @!p0 $0xF7A, s2;
	p2 =	seq.s32 @!p0 s5, $0x0  }
0x1f: {  	s9 =	smul.u32 $0xF7A, s1;
	s8 =	simm.s32 @!p0 $0x1BF5;
	p2 =	por !p2, p0  }
0x20: {  	[sflag:s8] =	ssyncset.s32 @!p0 $0xFFFFF086;
	s6 =	sadd.s32 @!p0 s3, s7;
	s7 =	simm.s32 @!p0 $0x108  }
0x21: {  	s3 =	sadd.s32 s3, s9;
	s6 =	sadd.s32 @!p0 $0x88, s6;
	s7 =	simm.s32 @p2 $0x1082  }
0x22: {  	[simem:s7], [sflag:s8] =	dma.local @!p0 [hbm:s6], $0xF7A  }
0x23: {  	s9 =	sor.u32 $0xD0000000, s2;
	s6 =	simm.s32 $0x108;
	_ =	swait.ge @!p0 [sflag:s8], $0x0  }
0x24: {  	s3 =	sadd.s32 $0x88, s3;
	s6 =	simm.s32 @!p1 $0x1082;
	[sflag:s4] =	ssyncset.s32 $0xFFFFF086  }
0x25: {  	[simem:s6], [sflag:s4] =	dma.local [hbm:s3], $0xF7A  }
0x26: {  	[smem:$0x3F8B] =	sst s1;
	(tag) =	ssettag s2;
	_ =	strace s9  }
0x27: {  	s1 =	sld [smem:$0x3F9B]  }
0x28: {  	s2 =	sld [smem:$0x3F9C]  }
0x29: {  	s4 =	sld [smem:$0x3F9E]  }
0x2a: {  	p0 =	seq.s32 s5, $0x0;
	s5 =	sld [smem:$0x3F9F]  }
0x2b: {  	s6 =	sld [smem:$0x3FA0]  }
0x2c: {  	s7 =	sld [smem:$0x3FA1]  }
0x2d: {  	s3 =	simm.s32 $0x108;
	s8 =	sld [smem:$0x3FA2]  }
0x2e: {  	s3 =	simm.s32 @!p0 $0x1082;
	s9 =	sld [smem:$0x3FA3]  }
0x2f: {  	lr =	sadd.s32 s0, s3;
	s0 =	sld [smem:$0x3F9A]  }
0x30: {  	s3 =	sld [smem:$0x3F9D]  }
0x31: {  	[smem:$0x3FA6] =	sst s10  }
0x32: {  	s10 =	sld [smem:$0x3FA4];
	_ =	sdelay $0x3  }
0x33: {  	p0 =	seq.s32 s10, $0x1;
	s10 =	sld [smem:$0x3FA6];
	_ =	sdelay $0x3  }
0x34: {  	[smem:$0x3FA6] =	sst s10  }
0x35: {  	s10 =	sld [smem:$0x3FA5];
	_ =	sdelay $0x3  }
0x36: {  	p1 =	seq.s32 s10, $0x1;
	s10 =	sld [smem:$0x3FA6];
	_ =	sdelay $0x3  }
0x37: {  	[smem:$0x3FA6] =	sst s10  }
0x38: {  	s10 =	sld [smem:$0x3FA7]  }
0x39: {  	_ = 	snop;
	(pc) =	sbr.ind lr, $3  }
0x3a: {  	_ = 	snop  }
0x3b: {  	_ = 	snop  }
0x3c: {  	p2 =	seq.s32 s10, $0x1;
	s10 =	sld [smem:$0x3FA6]  }
0x3d: {  	_ =	shalt  }
0x3e: {  	_ =	shalt  }
0x3f: {  	_ =	shalt  }
0x40: {  	_ =	shalt  }
0x41: {  	_ =	shalt  }
0x42: {  	_ =	shalt  }
0x43: {  	_ =	shalt  }
0x44: {  	_ =	shalt  }
0x45: {  	_ =	shalt  }
0x46: {  	_ =	shalt  }
0x47: {  	_ =	shalt  }
0x48: {  	_ =	shalt  }
0x49: {  	_ =	shalt  }
0x4a: {  	_ =	shalt  }
0x4b: {  	_ =	shalt  }
0x4c: {  	_ =	shalt  }
0x4d: {  	_ =	shalt  }
0x4e: {  	_ =	shalt  }
0x4f: {  	_ =	shalt  }
0x50: {  	_ =	shalt  }
0x51: {  	_ =	shalt  }
0x52: {  	_ =	shalt  }
0x53: {  	_ =	shalt  }
0x54: {  	_ =	shalt  }
0x55: {  	_ =	shalt  }
0x56: {  	_ =	shalt  }
0x57: {  	_ =	shalt  }
0x58: {  	_ =	shalt  }
0x59: {  	_ =	shalt  }
0x5a: {  	_ =	shalt  }
0x5b: {  	_ =	shalt  }
0x5c: {  	_ =	shalt  }
0x5d: {  	_ =	shalt  }
0x5e: {  	_ =	shalt  }
0x5f: {  	_ =	shalt  }
0x60: {  	_ =	shalt  }
0x61: {  	_ =	shalt  }
0x62: {  	_ =	shalt  }
0x63: {  	_ =	shalt  }
0x64: {  	_ =	shalt  }
0x65: {  	_ =	shalt  }
0x66: {  	_ =	shalt  }
0x67: {  	_ =	shalt  }
0x68: {  	_ =	shalt  }
0x69: {  	_ =	shalt  }
0x6a: {  	_ =	shalt  }
0x6b: {  	_ =	shalt  }
0x6c: {  	_ =	shalt  }
0x6d: {  	_ =	shalt  }
0x6e: {  	_ =	shalt  }
0x6f: {  	_ =	shalt  }
0x70: {  	_ =	shalt  }
0x71: {  	_ =	shalt  }
0x72: {  	_ =	shalt  }
0x73: {  	_ =	shalt  }
0x74: {  	_ =	shalt  }
0x75: {  	_ =	shalt  }
0x76: {  	_ =	shalt  }
0x77: {  	_ =	shalt  }
0x78: {  	_ =	shalt  }
0x79: {  	_ =	shalt  }
0x7a: {  	_ =	shalt  }
0x7b: {  	_ =	shalt  }
0x7c: {  	_ =	shalt  }
0x7d: {  	_ =	shalt  }
0x7e: {  	_ =	shalt  }
0x7f: {  	_ =	shalt  }
0x80: {  	_ =	shalt  }
0x81: {  	_ =	shalt  }
0x82: {  	_ =	shalt  }
0x83: {  	_ =	shalt  }
0x84: {  	_ =	shalt  }
0x85: {  	_ =	shalt  }
0x86: {  	_ =	shalt  }
0x87: {  	_ =	shalt  }
.Lfunc_end0:
.L_simem_size_0:
called_computation.2_lowered:
.L_overlay_start_0:
0x88: {  	s2 =	sld [smem:$0x3FD9]  }
0x89: {  	s3 =	sld [smem:$0x3FFE];
	_ =	sdelay $0x1  }
0x8a: {  	s1 =	srdreg.scid  }
0x8b: {  	s0 =	sand.u32 $0x1, s1  }
0x8c: {  	s17 =	sshll.u32 s0, $0xA;
	s2 =	sadd.s32 s3, s2  }
0x8d: {  	s2 =	sadd.s32 s2, s17  }
0x8e: {  	[smem:$0x3FB2] =	sst s2  }
0x8f: {  	_ = 	snop  }
0x90: {  	(tm) =	ssettm $0x1  }
0x91: {  	s18 =	sld [smem:$0x3FFB];
	_ =	sdelay $0x3  }
0x92: {  	_ =	strace s18  }
0x93: {  	s2 =	sld [smem:$0x3FFC];
	_ =	sdelay $0x3  }
0x94: {  	_ =	strace s2  }
0x95: {  	s2 =	sld [smem:$0x3FFD];
	_ =	sdelay $0x3  }
0x96: {  	_ =	strace s2  }
0x97: {  	_ =	strace $0x8FFFFFFF  }
0x98: {  	s19 =	sld [smem:$0x3FDB];
	_ =	sdelay $0x1  }
0x99: {  	s20 =	simm.s32 $_scs_section_size  }
0x9a: {  	s4 =	simm.s32 $_size__tile_overlayer_lowered;
	s5 =	simm.s32 $_tile_overlayer_lowered  }
0x9b: {  	s6 =	simm.s32 $0x1BFF;
	s21 =	sshll.u32 s5, $0x1;
	s3 =	sadd.s32 s20, s19  }
0x9c: {  	s22 =	simm.s32 $0x0;
	s4 =	sshll.u32 s4, $0x1;
	s5 =	sadd.s32 s21, s3  }
0x9d: {  	[timem:s22], [sflag:s6] =	dma.local [hbm:s5], s4  }
0x9e: {  	_ =	swait.ge [sflag:s6], s4  }
0x9f: {  	s4 =	ssub.s32 $0x0, s4;
	[sflag:s6] =	ssyncset.done $0x0  }
0xa0: {  	[sflag:s6] =	ssyncadd.s32 s4;
	_ =	sdelay $0x1  }
0xa1: {  	s23 =	simm.s32 $0x1B8B  }
0xa2: {  	_ =	swait.ge [sflag:s23], $0x1  }
0xa3: {  	[sflag:s23] =	ssyncset.done $0x0  }
0xa4: {  	[sflag:s23] =	ssyncadd.s32 $0xFFFFFFFF  }
0xa5: {  	s4 =	sld [smem:$0x0]  }
0xa6: {  	s5 =	sand.u32 $0xFFFFFFFE, s1  }
0xa7: {  	p0 =	sne.s32 s1, s5  }
0xa8: {  	s5 =	sshll.u32 @p0 s5, $0xE  }
0xa9: {  	s5 =	sadd.s32 @p0 $0x11B8D, s5;
	s6 =	sshll.u32 @p0 s4, $0x11  }
0xaa: {  	s5 =	sor.u32 @p0 s6, s5  }
0xab: {  	[sflag:s5] =	ssyncadd.remote.s32 @p0 $0x1;
	_ =	sdelay $0x1  }
0xac: {  	s5 =	simm.s32 @p0 $0x1B8D  }
0xad: {  	_ =	swait.eq @p0 [sflag:s5], $0x1  }
0xae: {  	[sflag:s5] =	ssyncadd.s32 @p0 $0xFFFFFFFF  }
0xaf: {  	s6 =	sshll.u32 @!p0 s1, $0xE  }
0xb0: {  	s6 =	sor.u32 @!p0 $0x4000, s6;
	s5 =	simm.s32 @!p0 $0x1B8D  }
0xb1: {  	s4 =	sshll.u32 @!p0 s4, $0x11;
	s6 =	sadd.s32 @!p0 $0x11B8D, s6;
	_ =	swait.eq @!p0 [sflag:s5], $0x1  }
0xb2: {  	s4 =	sor.u32 @!p0 s4, s6;
	[sflag:s5] =	ssyncadd.s32 @!p0 $0xFFFFFFFF  }
0xb3: {  	s25 =	simm.s32 $0x1B8E;
	s24 =	sld [smem:$0x3FFE];
	[sflag:s4] =	ssyncadd.remote.s32 @!p0 $0x1  }
0xb4: {  	s26 =	simm.s32 $execute0_lowered;
	[smem:$0x3FD2] =	sst s25  }
0xb5: {  	s5 =	sshll.u32 s26, $0x1;
	_ =	strace $0x8000004C;
	[dreg:$0x1] =	wrdreg $0xFFFFFFFF  }
0xb6: {  	s28 =	simm.s32 $_size_execute0_lowered;
	s3 =	sadd.s32 s3, s5;
	[dreg:$0x0] =	wrdreg $0x0  }
0xb7: {  	s5 =	sshll.u32 s28, $0x1;
	[dreg:$0x2] =	wrdreg s3  }
0xb8: {  	[dreg:$0x3] =	wrdreg s5  }
0xb9: {  	[dreg:$0x4] =	wrdreg $0xC0  }
0xba: {  	_ =	task [dreg:s22], $0x5FFFF  }
0xbb: {  	[dreg:$0x1] =	wrdreg $0xFFFFFFFF  }
0xbc: {  	[dreg:$0x0] =	wrdreg $0x60  }
0xbd: {  	[dreg:$0x2] =	wrdreg s24  }
0xbe: {  	[dreg:$0x3] =	wrdreg $0x0  }
0xbf: {  	[dreg:$0x4] =	wrdreg $0xA  }
0xc0: {  	_ =	task.clear_ibuf [dreg:s22], $0x5FFFF;
	_ =	strace $0x9000004C  }
0xc1: {  	s29 =	simm.s32 $0xA;
	_ =	strace $0x8000004E  }
0xc2: {  	_ =	swait.ge [sflag:s29], $0x1  }
0xc3: {  	[sflag:s29] =	ssyncadd.s32 $0xFFFFFFFF  }
0xc4: {  	_ =	strace $0x9000004E  }
0xc5: {  	_ =	sfence  }
0xc6: {  	s30 =	sld [smem:$0x0];
	_ =	sdelay $0x2  }
0xc7: {  	s31 =	sshll.u32 s1, $0xD;
	s1 =	sshrl.u32 s1, $0x2  }
0xc8: {  	s4 =	sand.u32 $0x4000, s31;
	s1 =	sadd.s32 s1, s30  }
0xc9: {  	s0 =	sor.u32 s4, s0;
	s1 =	sshll.u32 s1, $0x11  }
0xca: {  	s0 =	sor.u32 s1, s0  }
0xcb: {  	s0 =	sadd.s32 $0x8F2B, s0  }
0xcc: {  	[sflag:s0] =	ssyncadd.remote.s32 $0x1  }
0xcd: {  	_ =	sfence.sel $0xFFFF  }
0xce: {  	[dreg:$0x0] =	wrdreg $0xFFFFFFFF;
	(pc) =	sbr.abs _section_cstart, $3  }
0xcf: {  	[dreg:$0x1] =	wrdreg $0xFFFFFFFF  }
0xd0: {  	_ =	task.clear_ibuf [dreg:s22], $0x2FFFF;
	_ =	strace $0x9FFFFFFF  }
0xd1: {  	(tm) =	ssettm $0x7FFFFFFF  }
tec
execute0_lowered:
.L_overlay_start_1:
0x0: {  	(tag) =	ssettag $0x1  }
0x1: {  	s8 =	stileid.u32  }
0x2: {  	s0 =	rddreg [dreg:$0x0];
	s4 =	smul.u32 $0x4E20, s8  }
0x3: {  	s1 =	srdreg.scid;
	s6 =	smul.u32 $0x4E200, s8  }
0x4: {  	s2 =	rddreg [dreg:$0x1];
	s3 =	simm.s32 $0x0;
	s13 =	smul.u32 $0x278, s8  }
0x5: {  	s28 =	simm.s32 $0x1;
	s1 =	sand.u32 $0x1, s1;
	s8 =	smul.u32 $0x4F000, s8  }
0x6: {  	s29 =	simm.s32 $0x50;
	[smem:$0x7FF] =	sst s3;
	s5 =	smul.u32 $0x2710, s1  }
0x7: {  	s30 =	simm.s32 $0x0;
	_ =	strace $0x8000004D;
	s18 =	smul.u32 $0x2780, s1  }
0x8: {  	s12 =	ssub.s32 $0x2, s1;
	s1 =	smul.u32 $0x27100, s1;
	s21 =	sadd.s32 s6, s0  }
0x9: {  	s14 =	sshrl.u32 s12, $0x1;
	s15 =	sadd.s32 $0x230, s13;
	s17 =	sshrl.u32 s8, $0x2  }
0xa: {  	s4 =	sadd.s32 s5, s4;
	s7 =	sshll.u32 s15, $0x7;
	s6 =	sadd.s32 s18, s15  }
0xb: {  	s9 =	ssub.s32 s12, s14;
	s14 =	sadd.s32 $0x50, s13;
	s31 =	sadd.s32 s1, s21  }
0xc: {  	s4 =	sshrl.u32 s4, $0x3;
	s16 =	sshll.u32 s6, $0x4;
	s6 =	sadd.s32 s17, s2  }
0xd: {  	s19 =	sshll.u32 s14, $0x7;
	s20 =	smax.u32 s9, $0x1;
	s17 =	sadd.s32 $0xF0, s13  }
0xe: {  	s25 =	sadd.s32 s18, s14;
	s21 =	sadd.s32 $0x571800, s31;
	s22 =	sadd.s32 s4, s0  }
0xf: {  	s0 =	sadd.s32 $0x40800, s0;
	s4 =	sadd.s32 s7, s2;
	[dreg:$0x4] =	wrdreg s20  }
0x10: {  	s8 =	sadd.s32 s19, s2;
	s19 =	sadd.s32 $0x140, s13;
	s10 =	sshll.u32 s17, $0x7  }
0x11: {  	s20 =	sadd.s32 $0x190, s13;
	s17 =	sadd.s32 s18, s17;
	s5 =	sadd.s32 s0, s16  }
0x12: {  	s16 =	sadd.s32 $0xA0, s13;
	s11 =	sshll.u32 s19, $0x7;
	s10 =	sadd.s32 s10, s2  }
0x13: {  	s12 =	sshll.u32 s20, $0x7;
	s17 =	sshll.u32 s17, $0x4;
	s19 =	sadd.s32 s18, s19  }
0x14: {  	s20 =	sadd.s32 s18, s20;
	s22 =	sadd.s32 $0xF600, s22;
	[dreg:$0x3] =	wrdreg s5  }
0x15: {  	s23 =	sshll.u32 s16, $0x7;
	s11 =	sadd.s32 s11, s2;
	s12 =	sadd.s32 s12, s2  }
0x16: {  	s16 =	sadd.s32 s18, s16;
	s17 =	sadd.s32 s0, s17;
	s19 =	sshll.u32 s19, $0x4  }
0x17: {  	s9 =	sadd.s32 s23, s2;
	s23 =	sadd.s32 $0x1E0, s13;
	s13 =	sadd.s32 s18, s13  }
0x18: {  	s16 =	sshll.u32 s16, $0x4;
	s15 =	sshll.u32 s23, $0x7;
	s24 =	sshll.u32 s13, $0x4  }
0x19: {  	s16 =	sadd.s32 s0, s16;
	s23 =	sadd.s32 s18, s23;
	s18 =	sadd.s32 s0, s19  }
0x1a: {  	s13 =	sadd.s32 s15, s2;
	s14 =	sadd.s32 s0, s24;
	s24 =	sshll.u32 s25, $0x4  }
0x1b: {  	s25 =	sshll.u32 s20, $0x4;
	s26 =	sshll.u32 s23, $0x4;
	s23 =	simm.s32 $0x16400  }
0x1c: {  	s15 =	sadd.s32 s0, s24;
	s19 =	sadd.s32 s0, s25;
	s20 =	sadd.s32 s0, s26  }
0x1d: {  	v0 =	vimm.f32 $0.0e+00;
	s24 =	simm.s32 $0x2;
	s25 =	simm.s32 $0x18C00;
	s26 =	simm.s32 $0x13C00  }
.LBB2_1:
0x1e: {  	s1 =	simm.s32 $0x0;
	s31 =	simm.s32 $0x200  }
.LBB2_2:
0x1f: {  	p0 =	sne.s32 s31, $0x9E00;
	[tilespmem:s1+$0x16470] =	vst v0  }
0x20: {  	[tilespmem:s1+$0x16400] =	vst v0  }
0x21: {  	[tilespmem:s1+$0x16410] =	vst v0  }
.Ltmp0:
0x22: {  	[tilespmem:s1+$0x16420] =	vst v0;
	(pc) =	sbr.rel @p0 .LBB2_2-.Ltmp0, $4  }
0x23: {  	[tilespmem:s1+$0x16430] =	vst v0  }
0x24: {  	[tilespmem:s1+$0x16440] =	vst v0  }
0x25: {  	[tilespmem:s1+$0x16450] =	vst v0  }
0x26: {  	[tilespmem:s1+$0x16460] =	vst v0;
	s1 =	sshra.s32 s31, $0x2;
	s31 =	sadd.s32 $0x200, s31  }
0x27: {  	[tilespmem:s1+$0x16470] =	vst v0  }
0x28: {  	[tilespmem:s1+$0x16400] =	vst v0  }
0x29: {  	[tilespmem:s1+$0x16410] =	vst v0  }
0x2a: {  	[tilespmem:s1+$0x16420] =	vst v0  }
0x2b: {  	[tilespmem:s1+$0x16430] =	vst v0  }
0x2c: {  	[tilespmem:s1+$0x16440] =	vst v0  }
0x2d: {  	[tilespmem:s1+$0x16450] =	vst v0  }
0x2e: {  	[tilespmem:s1+$0x16460] =	vst v0  }
0x2f: {  	[spmem:s6] =	stream.linear.scatter [tilespmem:s23], [sflag:$0x2], $0x2800, $0x38;
	[tilespmem:$0x18C80] =	vst v63  }
0x30: {  	_ =	swait.ge [sflag:s24], $0x2800  }
0x31: {  	[sflag:s24] =	ssyncset.done $0x0  }
0x32: {  	[sflag:s24] =	ssyncadd.s32 $0xFFFFD800  }
0x33: {  	[spmem:s8] =	stream.linear.scatter [tilespmem:s23], [sflag:$0x2], $0x2800, $0x38;
	[tilespmem:$0x18C80] =	vst v63  }
0x34: {  	_ =	swait.ge [sflag:s24], $0x2800  }
0x35: {  	[sflag:s24] =	ssyncset.done $0x0  }
0x36: {  	[sflag:s24] =	ssyncadd.s32 $0xFFFFD800  }
0x37: {  	[spmem:s9] =	stream.linear.scatter [tilespmem:s23], [sflag:$0x2], $0x2800, $0x38;
	[tilespmem:$0x18C80] =	vst v63  }
0x38: {  	_ =	swait.ge [sflag:s24], $0x2800  }
0x39: {  	[sflag:s24] =	ssyncset.done $0x0  }
0x3a: {  	[sflag:s24] =	ssyncadd.s32 $0xFFFFD800  }
0x3b: {  	[spmem:s10] =	stream.linear.scatter [tilespmem:s23], [sflag:$0x2], $0x2800, $0x38;
	[tilespmem:$0x18C80] =	vst v63  }
0x3c: {  	_ =	swait.ge [sflag:s24], $0x2800  }
0x3d: {  	[sflag:s24] =	ssyncset.done $0x0  }
0x3e: {  	[sflag:s24] =	ssyncadd.s32 $0xFFFFD800  }
0x3f: {  	[spmem:s11] =	stream.linear.scatter [tilespmem:s23], [sflag:$0x2], $0x2800, $0x38;
	[tilespmem:$0x18C80] =	vst v63  }
0x40: {  	_ =	swait.ge [sflag:s24], $0x2800  }
0x41: {  	[sflag:s24] =	ssyncset.done $0x0  }
0x42: {  	[sflag:s24] =	ssyncadd.s32 $0xFFFFD800  }
0x43: {  	[spmem:s12] =	stream.linear.scatter [tilespmem:s23], [sflag:$0x2], $0x2800, $0x38;
	[tilespmem:$0x18C80] =	vst v63  }
0x44: {  	_ =	swait.ge [sflag:s24], $0x2800  }
0x45: {  	[sflag:s24] =	ssyncset.done $0x0  }
0x46: {  	[sflag:s24] =	ssyncadd.s32 $0xFFFFD800  }
0x47: {  	[spmem:s13] =	stream.linear.scatter [tilespmem:s23], [sflag:$0x2], $0x2800, $0x38;
	[tilespmem:$0x18C80] =	vst v63  }
0x48: {  	_ =	swait.ge [sflag:s24], $0x2800  }
0x49: {  	[sflag:s24] =	ssyncset.done $0x0  }
0x4a: {  	[sflag:s24] =	ssyncadd.s32 $0xFFFFD800  }
0x4b: {  	[spmem:s4] =	stream.linear.scatter [tilespmem:s23], [sflag:$0x2], $0x2400, $0x38;
	[tilespmem:$0x18C80] =	vst v63  }
0x4c: {  	_ =	swait.ge [sflag:s24], $0x2400  }
0x4d: {  	[sflag:s24] =	ssyncset.done $0x0  }
0x4e: {  	[sflag:s24] =	ssyncadd.s32 $0xFFFFDC00  }
0x4f: {  	s0 =	sadd.s32 $0x0, s22;
	[bflag:$0x0] =	sbarrier.arrive $0xFFFF  }
0x50: {  	[tilespmem:s25], [sflag:$0x1] =	stream.linear.gather [hbm4b:s0+s3], $0x50, $0x38;
	[tilespmem:$0x18C80] =	vst v63  }
0x51: {  	_ = 	snop  }
0x52: {  	[tilespmem:s26], [sflag:$0x1] =	stream.linear.gather [hbm4b:s21+s3], $0x2800, $0x38;
	[tilespmem:$0x18C80] =	vst v63  }
0x53: {  	_ =	swait.ge [sflag:s28], $0x50  }
0x54: {  	[sflag:s28] =	ssyncset.done $0x0  }
0x55: {  	[sflag:s28] =	ssyncadd.s32 $0xFFFFFFB0  }
0x56: {  	_ =	swait.ge [sflag:s28], $0x2800  }
0x57: {  	[sflag:s28] =	ssyncset.done $0x0  }
0x58: {  	[sflag:s28] =	ssyncadd.s32 $0xFFFFD800  }
0x59: {  	[spmem:s2] =	stream.indirect.scatter.add.f32 [tilespmem:s26], [sflag:$0x2], $0x80, s25, s29, $0xb8;
	[tilespmem:$0x18C80] =	vst v63  }
0x5a: {  	s1 =	simm.s32 $0xA;
	_ =	swait.ge [sflag:s24], $0x2800  }
0x5b: {  	s31 =	sadd.s32 $0x500, s21;
	s0 =	simm.s32 $0x14;
	[sflag:s24] =	ssyncset.done $0x0  }
.LBB2_4:
0x5c: {  	s5 =	sadd.s32 s1, s22  }
0x5d: {  	[sflag:s24] =	ssyncadd.s32 $0xFFFFD800;
	s1 =	smov.u32 s0;
	s7 =	sadd.s32 $0xA, s0  }
0x5e: {  	[tilespmem:s25], [sflag:$0x1] =	stream.linear.gather [hbm4b:s5+s3], $0x50, $0x38;
	[tilespmem:$0x18C80] =	vst v63  }
0x5f: {  	p0 =	sne.s32 s0, $0x4D8  }
0x60: {  	[tilespmem:s26], [sflag:$0x1] =	stream.linear.gather [hbm4b:s31+s3], $0x2800, $0x38;
	[tilespmem:$0x18C80] =	vst v63  }
0x61: {  	_ =	swait.ge [sflag:s28], $0x50  }
0x62: {  	[sflag:s28] =	ssyncset.done $0x0  }
0x63: {  	[sflag:s28] =	ssyncadd.s32 $0xFFFFFFB0  }
0x64: {  	_ =	swait.ge [sflag:s28], $0x2800  }
.Ltmp1:
0x65: {  	[sflag:s28] =	ssyncset.done $0x0;
	(pc) =	sbr.rel @p0 .LBB2_4-.Ltmp1, $4  }
0x66: {  	[sflag:s28] =	ssyncadd.s32 $0xFFFFD800  }
0x67: {  	[spmem:s2] =	stream.indirect.scatter.add.f32 [tilespmem:s26], [sflag:$0x2], $0x80, s25, s29, $0xb8;
	[tilespmem:$0x18C80] =	vst v63  }
0x68: {  	_ =	swait.ge [sflag:s24], $0x2800  }
0x69: {  	s0 =	smov.u32 s7;
	s31 =	sadd.s32 $0x500, s31;
	[sflag:s24] =	ssyncset.done $0x0  }
0x6a: {  	s0 =	sadd.s32 s1, s22;
	[sflag:s24] =	ssyncadd.s32 $0xFFFFD800  }
0x6b: {  	[tilespmem:s25], [sflag:$0x1] =	stream.linear.gather [hbm4b:s0+s3], $0x50, $0x38;
	[tilespmem:$0x18C80] =	vst v63  }
0x6c: {  	_ = 	snop  }
0x6d: {  	[tilespmem:s26], [sflag:$0x1] =	stream.linear.gather [hbm4b:s31+s3], $0x2800, $0x38;
	[tilespmem:$0x18C80] =	vst v63  }
0x6e: {  	_ =	swait.ge [sflag:s28], $0x50  }
0x6f: {  	[sflag:s28] =	ssyncset.done $0x0  }
0x70: {  	[sflag:s28] =	ssyncadd.s32 $0xFFFFFFB0  }
0x71: {  	_ =	swait.ge [sflag:s28], $0x2800  }
0x72: {  	[sflag:s28] =	ssyncset.done $0x0  }
0x73: {  	[sflag:s28] =	ssyncadd.s32 $0xFFFFD800  }
0x74: {  	[spmem:s2] =	stream.indirect.scatter.add.f32 [tilespmem:s26], [sflag:$0x2], $0x80, s25, s29, $0xb8;
	[tilespmem:$0x18C80] =	vst v63  }
0x75: {  	_ =	swait.ge [sflag:s24], $0x2800  }
0x76: {  	[sflag:s24] =	ssyncset.done $0x0  }
0x77: {  	[sflag:s24] =	ssyncadd.s32 $0xFFFFD800  }
0x78: {  	[bflag:$0x0] =	sbarrier.arrive $0xFFFF  }
0x79: {  	[tilespmem:s23], [sflag:$0x2] =	stream.linear.gather [spmem:s6], $0x2800, $0x38;
	[tilespmem:$0x18C80] =	vst v63  }
0x7a: {  	_ =	swait.ge [sflag:s24], $0x2800  }
0x7b: {  	[sflag:s24] =	ssyncset.done $0x0  }
0x7c: {  	[sflag:s24] =	ssyncadd.s32 $0xFFFFD800  }
0x7d: {  	[hbm4b:s14+s3] =	stream.linear.scatter [tilespmem:s23], [sflag:$0x2], $0x2800, $0x38;
	[tilespmem:$0x18C80] =	vst v63  }
0x7e: {  	_ =	swait.ge [sflag:s24], $0x2800  }
0x7f: {  	[sflag:s24] =	ssyncset.done $0x0  }
0x80: {  	[sflag:s24] =	ssyncadd.s32 $0xFFFFD800  }
0x81: {  	[tilespmem:s23], [sflag:$0x2] =	stream.linear.gather [spmem:s8], $0x2800, $0x38;
	[tilespmem:$0x18C80] =	vst v63  }
0x82: {  	_ =	swait.ge [sflag:s24], $0x2800  }
0x83: {  	[sflag:s24] =	ssyncset.done $0x0  }
0x84: {  	[sflag:s24] =	ssyncadd.s32 $0xFFFFD800  }
0x85: {  	[hbm4b:s15+s3] =	stream.linear.scatter [tilespmem:s23], [sflag:$0x2], $0x2800, $0x38;
	[tilespmem:$0x18C80] =	vst v63  }
0x86: {  	_ =	swait.ge [sflag:s24], $0x2800  }
0x87: {  	[sflag:s24] =	ssyncset.done $0x0  }
0x88: {  	[sflag:s24] =	ssyncadd.s32 $0xFFFFD800  }
0x89: {  	[tilespmem:s23], [sflag:$0x2] =	stream.linear.gather [spmem:s9], $0x2800, $0x38;
	[tilespmem:$0x18C80] =	vst v63  }
0x8a: {  	_ =	swait.ge [sflag:s24], $0x2800  }
0x8b: {  	[sflag:s24] =	ssyncset.done $0x0  }
0x8c: {  	[sflag:s24] =	ssyncadd.s32 $0xFFFFD800  }
0x8d: {  	[hbm4b:s16+s3] =	stream.linear.scatter [tilespmem:s23], [sflag:$0x2], $0x2800, $0x38;
	[tilespmem:$0x18C80] =	vst v63  }
0x8e: {  	_ =	swait.ge [sflag:s24], $0x2800  }
0x8f: {  	[sflag:s24] =	ssyncset.done $0x0  }
0x90: {  	[sflag:s24] =	ssyncadd.s32 $0xFFFFD800  }
0x91: {  	[tilespmem:s23], [sflag:$0x2] =	stream.linear.gather [spmem:s10], $0x2800, $0x38;
	[tilespmem:$0x18C80] =	vst v63  }
0x92: {  	_ =	swait.ge [sflag:s24], $0x2800  }
0x93: {  	[sflag:s24] =	ssyncset.done $0x0  }
0x94: {  	[sflag:s24] =	ssyncadd.s32 $0xFFFFD800  }
0x95: {  	[hbm4b:s17+s3] =	stream.linear.scatter [tilespmem:s23], [sflag:$0x2], $0x2800, $0x38;
	[tilespmem:$0x18C80] =	vst v63  }
0x96: {  	_ =	swait.ge [sflag:s24], $0x2800  }
0x97: {  	[sflag:s24] =	ssyncset.done $0x0  }
0x98: {  	[sflag:s24] =	ssyncadd.s32 $0xFFFFD800  }
0x99: {  	[tilespmem:s23], [sflag:$0x2] =	stream.linear.gather [spmem:s11], $0x2800, $0x38;
	[tilespmem:$0x18C80] =	vst v63  }
0x9a: {  	_ =	swait.ge [sflag:s24], $0x2800  }
0x9b: {  	[sflag:s24] =	ssyncset.done $0x0  }
0x9c: {  	[sflag:s24] =	ssyncadd.s32 $0xFFFFD800  }
0x9d: {  	[hbm4b:s18+s3] =	stream.linear.scatter [tilespmem:s23], [sflag:$0x2], $0x2800, $0x38;
	[tilespmem:$0x18C80] =	vst v63  }
0x9e: {  	_ =	swait.ge [sflag:s24], $0x2800  }
0x9f: {  	[sflag:s24] =	ssyncset.done $0x0  }
0xa0: {  	[sflag:s24] =	ssyncadd.s32 $0xFFFFD800  }
0xa1: {  	[tilespmem:s23], [sflag:$0x2] =	stream.linear.gather [spmem:s12], $0x2800, $0x38;
	[tilespmem:$0x18C80] =	vst v63  }
0xa2: {  	_ =	swait.ge [sflag:s24], $0x2800  }
0xa3: {  	[sflag:s24] =	ssyncset.done $0x0  }
0xa4: {  	[sflag:s24] =	ssyncadd.s32 $0xFFFFD800  }
0xa5: {  	[hbm4b:s19+s3] =	stream.linear.scatter [tilespmem:s23], [sflag:$0x2], $0x2800, $0x38;
	[tilespmem:$0x18C80] =	vst v63  }
0xa6: {  	_ =	swait.ge [sflag:s24], $0x2800  }
0xa7: {  	[sflag:s24] =	ssyncset.done $0x0  }
0xa8: {  	[sflag:s24] =	ssyncadd.s32 $0xFFFFD800  }
0xa9: {  	[tilespmem:s23], [sflag:$0x2] =	stream.linear.gather [spmem:s13], $0x2800, $0x38;
	[tilespmem:$0x18C80] =	vst v63  }
0xaa: {  	_ =	swait.ge [sflag:s24], $0x2800  }
0xab: {  	[sflag:s24] =	ssyncset.done $0x0  }
0xac: {  	[sflag:s24] =	ssyncadd.s32 $0xFFFFD800  }
0xad: {  	[hbm4b:s20+s3] =	stream.linear.scatter [tilespmem:s23], [sflag:$0x2], $0x2800, $0x38;
	[tilespmem:$0x18C80] =	vst v63  }
0xae: {  	_ =	swait.ge [sflag:s24], $0x2800  }
0xaf: {  	[sflag:s24] =	ssyncset.done $0x0  }
0xb0: {  	[sflag:s24] =	ssyncadd.s32 $0xFFFFD800  }
0xb1: {  	[tilespmem:s23], [sflag:$0x2] =	stream.linear.gather [spmem:s4], $0x2400, $0x38;
	[tilespmem:$0x18C80] =	vst v63  }
0xb2: {  	_ =	swait.ge [sflag:s24], $0x2400  }
0xb3: {  	[sflag:s24] =	ssyncset.done $0x0  }
0xb4: {  	s7 =	rddreg [dreg:$0x3];
	[sflag:s24] =	ssyncadd.s32 $0xFFFFDC00  }
0xb5: {  	[hbm4b:s7+s3] =	stream.linear.scatter [tilespmem:s23], [sflag:$0x2], $0x2400, $0x38;
	[tilespmem:$0x18C80] =	vst v63  }
0xb6: {  	_ =	swait.ge [sflag:s24], $0x2400  }
0xb7: {  	s30 =	sadd.s32 $0x1, s30;
	s31 =	rddreg [dreg:$0x4]  }
0xb8: {  	p0 =	sne.s32 s30, s31  }
.Ltmp2:
0xb9: {  	_ = 	snop;
	(pc) =	sbr.rel @p0 .LBB2_1-.Ltmp2, $3  }
0xba: {  	_ =	sdelay $0x1  }
0xbb: {  	[sflag:s24] =	ssyncset.done $0x0  }
0xbc: {  	[sflag:s24] =	ssyncadd.s32 $0xFFFFDC00  }
0xbd: {  	_ =	sfence.sel $0x180000  }
0xbe: {  	[bflag:$0x0] =	sbarrier.arrive $0xFFFF  }
0xbf: {  	_ =	strace $0x9000004D  }
0xc0: {  	s0 =	stileid.u32;
	[bflag:$0x2] =	sbarrier.arrive $0xFFFF  }
0xc1: {  	p0 =	sne.s32 s0, $0x0;
	s0 =	rddreg [dreg:$0x2]  }
0xc2: {  	s0 =	sadd.s32 @!p0 $0x100000, s0  }
0xc3: {  	[sflag:s0] =	ssyncadd.tile.s32 @!p0 $0x1;
	_ =	shalt  }
.Lfunc_end2:
_tile_overlayer_lowered:
.L_overlay_start_2:
0xc4: {  	(tag) =	ssettag $0x2  }
0xc5: {  	s0 =	rddreg [dreg:$0x0];
	s2 =	stileid.u32  }
0xc6: {  	s1 =	rddreg [dreg:$0x1];
	p0 =	sne.s32 s2, $0x0  }
0xc7: {  	s3 =	rddreg [dreg:$0x2];
	[bflag:$0x3] =	sbarrier.arrive $0xFFFF;
	s2 =	simm.s32 @!p0 $0x1C02  }
0xc8: {  	[timem:s3], [sflag:s2] =	dma.local @!p0 [hbm:s0], s1  }
0xc9: {  	s0 =	simm.s32 @!p0 $0x2  }
0xca: {  	_ =	swait.ge @!p0 [sflag:s0], s1  }
0xcb: {  	s1 =	ssub.s32 @!p0 $0x0, s1;
	[sflag:s0] =	ssyncset.done @!p0 $0x0  }
0xcc: {  	[sflag:s0] =	ssyncadd.s32 @!p0 s1  }
0xcd: {  	[bflag:$0x3] =	sbarrier.arrive $0xFFFF  }
0xce: {  	_ =	shalt  }

// kernel: kernel.8.cloned.1.call-start
scs
__scs_entry_jumppad:
0x0: {  	(pc) =	sbr.rel $0x88, $3  }
0x1: {  	(tag) =	ssettag $0x0;
	lr =	simm.s32 $0x1  }
0x2: {  	[smem:$0x3F8B] =	sst lr;
	_ =	strace $0xD0000000  }
0x3: {  	_ = 	snop  }
0x4: {  	_ = 	snop  }
0x5: {  	_ = 	snop  }
0x6: {  	_ = 	snop  }
0x7: {  	_ = 	snop  }
__scs_overlays_trampoline_lowered:
0x8: {  	[smem:$0x3F9A] =	sst s0  }
0x9: {  	[smem:$0x3F9B] =	sst s1  }
0xa: {  	[smem:$0x3F9C] =	sst s2  }
0xb: {  	[smem:$0x3F9D] =	sst s3  }
0xc: {  	[smem:$0x3F9E] =	sst s4  }
0xd: {  	[smem:$0x3F9F] =	sst s5  }
0xe: {  	[smem:$0x3FA0] =	sst s6  }
0xf: {  	[smem:$0x3FA1] =	sst s7  }
0x10: {  	[smem:$0x3FA2] =	sst s8  }
0x11: {  	[smem:$0x3FA3] =	sst s9;
	s0 =	simm.s32 @!p0 $0x0  }
0x12: {  	s1 =	sld [smem:$0x3F89];
	s0 =	simm.s32 @p0 $0x1  }
0x13: {  	[smem:$0x3FA4] =	sst s0;
	s0 =	simm.s32 @!p1 $0x0  }
0x14: {  	s2 =	sld [smem:$0x3F88];
	s0 =	simm.s32 @p1 $0x1  }
0x15: {  	[smem:$0x3FA5] =	sst s0;
	s0 =	simm.s32 @!p2 $0x0  }
0x16: {  	s3 =	sld [smem:$0x3FDB];
	s0 =	simm.s32 @p2 $0x1  }
0x17: {  	s4 =	simm.s32 $0x1BF5;
	[smem:$0x3FA7] =	sst s0  }
0x18: {  	s0 =	sld [smem:$0x3F8A];
	_ =	swait.ge [sflag:s4], $0x0  }
0x19: {  	s7 =	sld [smem:$0x3F8B]  }
0x1a: {  	s8 =	sadd.s32 $0xFFFFE003, lr  }
0x1b: {  	s9 =	sadd.s32 $0xFFFFFEF7, lr;
	s5 =	simm.s32 $0xFFFFFFFF;
	p2 =	slt.u32 s8, $0xFFFFF086  }
0x1c: {  	p1 =	slt.u32 s9, $0xF7A;
	s5 =	simm.s32 @!p2 $0x0  }
0x1d: {  	s5 =	simm.s32 @p1 $0x1;
	p0 =	seq.s32 s7, s2  }
0x1e: {  	s7 =	smul.u32 @!p0 $0xF7A, s2;
	p2 =	seq.s32 @!p0 s5, $0x0  }
0x1f: {  	s9 =	smul.u32 $0xF7A, s1;
	s8 =	simm.s32 @!p0 $0x1BF5;
	p2 =	por !p2, p0  }
0x20: {  	[sflag:s8] =	ssyncset.s32 @!p0 $0xFFFFF086;
	s6 =	sadd.s32 @!p0 s3, s7;
	s7 =	simm.s32 @!p0 $0x108  }
0x21: {  	s3 =	sadd.s32 s3, s9;
	s6 =	sadd.s32 @!p0 $0x88, s6;
	s7 =	simm.s32 @p2 $0x1082  }
0x22: {  	[simem:s7], [sflag:s8] =	dma.local @!p0 [hbm:s6], $0xF7A  }
0x23: {  	s9 =	sor.u32 $0xD0000000, s2;
	s6 =	simm.s32 $0x108;
	_ =	swait.ge @!p0 [sflag:s8], $0x0  }
0x24: {  	s3 =	sadd.s32 $0x88, s3;
	s6 =	simm.s32 @!p1 $0x1082;
	[sflag:s4] =	ssyncset.s32 $0xFFFFF086  }
0x25: {  	[simem:s6], [sflag:s4] =	dma.local [hbm:s3], $0xF7A  }
0x26: {  	[smem:$0x3F8B] =	sst s1;
	(tag) =	ssettag s2;
	_ =	strace s9  }
0x27: {  	s1 =	sld [smem:$0x3F9B]  }
0x28: {  	s2 =	sld [smem:$0x3F9C]  }
0x29: {  	s4 =	sld [smem:$0x3F9E]  }
0x2a: {  	p0 =	seq.s32 s5, $0x0;
	s5 =	sld [smem:$0x3F9F]  }
0x2b: {  	s6 =	sld [smem:$0x3FA0]  }
0x2c: {  	s7 =	sld [smem:$0x3FA1]  }
0x2d: {  	s3 =	simm.s32 $0x108;
	s8 =	sld [smem:$0x3FA2]  }
0x2e: {  	s3 =	simm.s32 @!p0 $0x1082;
	s9 =	sld [smem:$0x3FA3]  }
0x2f: {  	lr =	sadd.s32 s0, s3;
	s0 =	sld [smem:$0x3F9A]  }
0x30: {  	s3 =	sld [smem:$0x3F9D]  }
0x31: {  	[smem:$0x3FA6] =	sst s10  }
0x32: {  	s10 =	sld [smem:$0x3FA4];
	_ =	sdelay $0x3  }
0x33: {  	p0 =	seq.s32 s10, $0x1;
	s10 =	sld [smem:$0x3FA6];
	_ =	sdelay $0x3  }
0x34: {  	[smem:$0x3FA6] =	sst s10  }
0x35: {  	s10 =	sld [smem:$0x3FA5];
	_ =	sdelay $0x3  }
0x36: {  	p1 =	seq.s32 s10, $0x1;
	s10 =	sld [smem:$0x3FA6];
	_ =	sdelay $0x3  }
0x37: {  	[smem:$0x3FA6] =	sst s10  }
0x38: {  	s10 =	sld [smem:$0x3FA7]  }
0x39: {  	_ = 	snop;
	(pc) =	sbr.ind lr, $3  }
0x3a: {  	_ = 	snop  }
0x3b: {  	_ = 	snop  }
0x3c: {  	p2 =	seq.s32 s10, $0x1;
	s10 =	sld [smem:$0x3FA6]  }
0x3d: {  	_ =	shalt  }
0x3e: {  	_ =	shalt  }
0x3f: {  	_ =	shalt  }
0x40: {  	_ =	shalt  }
0x41: {  	_ =	shalt  }
0x42: {  	_ =	shalt  }
0x43: {  	_ =	shalt  }
0x44: {  	_ =	shalt  }
0x45: {  	_ =	shalt  }
0x46: {  	_ =	shalt  }
0x47: {  	_ =	shalt  }
0x48: {  	_ =	shalt  }
0x49: {  	_ =	shalt  }
0x4a: {  	_ =	shalt  }
0x4b: {  	_ =	shalt  }
0x4c: {  	_ =	shalt  }
0x4d: {  	_ =	shalt  }
0x4e: {  	_ =	shalt  }
0x4f: {  	_ =	shalt  }
0x50: {  	_ =	shalt  }
0x51: {  	_ =	shalt  }
0x52: {  	_ =	shalt  }
0x53: {  	_ =	shalt  }
0x54: {  	_ =	shalt  }
0x55: {  	_ =	shalt  }
0x56: {  	_ =	shalt  }
0x57: {  	_ =	shalt  }
0x58: {  	_ =	shalt  }
0x59: {  	_ =	shalt  }
0x5a: {  	_ =	shalt  }
0x5b: {  	_ =	shalt  }
0x5c: {  	_ =	shalt  }
0x5d: {  	_ =	shalt  }
0x5e: {  	_ =	shalt  }
0x5f: {  	_ =	shalt  }
0x60: {  	_ =	shalt  }
0x61: {  	_ =	shalt  }
0x62: {  	_ =	shalt  }
0x63: {  	_ =	shalt  }
0x64: {  	_ =	shalt  }
0x65: {  	_ =	shalt  }
0x66: {  	_ =	shalt  }
0x67: {  	_ =	shalt  }
0x68: {  	_ =	shalt  }
0x69: {  	_ =	shalt  }
0x6a: {  	_ =	shalt  }
0x6b: {  	_ =	shalt  }
0x6c: {  	_ =	shalt  }
0x6d: {  	_ =	shalt  }
0x6e: {  	_ =	shalt  }
0x6f: {  	_ =	shalt  }
0x70: {  	_ =	shalt  }
0x71: {  	_ =	shalt  }
0x72: {  	_ =	shalt  }
0x73: {  	_ =	shalt  }
0x74: {  	_ =	shalt  }
0x75: {  	_ =	shalt  }
0x76: {  	_ =	shalt  }
0x77: {  	_ =	shalt  }
0x78: {  	_ =	shalt  }
0x79: {  	_ =	shalt  }
0x7a: {  	_ =	shalt  }
0x7b: {  	_ =	shalt  }
0x7c: {  	_ =	shalt  }
0x7d: {  	_ =	shalt  }
0x7e: {  	_ =	shalt  }
0x7f: {  	_ =	shalt  }
0x80: {  	_ =	shalt  }
0x81: {  	_ =	shalt  }
0x82: {  	_ =	shalt  }
0x83: {  	_ =	shalt  }
0x84: {  	_ =	shalt  }
0x85: {  	_ =	shalt  }
0x86: {  	_ =	shalt  }
0x87: {  	_ =	shalt  }
.Lfunc_end0:
.L_simem_size_0:
called_computation_lowered:
.L_overlay_start_0:
0x88: {  	s2 =	sld [smem:$0x3FD9]  }
0x89: {  	s3 =	sld [smem:$0x3FFE];
	_ =	sdelay $0x1  }
0x8a: {  	s1 =	srdreg.scid  }
0x8b: {  	s0 =	sand.u32 $0x1, s1  }
0x8c: {  	s14 =	sshll.u32 s0, $0xA;
	s2 =	sadd.s32 s3, s2  }
0x8d: {  	s2 =	sadd.s32 s2, s14  }
0x8e: {  	[smem:$0x3FB2] =	sst s2  }
0x8f: {  	_ = 	snop  }
0x90: {  	s2 =	sld [smem:$0x3FD0];
	_ =	sdelay $0x2  }
0x91: {  	s15 =	simm.s32 $0xB;
	s4 =	simm.s32 $0x10  }
0x92: {  	[smem:s4], [sflag:s15] =	dma.local [hbm:s2], $0x1  }
0x93: {  	_ =	swait.eq [sflag:s15], $0x1  }
0x94: {  	[sflag:s15] =	ssyncset.done $0x0  }
0x95: {  	s16 =	sld [smem:$0x10];
	[sflag:s15] =	ssyncadd.s32 $0xFFFFFFFF  }
0x96: {  	s17 =	sld [smem:$0x11];
	(tm) =	ssettm $0x1  }
0x97: {  	s18 =	sld [smem:$0x3FFB];
	_ =	sdelay $0x3  }
0x98: {  	_ =	strace s18  }
0x99: {  	s4 =	sld [smem:$0x3FFC];
	_ =	sdelay $0x3  }
0x9a: {  	_ =	strace s4  }
0x9b: {  	s4 =	sld [smem:$0x3FFD];
	_ =	sdelay $0x3  }
0x9c: {  	_ =	strace s4  }
0x9d: {  	_ =	strace $0x8FFFFFFF  }
0x9e: {  	s19 =	sld [smem:$0x3FDB];
	_ =	sdelay $0x1  }
0x9f: {  	s5 =	simm.s32 $_scs_section_size  }
0xa0: {  	s6 =	simm.s32 $_size__tile_overlayer_lowered;
	s7 =	simm.s32 $_tile_overlayer_lowered  }
0xa1: {  	s22 =	simm.s32 $0x1BFF;
	s21 =	sshll.u32 s7, $0x1;
	s4 =	sadd.s32 s5, s19  }
0xa2: {  	s8 =	simm.s32 $0x0;
	s20 =	sshll.u32 s6, $0x1;
	s6 =	sadd.s32 s21, s4  }
0xa3: {  	[timem:s8], [sflag:s22] =	dma.local [hbm:s6], s20  }
0xa4: {  	_ =	swait.ge [sflag:s22], s20  }
0xa5: {  	s5 =	ssub.s32 $0x0, s20;
	[sflag:s22] =	ssyncset.done $0x0  }
0xa6: {  	[sflag:s22] =	ssyncadd.s32 s5;
	_ =	sdelay $0x1  }
0xa7: {  	s23 =	simm.s32 $0x1B8B  }
0xa8: {  	_ =	swait.ge [sflag:s23], $0x1  }
0xa9: {  	[sflag:s23] =	ssyncset.done $0x0  }
0xaa: {  	s25 =	simm.s32 $0x1B8E;
	s24 =	sld [smem:$0x3FFE];
	[sflag:s23] =	ssyncadd.s32 $0xFFFFFFFF  }
0xab: {  	s26 =	simm.s32 $execute0_lowered;
	[smem:$0x3FD2] =	sst s25  }
0xac: {  	s6 =	sshll.u32 s26, $0x1;
	_ =	strace $0x80000046;
	[dreg:$0x1] =	wrdreg $0xFFFFFFFF  }
0xad: {  	s28 =	simm.s32 $_size_execute0_lowered;
	s4 =	sadd.s32 s4, s6;
	[dreg:$0x0] =	wrdreg $0x0  }
0xae: {  	s6 =	sshll.u32 s28, $0x1;
	[dreg:$0x2] =	wrdreg s4  }
0xaf: {  	[dreg:$0x3] =	wrdreg s6  }
0xb0: {  	[dreg:$0x4] =	wrdreg $0xC0  }
0xb1: {  	_ =	task [dreg:s8], $0x5FFFF  }
0xb2: {  	[dreg:$0x1] =	wrdreg $0xFFFFFFFF  }
0xb3: {  	[dreg:$0x0] =	wrdreg $0x60  }
0xb4: {  	[dreg:$0x2] =	wrdreg s17  }
0xb5: {  	[dreg:$0x3] =	wrdreg s16  }
0xb6: {  	[dreg:$0x4] =	wrdreg s24  }
0xb7: {  	[dreg:$0x5] =	wrdreg $0xA  }
0xb8: {  	_ =	task.clear_ibuf [dreg:s8], $0x6FFFF;
	_ =	strace $0x90000046  }
0xb9: {  	s29 =	simm.s32 $0xA;
	_ =	strace $0x80000048  }
0xba: {  	_ =	swait.ge [sflag:s29], $0x1  }
0xbb: {  	[sflag:s29] =	ssyncadd.s32 $0xFFFFFFFF  }
0xbc: {  	_ =	strace $0x90000048  }
0xbd: {  	_ =	sfence  }
0xbe: {  	s30 =	sld [smem:$0x0];
	_ =	sdelay $0x2  }
0xbf: {  	s31 =	sshll.u32 s1, $0xD;
	s1 =	sshrl.u32 s1, $0x2  }
0xc0: {  	s3 =	sand.u32 $0x4000, s31;
	s1 =	sadd.s32 s1, s30  }
0xc1: {  	s0 =	sor.u32 s3, s0;
	s1 =	sshll.u32 s1, $0x11  }
0xc2: {  	s0 =	sor.u32 s1, s0  }
0xc3: {  	s0 =	sadd.s32 $0x8F2B, s0  }
0xc4: {  	[sflag:s0] =	ssyncadd.remote.s32 $0x1  }
0xc5: {  	_ =	sfence.sel $0xFFFF  }
0xc6: {  	[dreg:$0x0] =	wrdreg $0xFFFFFFFF;
	(pc) =	sbr.abs _section_cstart, $3  }
0xc7: {  	[dreg:$0x1] =	wrdreg $0xFFFFFFFF  }
0xc8: {  	_ =	task.clear_ibuf [dreg:s8], $0x2FFFF;
	_ =	strace $0x9FFFFFFF  }
0xc9: {  	(tm) =	ssettm $0x7FFFFFFF  }
tec
execute0_lowered:
.L_overlay_start_1:
0x0: {  	(tag) =	ssettag $0x1  }
0x1: {  	s1 =	rddreg [dreg:$0x0]  }
0x2: {  	s3 =	rddreg [dreg:$0x1]  }
0x3: {  	s8 =	rddreg [dreg:$0x2]  }
0x4: {  	s0 =	rddreg [dreg:$0x3]  }
0x5: {  	s5 =	srdreg.scid;
	s2 =	stileid.u32;
	s4 =	simm.s32 $0x0  }
0x6: {  	s13 =	simm.s32 $0x80;
	s14 =	simm.s32 $0x1;
	s15 =	simm.s32 $0x100  }
0x7: {  	s16 =	simm.s32 $0x4100;
	s17 =	simm.s32 $0x2;
	s18 =	simm.s32 $0x8100  }
0x8: {  	s19 =	simm.s32 $0x8180;
	s20 =	simm.s32 $0x10;
	s21 =	simm.s32 $0x8200  }
0x9: {  	s22 =	simm.s32 $0x8A00;
	s9 =	sand.u32 $0x1, s5;
	s30 =	sshll.u32 s2, $0x1  }
0xa: {  	s23 =	simm.s32 $0x0;
	[smem:$0x7FF] =	sst s4;
	s5 =	sor.u32 s9, s30  }
0xb: {  	s6 =	sadd.s32 $0x5800, s8;
	s9 =	ssub.s32 $0x2, s9;
	s5 =	smul.u32 $0x2710, s5  }
0xc: {  	s7 =	sadd.s32 $0xF600, s8;
	s8 =	sadd.s32 $0x40800, s8;
	s10 =	sshrl.u32 s9, $0x1  }
0xd: {  	_ =	strace $0x80000047;
	s12 =	ssub.s32 s9, s10;
	s11 =	sadd.s32 $0x2700, s5  }
0xe: {  	s12 =	smax.u32 s12, $0x1;
	s31 =	sshrl.u32 s11, $0x3;
	s11 =	sshll.u32 s11, $0x4  }
0xf: {  	s9 =	sadd.s32 s6, s31;
	s10 =	sadd.s32 s7, s31;
	s11 =	sadd.s32 s8, s11  }
.LBB2_1:
0x10: {  	s24 =	simm.s32 $0x0  }
.LBB2_2:
0x11: {  	s25 =	sshll.u32 s24, $0x7  }
0x12: {  	s25 =	sadd.s32 s5, s25  }
0x13: {  	s26 =	sshrl.u32 s25, $0x3  }
0x14: {  	s29 =	simm.s32 $0x0;
	s28 =	sadd.s32 s6, s26  }
0x15: {  	[tilespmem:s29], [sflag:$0x1] =	stream.linear.gather [hbm4b:s28+s29], $0x80, $0x38;
	[tilespmem:$0x9200] =	vst v63  }
0x16: {  	s26 =	sadd.s32 s7, s26  }
0x17: {  	[tilespmem:s13], [sflag:$0x1] =	stream.linear.gather [hbm4b:s26+s29], $0x80, $0x38;
	[tilespmem:$0x9200] =	vst v63  }
0x18: {  	_ =	swait.ge [sflag:s14], $0x80  }
0x19: {  	[sflag:s14] =	ssyncset.done $0x0  }
0x1a: {  	[sflag:s14] =	ssyncadd.s32 $0xFFFFFF80  }
0x1b: {  	_ =	swait.ge [sflag:s14], $0x80  }
0x1c: {  	[sflag:s14] =	ssyncset.done $0x0  }
0x1d: {  	[sflag:s14] =	ssyncadd.s32 $0xFFFFFF80  }
0x1e: {  	[tilespmem:s15], [sflag:$0x1] =	stream.indirect.gather [hbm4b:s1+s13], $0x80, s29, s13, $0xb8;
	[tilespmem:$0x9200] =	vst v63  }
0x1f: {  	_ = 	snop  }
0x20: {  	[tilespmem:s16], [sflag:$0x1] =	stream.indirect.gather [hbm4b:s3+s13], $0x80, s13, s13, $0xb8;
	[tilespmem:$0x9200] =	vst v63  }
0x21: {  	_ =	swait.ge [sflag:s14], $0x4000  }
0x22: {  	[sflag:s14] =	ssyncset.done $0x0  }
0x23: {  	[sflag:s14] =	ssyncadd.s32 $0xFFFFC000  }
0x24: {  	_ =	swait.ge [sflag:s14], $0x4000  }
0x25: {  	[sflag:s14] =	ssyncset.done $0x0  }
0x26: {  	s26 =	simm.s32 $0x0;
	[sflag:s14] =	ssyncadd.s32 $0xFFFFC000  }
0x27: {  	v7 =	vld [tilespmem:s26+$0x4100]  }
0x28: {  	v11 =	vld [tilespmem:s26+$0x4110]  }
0x29: {  	v5 =	vld [tilespmem:s26+$0x4120]  }
0x2a: {  	v4 =	vld [tilespmem:s26+$0x4130]  }
0x2b: {  	v3 =	vld [tilespmem:s26+$0x4140]  }
0x2c: {  	v2 =	vld [tilespmem:s26+$0x4150]  }
0x2d: {  	v1 =	vld [tilespmem:s26+$0x4160]  }
0x2e: {  	v0 =	vld [tilespmem:s26+$0x4170]  }
0x2f: {  	v12 =	vld [tilespmem:s26+$0x100]  }
0x30: {  	v13 =	vld [tilespmem:s26+$0x110]  }
0x31: {  	v10 =	vld [tilespmem:s26+$0x120]  }
0x32: {  	v9 =	vld [tilespmem:s26+$0x130]  }
0x33: {  	v8 =	vld [tilespmem:s26+$0x140]  }
0x34: {  	v6 =	vld [tilespmem:s26+$0x150];
	v12 =	vadd.f32 v7, v12  }
0x35: {  	s28 =	simm.s32 $0x200;
	v11 =	vadd.f32 v11, v13;
	v7 =	vld [tilespmem:s26+$0x160]  }
.LBB2_3:
0x36: {  	s29 =	sshra.s32 s28, $0x2;
	p0 =	sne.s32 s28, $0xFE00;
	[tilespmem:s26+$0x100] =	vst v12;
	v5 =	vadd.f32 v5, v10;
	v10 =	vld [tilespmem:s26+$0x170]  }
0x37: {  	v12 =	vld [tilespmem:s29+$0x4100];
	[tilespmem:s26+$0x110] =	vst v11;
	v4 =	vadd.f32 v4, v9  }
0x38: {  	v11 =	vld [tilespmem:s29+$0x4110];
	[tilespmem:s26+$0x120] =	vst v5;
	v3 =	vadd.f32 v3, v8  }
0x39: {  	v5 =	vld [tilespmem:s29+$0x4120];
	[tilespmem:s26+$0x130] =	vst v4;
	v2 =	vadd.f32 v2, v6  }
0x3a: {  	v4 =	vld [tilespmem:s29+$0x4130];
	[tilespmem:s26+$0x140] =	vst v3;
	v1 =	vadd.f32 v1, v7  }
0x3b: {  	v3 =	vld [tilespmem:s29+$0x4140];
	[tilespmem:s26+$0x150] =	vst v2;
	v0 =	vadd.f32 v0, v10  }
0x3c: {  	v2 =	vld [tilespmem:s29+$0x4150];
	[tilespmem:s26+$0x160] =	vst v1  }
0x3d: {  	v1 =	vld [tilespmem:s29+$0x4160];
	[tilespmem:s26+$0x170] =	vst v0;
	s26 =	smov.u32 s29  }
0x3e: {  	v0 =	vld [tilespmem:s26+$0x4170]  }
0x3f: {  	v6 =	vld [tilespmem:s26+$0x100]  }
0x40: {  	v7 =	vld [tilespmem:s26+$0x110]  }
.Ltmp0:
0x41: {  	v10 =	vld [tilespmem:s26+$0x120];
	(pc) =	sbr.rel @p0 .LBB2_3-.Ltmp0, $4  }
0x42: {  	v9 =	vld [tilespmem:s26+$0x130]  }
0x43: {  	v8 =	vld [tilespmem:s26+$0x140]  }
0x44: {  	v12 =	vadd.f32 v12, v6;
	v6 =	vld [tilespmem:s26+$0x150]  }
0x45: {  	s28 =	sadd.s32 $0x200, s28;
	v11 =	vadd.f32 v11, v7;
	v7 =	vld [tilespmem:s26+$0x160]  }
0x46: {  	[tilespmem:s26+$0x100] =	vst v12;
	v5 =	vadd.f32 v5, v10;
	v63 =	vld [tilespmem:s26+$0x170]  }
0x47: {  	[tilespmem:s26+$0x110] =	vst v11;
	v4 =	vadd.f32 v4, v9  }
0x48: {  	[tilespmem:s26+$0x120] =	vst v5;
	v3 =	vadd.f32 v3, v8  }
0x49: {  	[tilespmem:s26+$0x130] =	vst v4;
	v2 =	vadd.f32 v2, v6  }
0x4a: {  	[tilespmem:s26+$0x140] =	vst v3;
	v1 =	vadd.f32 v1, v7  }
0x4b: {  	s24 =	sadd.s32 $0x1, s24;
	[tilespmem:s26+$0x150] =	vst v2;
	v0 =	vadd.f32 v0, v63  }
0x4c: {  	s25 =	sshll.u32 s25, $0x4;
	p0 =	sne.s32 s24, $0x4E;
	[tilespmem:s26+$0x160] =	vst v1  }
.Ltmp1:
0x4d: {  	s25 =	sadd.s32 s8, s25;
	[tilespmem:s26+$0x170] =	vst v0;
	(pc) =	sbr.rel @p0 .LBB2_2-.Ltmp1, $4  }
0x4e: {  	[hbm4b:s25+s4] =	stream.linear.scatter [tilespmem:s15], [sflag:$0x2], $0x4000, $0x38;
	[tilespmem:$0x9200] =	vst v63  }
0x4f: {  	_ =	swait.ge [sflag:s17], $0x4000  }
0x50: {  	[sflag:s17] =	ssyncset.done $0x0  }
0x51: {  	[sflag:s17] =	ssyncadd.s32 $0xFFFFC000  }
0x52: {  	s24 =	simm.s32 $0x0  }
0x53: {  	[tilespmem:s18], [sflag:$0x1] =	stream.linear.gather [hbm4b:s9+s24], $0x10, $0x38;
	[tilespmem:$0x9200] =	vst v63  }
0x54: {  	_ = 	snop  }
0x55: {  	[tilespmem:s19], [sflag:$0x1] =	stream.linear.gather [hbm4b:s10+s24], $0x10, $0x38;
	[tilespmem:$0x9200] =	vst v63  }
0x56: {  	_ =	swait.ge [sflag:s14], $0x10  }
0x57: {  	[sflag:s14] =	ssyncset.done $0x0  }
0x58: {  	[sflag:s14] =	ssyncadd.s32 $0xFFFFFFF0  }
0x59: {  	_ =	swait.ge [sflag:s14], $0x10  }
0x5a: {  	[sflag:s14] =	ssyncset.done $0x0  }
0x5b: {  	[sflag:s14] =	ssyncadd.s32 $0xFFFFFFF0  }
0x5c: {  	[tilespmem:s21], [sflag:$0x1] =	stream.indirect.gather [hbm4b:s1+s20], $0x80, s18, s20, $0xb8;
	[tilespmem:$0x9200] =	vst v63  }
0x5d: {  	_ = 	snop  }
0x5e: {  	[tilespmem:s22], [sflag:$0x1] =	stream.indirect.gather [hbm4b:s3+s20], $0x80, s19, s20, $0xb8;
	[tilespmem:$0x9200] =	vst v63  }
0x5f: {  	_ =	swait.ge [sflag:s14], $0x800  }
0x60: {  	[sflag:s14] =	ssyncset.done $0x0  }
0x61: {  	[sflag:s14] =	ssyncadd.s32 $0xFFFFF800  }
0x62: {  	_ =	swait.ge [sflag:s14], $0x800  }
0x63: {  	[sflag:s14] =	ssyncset.done $0x0  }
0x64: {  	s24 =	simm.s32 $0x0;
	[sflag:s14] =	ssyncadd.s32 $0xFFFFF800  }
0x65: {  	v7 =	vld [tilespmem:s24+$0x8A00]  }
0x66: {  	v11 =	vld [tilespmem:s24+$0x8A10]  }
0x67: {  	v5 =	vld [tilespmem:s24+$0x8A20]  }
0x68: {  	v4 =	vld [tilespmem:s24+$0x8A30]  }
0x69: {  	v3 =	vld [tilespmem:s24+$0x8A40]  }
0x6a: {  	v2 =	vld [tilespmem:s24+$0x8A50]  }
0x6b: {  	v1 =	vld [tilespmem:s24+$0x8A60]  }
0x6c: {  	v0 =	vld [tilespmem:s24+$0x8A70]  }
0x6d: {  	v12 =	vld [tilespmem:s24+$0x8200]  }
0x6e: {  	v13 =	vld [tilespmem:s24+$0x8210]  }
0x6f: {  	v10 =	vld [tilespmem:s24+$0x8220]  }
0x70: {  	v9 =	vld [tilespmem:s24+$0x8230]  }
0x71: {  	v8 =	vld [tilespmem:s24+$0x8240]  }
0x72: {  	v6 =	vld [tilespmem:s24+$0x8250];
	v12 =	vadd.f32 v7, v12  }
0x73: {  	s25 =	simm.s32 $0x200;
	v11 =	vadd.f32 v11, v13;
	v7 =	vld [tilespmem:s24+$0x8260]  }
.LBB2_6:
0x74: {  	s26 =	sshra.s32 s25, $0x2;
	p0 =	sne.s32 s25, $0x1E00;
	[tilespmem:s24+$0x8200] =	vst v12;
	v5 =	vadd.f32 v5, v10;
	v10 =	vld [tilespmem:s24+$0x8270]  }
0x75: {  	v12 =	vld [tilespmem:s26+$0x8A00];
	[tilespmem:s24+$0x8210] =	vst v11;
	v4 =	vadd.f32 v4, v9  }
0x76: {  	v11 =	vld [tilespmem:s26+$0x8A10];
	[tilespmem:s24+$0x8220] =	vst v5;
	v3 =	vadd.f32 v3, v8  }
0x77: {  	v5 =	vld [tilespmem:s26+$0x8A20];
	[tilespmem:s24+$0x8230] =	vst v4;
	v2 =	vadd.f32 v2, v6  }
0x78: {  	v4 =	vld [tilespmem:s26+$0x8A30];
	[tilespmem:s24+$0x8240] =	vst v3;
	v1 =	vadd.f32 v1, v7  }
0x79: {  	v3 =	vld [tilespmem:s26+$0x8A40];
	[tilespmem:s24+$0x8250] =	vst v2;
	v0 =	vadd.f32 v0, v10  }
0x7a: {  	v2 =	vld [tilespmem:s26+$0x8A50];
	[tilespmem:s24+$0x8260] =	vst v1  }
0x7b: {  	v1 =	vld [tilespmem:s26+$0x8A60];
	[tilespmem:s24+$0x8270] =	vst v0;
	s24 =	smov.u32 s26  }
0x7c: {  	v0 =	vld [tilespmem:s24+$0x8A70]  }
0x7d: {  	v6 =	vld [tilespmem:s24+$0x8200]  }
0x7e: {  	v7 =	vld [tilespmem:s24+$0x8210]  }
.Ltmp2:
0x7f: {  	v10 =	vld [tilespmem:s24+$0x8220];
	(pc) =	sbr.rel @p0 .LBB2_6-.Ltmp2, $4  }
0x80: {  	v9 =	vld [tilespmem:s24+$0x8230]  }
0x81: {  	v8 =	vld [tilespmem:s24+$0x8240]  }
0x82: {  	v12 =	vadd.f32 v12, v6;
	v6 =	vld [tilespmem:s24+$0x8250]  }
0x83: {  	s25 =	sadd.s32 $0x200, s25;
	v11 =	vadd.f32 v11, v7;
	v7 =	vld [tilespmem:s24+$0x8260]  }
0x84: {  	[tilespmem:s24+$0x8200] =	vst v12;
	v5 =	vadd.f32 v5, v10;
	v63 =	vld [tilespmem:s24+$0x8270]  }
0x85: {  	[tilespmem:s24+$0x8210] =	vst v11;
	v4 =	vadd.f32 v4, v9  }
0x86: {  	[tilespmem:s24+$0x8220] =	vst v5;
	v3 =	vadd.f32 v3, v8  }
0x87: {  	[tilespmem:s24+$0x8230] =	vst v4;
	v2 =	vadd.f32 v2, v6  }
0x88: {  	[tilespmem:s24+$0x8240] =	vst v3;
	v1 =	vadd.f32 v1, v7  }
0x89: {  	s23 =	sadd.s32 $0x1, s23;
	[tilespmem:s24+$0x8250] =	vst v2;
	v0 =	vadd.f32 v0, v63  }
0x8a: {  	p0 =	sne.s32 s23, s12;
	[tilespmem:s24+$0x8260] =	vst v1  }
.Ltmp3:
0x8b: {  	[tilespmem:s24+$0x8270] =	vst v0;
	(pc) =	sbr.rel @p0 .LBB2_1-.Ltmp3, $4  }
0x8c: {  	[hbm4b:s11+s4] =	stream.linear.scatter [tilespmem:s21], [sflag:$0x2], $0x800, $0x38;
	[tilespmem:$0x9200] =	vst v63  }
0x8d: {  	_ =	swait.ge [sflag:s17], $0x800  }
0x8e: {  	[sflag:s17] =	ssyncset.done $0x0  }
0x8f: {  	[sflag:s17] =	ssyncadd.s32 $0xFFFFF800  }
0x90: {  	_ =	sfence.sel $0x180000  }
0x91: {  	[bflag:$0x0] =	sbarrier.arrive $0xFFFF  }
0x92: {  	p0 =	sne.s32 s2, $0x0;
	_ =	strace $0x90000047  }
0x93: {  	s0 =	sadd.s32 @!p0 $0x100000, s0;
	[bflag:$0x2] =	sbarrier.arrive $0xFFFF  }
0x94: {  	[sflag:s0] =	ssyncadd.tile.s32 @!p0 $0x1;
	_ =	shalt  }
.Lfunc_end2:
_tile_overlayer_lowered:
.L_overlay_start_2:
0x95: {  	(tag) =	ssettag $0x2  }
0x96: {  	s0 =	rddreg [dreg:$0x0];
	s2 =	stileid.u32  }
0x97: {  	s1 =	rddreg [dreg:$0x1];
	p0 =	sne.s32 s2, $0x0  }
0x98: {  	s3 =	rddreg [dreg:$0x2];
	[bflag:$0x3] =	sbarrier.arrive $0xFFFF;
	s2 =	simm.s32 @!p0 $0x1C02  }
0x99: {  	[timem:s3], [sflag:s2] =	dma.local @!p0 [hbm:s0], s1  }
0x9a: {  	s0 =	simm.s32 @!p0 $0x2  }
0x9b: {  	_ =	swait.ge @!p0 [sflag:s0], s1  }
0x9c: {  	s1 =	ssub.s32 @!p0 $0x0, s1;
	[sflag:s0] =	ssyncset.done @!p0 $0x0  }
0x9d: {  	[sflag:s0] =	ssyncadd.s32 @!p0 s1  }
0x9e: {  	[bflag:$0x3] =	sbarrier.arrive $0xFFFF  }
0x9f: {  	_ =	shalt  }

</sc_bundles>
